<compile_context>
chip_gen: v7x
topology: tpu7x:2x2x1
jax: 0.10.2.dev20260603
libtpu: 0.0.44.dev20260713+nightly
codegen_flags: <defaults>
</compile_context>

<pallas_src>
import functools

import jax
import jax.numpy as jnp
from jax import lax
from jax.experimental import pallas as pl
from jax.experimental.pallas import tpu as pltpu
from jax.experimental.pallas import tpu_sc as plsc

_D = 32
_NW = 32
_BB = 4
_NBUF = 8


def _sc_gather(x_flat, table, bsz, fields):
    n = x_flat.shape[0]
    ch = _BB * fields
    per_w = n // _NW
    steps = per_w // ch
    groups = steps // _NBUF
    b_per_w = bsz // _NW
    mesh = plsc.VectorSubcoreMesh(core_axis_name="c", subcore_axis_name="s")

    @functools.partial(
        pl.kernel,
        mesh=mesh,
        out_type=jax.ShapeDtypeStruct((bsz, 32, 128), jnp.float32),
        scratch_types=[
            pltpu.VMEM((per_w,), jnp.int32),
            pltpu.VMEM((_NBUF, ch, _D), jnp.float32),
            pltpu.SemaphoreType.DMA((_NBUF,)),
            pltpu.SemaphoreType.DMA((_NBUF,)),
        ],
        compiler_params=pltpu.CompilerParams(use_tc_tiling_on_sc=False),
    )
    def k(x_hbm, tab_hbm, out_hbm, idx_v, rows_v, gsem, osem):
        wid = lax.axis_index("s") * 2 + lax.axis_index("c")
        base = wid * per_w
        bbase = wid * b_per_w
        pltpu.sync_copy(x_hbm.at[pl.ds(base, per_w)], idx_v)

        def group(g, carry):
            j0 = g * _NBUF
            for b in range(_NBUF):
                pltpu.async_copy(
                    tab_hbm.at[idx_v.at[pl.ds((j0 + b) * ch, ch)]],
                    rows_v.at[b],
                    gsem.at[b],
                )
            for b in range(_NBUF):
                j = j0 + b
                pltpu.make_async_copy(
                    tab_hbm.at[idx_v.at[pl.ds(j * ch, ch)]],
                    rows_v.at[b],
                    gsem.at[b],
                ).wait()
                for r in range(_BB):
                    pltpu.async_copy(
                        rows_v.at[b].at[pl.ds(r * fields, fields)],
                        out_hbm.at[bbase + j * _BB + r, pl.ds(0, fields), pl.ds(0, _D)],
                        osem.at[b],
                    )
            for b in range(_NBUF):
                j = j0 + b
                for r in range(_BB):
                    pltpu.make_async_copy(
                        rows_v.at[b].at[pl.ds(r * fields, fields)],
                        out_hbm.at[bbase + j * _BB + r, pl.ds(0, fields), pl.ds(0, _D)],
                        osem.at[b],
                    ).wait()
            return carry

        lax.fori_loop(0, groups, group, 0)

    return k(x_flat, table)


def kernel(x, table):
    b, f = x.shape
    out = _sc_gather(x.reshape(-1), table, b, f)
    return out[:, :f, :_D]

# --- scband reference (transcript-rebuilt; emitter-appended) ---
"""Pipeline reference for scband-embedding-layer-34153579937969 (READ-ONLY COPY).

The authoritative reference and input builder live on the scoring server;
editing this copy changes nothing except your own understanding.
"""

import jax, jax.numpy as jnp
import numpy as np

EMBEDDING_N = 1000000
EMBEDDING_DIM = 32
BATCH = 16384
FIELDS = 26

def setup_inputs(seed: int = 0) -> dict:
    key = jax.random.key(seed)
    k1, k2 = jax.random.split(key)
    x = jax.random.randint(k1, (BATCH, FIELDS), 0, EMBEDDING_N, dtype=jnp.int32)
    table = jax.random.normal(k2, (EMBEDDING_N, EMBEDDING_DIM), dtype=jnp.float32)
    return {"x": x, "table": table}

def reference(x, table):
    # embedding_shape = -1, so no interval offset is applied (only when embedding_shape < -1)
    emb = jnp.take(table, x, axis=0)  # [B, F, C]
    # reshape: x.shape[:embedding_shape] + (-1,) with embedding_shape=-1 -> [B, F, C] (no-op collapse of last dim)
    out = emb.reshape(emb.shape[:-1] + (-1,))
    return out

if __name__ == "__main__":
    import jax
    _d = setup_inputs()
    print(jax.jit(kernel)(*tuple(_d.values())))

</pallas_src>

<mosaic_0001>
#map = affine_map<(d0, d1) -> (0)>
#map1 = affine_map<(d0, d1) -> (0, 0)>
#map2 = affine_map<(d0, d1) -> (0, 0, 0)>
module attributes {stable_mosaic.version = 14 : i64} {
  func.func @k(%arg0: i32, %arg1: i32, %arg2: memref<425984xi32, #tpu.memory_space<hbm>>, %arg3: memref<1000000x32xf32, #tpu.memory_space<hbm>>, %arg4: memref<16384x32x128xf32, #tpu.memory_space<hbm>>, %arg5: memref<13312xi32, #tpu.memory_space<vmem>>, %arg6: memref<8x104x32xf32, #tpu.memory_space<vmem>>, %arg7: memref<8x!tpu.dma_semaphore, #tpu.memory_space<semaphore_mem>>, %arg8: memref<8x!tpu.dma_semaphore, #tpu.memory_space<semaphore_mem>>) attributes {dimension_semantics = [#tpu.dimension_semantics<core_parallel>, #tpu.dimension_semantics<subcore_parallel>], iteration_bounds = array<i64: 2, 16>, scalar_prefetch = 0 : i64, scratch_operands = 4 : i64, tpu.core_type = #tpu.core_type<sc_vector_subcore>, window_params = [{transform_indices = #map}, {transform_indices = #map1}, {transform_indices = #map2}]} {
    %mul3A = arith.constant 2 : i32
    %mul3A_0 = arith.muli %arg1, %mul3A : i32
    %add3A = arith.addi %mul3A_0, %arg0 : i32
    %mul3A_1 = arith.constant 13312 : i32
    %mul3A_2 = arith.muli %add3A, %mul3A_1 : i32
    %mul3A_3 = arith.constant 512 : i32
    %mul3A_4 = arith.muli %add3A, %mul3A_3 : i32
    "tpu.region"() ({
      %run_scoped3A = tpu.sem_alloc : memref<!tpu.dma_semaphore, #tpu.memory_space<semaphore_mem>>
      %dma_start3A = tpu.memref_slice %arg2[%mul3A_2] : memref<425984xi32, #tpu.memory_space<hbm>> -> memref<13312xi32, #tpu.memory_space<hbm>>
      %dma_start3A_10 = tpu.memref_slice %arg2[%mul3A_2] : memref<425984xi32, #tpu.memory_space<hbm>> -> memref<13312xi32, #tpu.memory_space<hbm>>
      tpu.enqueue_dma source(%dma_start3A_10 : memref<13312xi32, #tpu.memory_space<hbm>>) target(%arg5 : memref<13312xi32, #tpu.memory_space<vmem>>) target_semaphore(%run_scoped3A : memref<!tpu.dma_semaphore, #tpu.memory_space<semaphore_mem>>)
      %dma_wait3A = tpu.memref_slice %arg2[%mul3A_2] : memref<425984xi32, #tpu.memory_space<hbm>> -> memref<13312xi32, #tpu.memory_space<hbm>>
      %dma_wait3A_11 = tpu.memref_slice %arg2[%mul3A_2] : memref<425984xi32, #tpu.memory_space<hbm>> -> memref<13312xi32, #tpu.memory_space<hbm>>
      tpu.wait_dma2 semaphore(%run_scoped3A : memref<!tpu.dma_semaphore, #tpu.memory_space<semaphore_mem>>) src(%dma_wait3A_11 : memref<13312xi32, #tpu.memory_space<hbm>>) dst(%arg5 : memref<13312xi32, #tpu.memory_space<vmem>>)
      tpu.yield
    }) : () -> ()
    %scan3A = arith.constant 0 : i32
    %scan3A_5 = arith.constant 0 : i32
    %scan3A_6 = arith.constant 16 : i32
    %scan3A_7 = arith.addi %scan3A_5, %scan3A_6 : i32
    %scan3A_8 = arith.constant 1 : i32
    scf.for %scan3A_10 = %scan3A_5 to %scan3A_7 step %scan3A_8  : i32 {
      %mul3A_11 = arith.constant 8 : i32
      %mul3A_12 = arith.muli %scan3A_10, %mul3A_11 : i32
      %add3A_13 = arith.constant 0 : i32
      %add3A_14 = arith.addi %mul3A_12, %add3A_13 : i32
      %mul3A_15 = arith.constant 104 : i32
      %mul3A_16 = arith.muli %add3A_14, %mul3A_15 : i32
      %dma_start3A = arith.constant 0 : i32
      %dma_start3A_17 = arith.constant 0 : i32
      %dma_start3A_18 = arith.constant 0 : i32
      %dma_start3A_19 = arith.constant 0 : i32
      %dma_start3A_20 = tpu.memref_slice %arg6[%dma_start3A, %dma_start3A_18, %dma_start3A_19] : memref<8x104x32xf32, #tpu.memory_space<vmem>> -> memref<1x104x32xf32, #tpu.memory_space<vmem>>
      %dma_start3A_21 = tpu.memref_squeeze %dma_start3A_20 : memref<1x104x32xf32, #tpu.memory_space<vmem>> -> memref<104x32xf32, #tpu.memory_space<vmem>>
      %dma_start3A_22 = tpu.memref_slice %arg5[%mul3A_16] : memref<13312xi32, #tpu.memory_space<vmem>> -> memref<104xi32, #tpu.memory_space<vmem>>
      %dma_start3A_23 = arith.constant 0 : i32
      %dma_start3A_24 = arith.constant 0 : i32
      %dma_start3A_25 = tpu.memref_slice %arg3[%dma_start3A_23, %dma_start3A_24] : memref<1000000x32xf32, #tpu.memory_space<hbm>> -> memref<1000000x32xf32, #tpu.memory_space<hbm>>
      %dma_start3A_26 = tpu.memref_slice %arg7[%dma_start3A_17] : memref<8x!tpu.dma_semaphore, #tpu.memory_space<semaphore_mem>> -> memref<1x!tpu.dma_semaphore, #tpu.memory_space<semaphore_mem>>
      %dma_start3A_27 = tpu.memref_squeeze %dma_start3A_26 : memref<1x!tpu.dma_semaphore, #tpu.memory_space<semaphore_mem>> -> memref<!tpu.dma_semaphore, #tpu.memory_space<semaphore_mem>>
      tpu.enqueue_indirect_dma source(%dma_start3A_25 : memref<1000000x32xf32, #tpu.memory_space<hbm>>) target(%dma_start3A_21 : memref<104x32xf32, #tpu.memory_space<vmem>>) offsets(%dma_start3A_22 : memref<104xi32, #tpu.memory_space<vmem>>) semaphore(%dma_start3A_27 : memref<!tpu.dma_semaphore, #tpu.memory_space<semaphore_mem>>)
      %add3A_28 = arith.constant 1 : i32
      %add3A_29 = arith.addi %mul3A_12, %add3A_28 : i32
      %mul3A_30 = arith.constant 104 : i32
      %mul3A_31 = arith.muli %add3A_29, %mul3A_30 : i32
      %dma_start3A_32 = arith.constant 1 : i32
      %dma_start3A_33 = arith.constant 1 : i32
      %dma_start3A_34 = arith.constant 0 : i32
      %dma_start3A_35 = arith.constant 0 : i32
      %dma_start3A_36 = tpu.memref_slice %arg6[%dma_start3A_32, %dma_start3A_34, %dma_start3A_35] : memref<8x104x32xf32, #tpu.memory_space<vmem>> -> memref<1x104x32xf32, #tpu.memory_space<vmem>>
      %dma_start3A_37 = tpu.memref_squeeze %dma_start3A_36 : memref<1x104x32xf32, #tpu.memory_space<vmem>> -> memref<104x32xf32, #tpu.memory_space<vmem>>
      %dma_start3A_38 = tpu.memref_slice %arg5[%mul3A_31] : memref<13312xi32, #tpu.memory_space<vmem>> -> memref<104xi32, #tpu.memory_space<vmem>>
      %dma_start3A_39 = arith.constant 0 : i32
      %dma_start3A_40 = arith.constant 0 : i32
      %dma_start3A_41 = tpu.memref_slice %arg3[%dma_start3A_39, %dma_start3A_40] : memref<1000000x32xf32, #tpu.memory_space<hbm>> -> memref<1000000x32xf32, #tpu.memory_space<hbm>>
      %dma_start3A_42 = tpu.memref_slice %arg7[%dma_start3A_33] : memref<8x!tpu.dma_semaphore, #tpu.memory_space<semaphore_mem>> -> memref<1x!tpu.dma_semaphore, #tpu.memory_space<semaphore_mem>>
      %dma_start3A_43 = tpu.memref_squeeze %dma_start3A_42 : memref<1x!tpu.dma_semaphore, #tpu.memory_space<semaphore_mem>> -> memref<!tpu.dma_semaphore, #tpu.memory_space<semaphore_mem>>
      tpu.enqueue_indirect_dma source(%dma_start3A_41 : memref<1000000x32xf32, #tpu.memory_space<hbm>>) target(%dma_start3A_37 : memref<104x32xf32, #tpu.memory_space<vmem>>) offsets(%dma_start3A_38 : memref<104xi32, #tpu.memory_space<vmem>>) semaphore(%dma_start3A_43 : memref<!tpu.dma_semaphore, #tpu.memory_space<semaphore_mem>>)
      %add3A_44 = arith.constant 2 : i32
      %add3A_45 = arith.addi %mul3A_12, %add3A_44 : i32
      %mul3A_46 = arith.constant 104 : i32
      %mul3A_47 = arith.muli %add3A_45, %mul3A_46 : i32
      %dma_start3A_48 = arith.constant 2 : i32
      %dma_start3A_49 = arith.constant 2 : i32
      %dma_start3A_50 = arith.constant 0 : i32
      %dma_start3A_51 = arith.constant 0 : i32
      %dma_start3A_52 = tpu.memref_slice %arg6[%dma_start3A_48, %dma_start3A_50, %dma_start3A_51] : memref<8x104x32xf32, #tpu.memory_space<vmem>> -> memref<1x104x32xf32, #tpu.memory_space<vmem>>
      %dma_start3A_53 = tpu.memref_squeeze %dma_start3A_52 : memref<1x104x32xf32, #tpu.memory_space<vmem>> -> memref<104x32xf32, #tpu.memory_space<vmem>>
      %dma_start3A_54 = tpu.memref_slice %arg5[%mul3A_47] : memref<13312xi32, #tpu.memory_space<vmem>> -> memref<104xi32, #tpu.memory_space<vmem>>
      %dma_start3A_55 = arith.constant 0 : i32
      %dma_start3A_56 = arith.constant 0 : i32
      %dma_start3A_57 = tpu.memref_slice %arg3[%dma_start3A_55, %dma_start3A_56] : memref<1000000x32xf32, #tpu.memory_space<hbm>> -> memref<1000000x32xf32, #tpu.memory_space<hbm>>
      %dma_start3A_58 = tpu.memref_slice %arg7[%dma_start3A_49] : memref<8x!tpu.dma_semaphore, #tpu.memory_space<semaphore_mem>> -> memref<1x!tpu.dma_semaphore, #tpu.memory_space<semaphore_mem>>
      %dma_start3A_59 = tpu.memref_squeeze %dma_start3A_58 : memref<1x!tpu.dma_semaphore, #tpu.memory_space<semaphore_mem>> -> memref<!tpu.dma_semaphore, #tpu.memory_space<semaphore_mem>>
      tpu.enqueue_indirect_dma source(%dma_start3A_57 : memref<1000000x32xf32, #tpu.memory_space<hbm>>) target(%dma_start3A_53 : memref<104x32xf32, #tpu.memory_space<vmem>>) offsets(%dma_start3A_54 : memref<104xi32, #tpu.memory_space<vmem>>) semaphore(%dma_start3A_59 : memref<!tpu.dma_semaphore, #tpu.memory_space<semaphore_mem>>)
      %add3A_60 = arith.constant 3 : i32
      %add3A_61 = arith.addi %mul3A_12, %add3A_60 : i32
      %mul3A_62 = arith.constant 104 : i32
      %mul3A_63 = arith.muli %add3A_61, %mul3A_62 : i32
      %dma_start3A_64 = arith.constant 3 : i32
      %dma_start3A_65 = arith.constant 3 : i32
      %dma_start3A_66 = arith.constant 0 : i32
      %dma_start3A_67 = arith.constant 0 : i32
      %dma_start3A_68 = tpu.memref_slice %arg6[%dma_start3A_64, %dma_start3A_66, %dma_start3A_67] : memref<8x104x32xf32, #tpu.memory_space<vmem>> -> memref<1x104x32xf32, #tpu.memory_space<vmem>>
      %dma_start3A_69 = tpu.memref_squeeze %dma_start3A_68 : memref<1x104x32xf32, #tpu.memory_space<vmem>> -> memref<104x32xf32, #tpu.memory_space<vmem>>
      %dma_start3A_70 = tpu.memref_slice %arg5[%mul3A_63] : memref<13312xi32, #tpu.memory_space<vmem>> -> memref<104xi32, #tpu.memory_space<vmem>>
      %dma_start3A_71 = arith.constant 0 : i32
      %dma_start3A_72 = arith.constant 0 : i32
      %dma_start3A_73 = tpu.memref_slice %arg3[%dma_start3A_71, %dma_start3A_72] : memref<1000000x32xf32, #tpu.memory_space<hbm>> -> memref<1000000x32xf32, #tpu.memory_space<hbm>>
      %dma_start3A_74 = tpu.memref_slice %arg7[%dma_start3A_65] : memref<8x!tpu.dma_semaphore, #tpu.memory_space<semaphore_mem>> -> memref<1x!tpu.dma_semaphore, #tpu.memory_space<semaphore_mem>>
      %dma_start3A_75 = tpu.memref_squeeze %dma_start3A_74 : memref<1x!tpu.dma_semaphore, #tpu.memory_space<semaphore_mem>> -> memref<!tpu.dma_semaphore, #tpu.memory_space<semaphore_mem>>
      tpu.enqueue_indirect_dma source(%dma_start3A_73 : memref<1000000x32xf32, #tpu.memory_space<hbm>>) target(%dma_start3A_69 : memref<104x32xf32, #tpu.memory_space<vmem>>) offsets(%dma_start3A_70 : memref<104xi32, #tpu.memory_space<vmem>>) semaphore(%dma_start3A_75 : memref<!tpu.dma_semaphore, #tpu.memory_space<semaphore_mem>>)
      %add3A_76 = arith.constant 4 : i32
      %add3A_77 = arith.addi %mul3A_12, %add3A_76 : i32
      %mul3A_78 = arith.constant 104 : i32
      %mul3A_79 = arith.muli %add3A_77, %mul3A_78 : i32
      %dma_start3A_80 = arith.constant 4 : i32
      %dma_start3A_81 = arith.constant 4 : i32
      %dma_start3A_82 = arith.constant 0 : i32
      %dma_start3A_83 = arith.constant 0 : i32
      %dma_start3A_84 = tpu.memref_slice %arg6[%dma_start3A_80, %dma_start3A_82, %dma_start3A_83] : memref<8x104x32xf32, #tpu.memory_space<vmem>> -> memref<1x104x32xf32, #tpu.memory_space<vmem>>
      %dma_start3A_85 = tpu.memref_squeeze %dma_start3A_84 : memref<1x104x32xf32, #tpu.memory_space<vmem>> -> memref<104x32xf32, #tpu.memory_space<vmem>>
      %dma_start3A_86 = tpu.memref_slice %arg5[%mul3A_79] : memref<13312xi32, #tpu.memory_space<vmem>> -> memref<104xi32, #tpu.memory_space<vmem>>
      %dma_start3A_87 = arith.constant 0 : i32
      %dma_start3A_88 = arith.constant 0 : i32
      %dma_start3A_89 = tpu.memref_slice %arg3[%dma_start3A_87, %dma_start3A_88] : memref<1000000x32xf32, #tpu.memory_space<hbm>> -> memref<1000000x32xf32, #tpu.memory_space<hbm>>
      %dma_start3A_90 = tpu.memref_slice %arg7[%dma_start3A_81] : memref<8x!tpu.dma_semaphore, #tpu.memory_space<semaphore_mem>> -> memref<1x!tpu.dma_semaphore, #tpu.memory_space<semaphore_mem>>
      %dma_start3A_91 = tpu.memref_squeeze %dma_start3A_90 : memref<1x!tpu.dma_semaphore, #tpu.memory_space<semaphore_mem>> -> memref<!tpu.dma_semaphore, #tpu.memory_space<semaphore_mem>>
      tpu.enqueue_indirect_dma source(%dma_start3A_89 : memref<1000000x32xf32, #tpu.memory_space<hbm>>) target(%dma_start3A_85 : memref<104x32xf32, #tpu.memory_space<vmem>>) offsets(%dma_start3A_86 : memref<104xi32, #tpu.memory_space<vmem>>) semaphore(%dma_start3A_91 : memref<!tpu.dma_semaphore, #tpu.memory_space<semaphore_mem>>)
      %add3A_92 = arith.constant 5 : i32
      %add3A_93 = arith.addi %mul3A_12, %add3A_92 : i32
      %mul3A_94 = arith.constant 104 : i32
      %mul3A_95 = arith.muli %add3A_93, %mul3A_94 : i32
      %dma_start3A_96 = arith.constant 5 : i32
      %dma_start3A_97 = arith.constant 5 : i32
      %dma_start3A_98 = arith.constant 0 : i32
      %dma_start3A_99 = arith.constant 0 : i32
      %dma_start3A_100 = tpu.memref_slice %arg6[%dma_start3A_96, %dma_start3A_98, %dma_start3A_99] : memref<8x104x32xf32, #tpu.memory_space<vmem>> -> memref<1x104x32xf32, #tpu.memory_space<vmem>>
      %dma_start3A_101 = tpu.memref_squeeze %dma_start3A_100 : memref<1x104x32xf32, #tpu.memory_space<vmem>> -> memref<104x32xf32, #tpu.memory_space<vmem>>
      %dma_start3A_102 = tpu.memref_slice %arg5[%mul3A_95] : memref<13312xi32, #tpu.memory_space<vmem>> -> memref<104xi32, #tpu.memory_space<vmem>>
      %dma_start3A_103 = arith.constant 0 : i32
      %dma_start3A_104 = arith.constant 0 : i32
      %dma_start3A_105 = tpu.memref_slice %arg3[%dma_start3A_103, %dma_start3A_104] : memref<1000000x32xf32, #tpu.memory_space<hbm>> -> memref<1000000x32xf32, #tpu.memory_space<hbm>>
      %dma_start3A_106 = tpu.memref_slice %arg7[%dma_start3A_97] : memref<8x!tpu.dma_semaphore, #tpu.memory_space<semaphore_mem>> -> memref<1x!tpu.dma_semaphore, #tpu.memory_space<semaphore_mem>>
      %dma_start3A_107 = tpu.memref_squeeze %dma_start3A_106 : memref<1x!tpu.dma_semaphore, #tpu.memory_space<semaphore_mem>> -> memref<!tpu.dma_semaphore, #tpu.memory_space<semaphore_mem>>
      tpu.enqueue_indirect_dma source(%dma_start3A_105 : memref<1000000x32xf32, #tpu.memory_space<hbm>>) target(%dma_start3A_101 : memref<104x32xf32, #tpu.memory_space<vmem>>) offsets(%dma_start3A_102 : memref<104xi32, #tpu.memory_space<vmem>>) semaphore(%dma_start3A_107 : memref<!tpu.dma_semaphore, #tpu.memory_space<semaphore_mem>>)
      %add3A_108 = arith.constant 6 : i32
      %add3A_109 = arith.addi %mul3A_12, %add3A_108 : i32
      %mul3A_110 = arith.constant 104 : i32
      %mul3A_111 = arith.muli %add3A_109, %mul3A_110 : i32
      %dma_start3A_112 = arith.constant 6 : i32
      %dma_start3A_113 = arith.constant 6 : i32
      %dma_start3A_114 = arith.constant 0 : i32
      %dma_start3A_115 = arith.constant 0 : i32
      %dma_start3A_116 = tpu.memref_slice %arg6[%dma_start3A_112, %dma_start3A_114, %dma_start3A_115] : memref<8x104x32xf32, #tpu.memory_space<vmem>> -> memref<1x104x32xf32, #tpu.memory_space<vmem>>
      %dma_start3A_117 = tpu.memref_squeeze %dma_start3A_116 : memref<1x104x32xf32, #tpu.memory_space<vmem>> -> memref<104x32xf32, #tpu.memory_space<vmem>>
      %dma_start3A_118 = tpu.memref_slice %arg5[%mul3A_111] : memref<13312xi32, #tpu.memory_space<vmem>> -> memref<104xi32, #tpu.memory_space<vmem>>
      %dma_start3A_119 = arith.constant 0 : i32
      %dma_start3A_120 = arith.constant 0 : i32
      %dma_start3A_121 = tpu.memref_slice %arg3[%dma_start3A_119, %dma_start3A_120] : memref<1000000x32xf32, #tpu.memory_space<hbm>> -> memref<1000000x32xf32, #tpu.memory_space<hbm>>
      %dma_start3A_122 = tpu.memref_slice %arg7[%dma_start3A_113] : memref<8x!tpu.dma_semaphore, #tpu.memory_space<semaphore_mem>> -> memref<1x!tpu.dma_semaphore, #tpu.memory_space<semaphore_mem>>
      %dma_start3A_123 = tpu.memref_squeeze %dma_start3A_122 : memref<1x!tpu.dma_semaphore, #tpu.memory_space<semaphore_mem>> -> memref<!tpu.dma_semaphore, #tpu.memory_space<semaphore_mem>>
      tpu.enqueue_indirect_dma source(%dma_start3A_121 : memref<1000000x32xf32, #tpu.memory_space<hbm>>) target(%dma_start3A_117 : memref<104x32xf32, #tpu.memory_space<vmem>>) offsets(%dma_start3A_118 : memref<104xi32, #tpu.memory_space<vmem>>) semaphore(%dma_start3A_123 : memref<!tpu.dma_semaphore, #tpu.memory_space<semaphore_mem>>)
      %add3A_124 = arith.constant 7 : i32
      %add3A_125 = arith.addi %mul3A_12, %add3A_124 : i32
      %mul3A_126 = arith.constant 104 : i32
      %mul3A_127 = arith.muli %add3A_125, %mul3A_126 : i32
      %dma_start3A_128 = arith.constant 7 : i32
      %dma_start3A_129 = arith.constant 7 : i32
      %dma_start3A_130 = arith.constant 0 : i32
      %dma_start3A_131 = arith.constant 0 : i32
      %dma_start3A_132 = tpu.memref_slice %arg6[%dma_start3A_128, %dma_start3A_130, %dma_start3A_131] : memref<8x104x32xf32, #tpu.memory_space<vmem>> -> memref<1x104x32xf32, #tpu.memory_space<vmem>>
      %dma_start3A_133 = tpu.memref_squeeze %dma_start3A_132 : memref<1x104x32xf32, #tpu.memory_space<vmem>> -> memref<104x32xf32, #tpu.memory_space<vmem>>
      %dma_start3A_134 = tpu.memref_slice %arg5[%mul3A_127] : memref<13312xi32, #tpu.memory_space<vmem>> -> memref<104xi32, #tpu.memory_space<vmem>>
      %dma_start3A_135 = arith.constant 0 : i32
      %dma_start3A_136 = arith.constant 0 : i32
      %dma_start3A_137 = tpu.memref_slice %arg3[%dma_start3A_135, %dma_start3A_136] : memref<1000000x32xf32, #tpu.memory_space<hbm>> -> memref<1000000x32xf32, #tpu.memory_space<hbm>>
      %dma_start3A_138 = tpu.memref_slice %arg7[%dma_start3A_129] : memref<8x!tpu.dma_semaphore, #tpu.memory_space<semaphore_mem>> -> memref<1x!tpu.dma_semaphore, #tpu.memory_space<semaphore_mem>>
      %dma_start3A_139 = tpu.memref_squeeze %dma_start3A_138 : memref<1x!tpu.dma_semaphore, #tpu.memory_space<semaphore_mem>> -> memref<!tpu.dma_semaphore, #tpu.memory_space<semaphore_mem>>
      tpu.enqueue_indirect_dma source(%dma_start3A_137 : memref<1000000x32xf32, #tpu.memory_space<hbm>>) target(%dma_start3A_133 : memref<104x32xf32, #tpu.memory_space<vmem>>) offsets(%dma_start3A_134 : memref<104xi32, #tpu.memory_space<vmem>>) semaphore(%dma_start3A_139 : memref<!tpu.dma_semaphore, #tpu.memory_space<semaphore_mem>>)
      %add3A_140 = arith.constant 0 : i32
      %add3A_141 = arith.addi %mul3A_12, %add3A_140 : i32
      %mul3A_142 = arith.constant 104 : i32
      %mul3A_143 = arith.muli %add3A_141, %mul3A_142 : i32
      %dma_wait3A = arith.constant 0 : i32
      %dma_wait3A_144 = arith.constant 0 : i32
      %dma_wait3A_145 = arith.constant 0 : i32
      %dma_wait3A_146 = arith.constant 0 : i32
      %dma_wait3A_147 = tpu.memref_slice %arg6[%dma_wait3A, %dma_wait3A_145, %dma_wait3A_146] : memref<8x104x32xf32, #tpu.memory_space<vmem>> -> memref<1x104x32xf32, #tpu.memory_space<vmem>>
      %dma_wait3A_148 = tpu.memref_squeeze %dma_wait3A_147 : memref<1x104x32xf32, #tpu.memory_space<vmem>> -> memref<104x32xf32, #tpu.memory_space<vmem>>
      %dma_wait3A_149 = tpu.memref_slice %arg5[%mul3A_143] : memref<13312xi32, #tpu.memory_space<vmem>> -> memref<104xi32, #tpu.memory_space<vmem>>
      %dma_wait3A_150 = arith.constant 0 : i32
      %dma_wait3A_151 = arith.constant 0 : i32
      %dma_wait3A_152 = tpu.memref_slice %arg3[%dma_wait3A_150, %dma_wait3A_151] : memref<1000000x32xf32, #tpu.memory_space<hbm>> -> memref<1000000x32xf32, #tpu.memory_space<hbm>>
      %dma_wait3A_153 = tpu.memref_slice %arg7[%dma_wait3A_144] : memref<8x!tpu.dma_semaphore, #tpu.memory_space<semaphore_mem>> -> memref<1x!tpu.dma_semaphore, #tpu.memory_space<semaphore_mem>>
      %dma_wait3A_154 = tpu.memref_squeeze %dma_wait3A_153 : memref<1x!tpu.dma_semaphore, #tpu.memory_space<semaphore_mem>> -> memref<!tpu.dma_semaphore, #tpu.memory_space<semaphore_mem>>
      tpu.wait_indirect_dma semaphore(%dma_wait3A_154 : memref<!tpu.dma_semaphore, #tpu.memory_space<semaphore_mem>>) src(%dma_wait3A_152 : memref<1000000x32xf32, #tpu.memory_space<hbm>>) dst(%dma_wait3A_148 : memref<104x32xf32, #tpu.memory_space<vmem>>)
      %mul3A_155 = arith.constant 4 : i32
      %mul3A_156 = arith.muli %add3A_141, %mul3A_155 : i32
      %add3A_157 = arith.addi %mul3A_4, %mul3A_156 : i32
      %add3A_158 = arith.constant 0 : i32
      %add3A_159 = arith.addi %add3A_157, %add3A_158 : i32
      %dma_start3A_160 = arith.constant 0 : i32
      %dma_start3A_161 = arith.constant 0 : i32
      %dma_start3A_162 = arith.constant 0 : i32
      %dma_start3A_163 = arith.constant 0 : i32
      %dma_start3A_164 = tpu.memref_slice %arg6[%dma_start3A_160, %dma_start3A_162, %dma_start3A_163] : memref<8x104x32xf32, #tpu.memory_space<vmem>> -> memref<1x104x32xf32, #tpu.memory_space<vmem>>
      %dma_start3A_165 = tpu.memref_squeeze %dma_start3A_164 : memref<1x104x32xf32, #tpu.memory_space<vmem>> -> memref<104x32xf32, #tpu.memory_space<vmem>>
      %dma_start3A_166 = arith.constant 0 : i32
      %dma_start3A_167 = arith.constant 0 : i32
      %dma_start3A_168 = tpu.memref_slice %dma_start3A_165[%dma_start3A_166, %dma_start3A_167] : memref<104x32xf32, #tpu.memory_space<vmem>> -> memref<26x32xf32, #tpu.memory_space<vmem>>
      %dma_start3A_169 = arith.constant 0 : i32
      %dma_start3A_170 = arith.constant 0 : i32
      %dma_start3A_171 = tpu.memref_slice %arg4[%add3A_159, %dma_start3A_169, %dma_start3A_170] : memref<16384x32x128xf32, #tpu.memory_space<hbm>> -> memref<1x26x32xf32, #tpu.memory_space<hbm>>
      %dma_start3A_172 = tpu.memref_squeeze %dma_start3A_171 : memref<1x26x32xf32, #tpu.memory_space<hbm>> -> memref<26x32xf32, #tpu.memory_space<hbm>>
      %dma_start3A_173 = tpu.memref_slice %arg8[%dma_start3A_161] : memref<8x!tpu.dma_semaphore, #tpu.memory_space<semaphore_mem>> -> memref<1x!tpu.dma_semaphore, #tpu.memory_space<semaphore_mem>>
      %dma_start3A_174 = tpu.memref_squeeze %dma_start3A_173 : memref<1x!tpu.dma_semaphore, #tpu.memory_space<semaphore_mem>> -> memref<!tpu.dma_semaphore, #tpu.memory_space<semaphore_mem>>
      %dma_start3A_175 = arith.constant 0 : i32
      %dma_start3A_176 = arith.constant 0 : i32
      %dma_start3A_177 = tpu.memref_slice %arg4[%add3A_159, %dma_start3A_175, %dma_start3A_176] : memref<16384x32x128xf32, #tpu.memory_space<hbm>> -> memref<1x26x32xf32, #tpu.memory_space<hbm>>
      %dma_start3A_178 = tpu.memref_squeeze %dma_start3A_177 : memref<1x26x32xf32, #tpu.memory_space<hbm>> -> memref<26x32xf32, #tpu.memory_space<hbm>>
      %dma_start3A_179 = arith.constant 0 : i32
      %dma_start3A_180 = arith.constant 0 : i32
      %dma_start3A_181 = tpu.memref_slice %arg6[%dma_start3A_160, %dma_start3A_179, %dma_start3A_180] : memref<8x104x32xf32, #tpu.memory_space<vmem>> -> memref<1x104x32xf32, #tpu.memory_space<vmem>>
      %dma_start3A_182 = tpu.memref_squeeze %dma_start3A_181 : memref<1x104x32xf32, #tpu.memory_space<vmem>> -> memref<104x32xf32, #tpu.memory_space<vmem>>
      %dma_start3A_183 = arith.constant 0 : i32
      %dma_start3A_184 = arith.constant 0 : i32
      %dma_start3A_185 = tpu.memref_slice %dma_start3A_182[%dma_start3A_183, %dma_start3A_184] : memref<104x32xf32, #tpu.memory_space<vmem>> -> memref<26x32xf32, #tpu.memory_space<vmem>>
      tpu.enqueue_dma source(%dma_start3A_185 : memref<26x32xf32, #tpu.memory_space<vmem>>) target(%dma_start3A_178 : memref<26x32xf32, #tpu.memory_space<hbm>>) target_semaphore(%dma_start3A_174 : memref<!tpu.dma_semaphore, #tpu.memory_space<semaphore_mem>>)
      %mul3A_186 = arith.constant 4 : i32
      %mul3A_187 = arith.muli %add3A_141, %mul3A_186 : i32
      %add3A_188 = arith.addi %mul3A_4, %mul3A_187 : i32
      %add3A_189 = arith.constant 1 : i32
      %add3A_190 = arith.addi %add3A_188, %add3A_189 : i32
      %dma_start3A_191 = arith.constant 0 : i32
      %dma_start3A_192 = arith.constant 0 : i32
      %dma_start3A_193 = arith.constant 0 : i32
      %dma_start3A_194 = arith.constant 0 : i32
      %dma_start3A_195 = tpu.memref_slice %arg6[%dma_start3A_191, %dma_start3A_193, %dma_start3A_194] : memref<8x104x32xf32, #tpu.memory_space<vmem>> -> memref<1x104x32xf32, #tpu.memory_space<vmem>>
      %dma_start3A_196 = tpu.memref_squeeze %dma_start3A_195 : memref<1x104x32xf32, #tpu.memory_space<vmem>> -> memref<104x32xf32, #tpu.memory_space<vmem>>
      %dma_start3A_197 = arith.constant 26 : i32
      %dma_start3A_198 = arith.constant 0 : i32
      %dma_start3A_199 = tpu.memref_slice %dma_start3A_196[%dma_start3A_197, %dma_start3A_198] : memref<104x32xf32, #tpu.memory_space<vmem>> -> memref<26x32xf32, #tpu.memory_space<vmem>>
      %dma_start3A_200 = arith.constant 0 : i32
      %dma_start3A_201 = arith.constant 0 : i32
      %dma_start3A_202 = tpu.memref_slice %arg4[%add3A_190, %dma_start3A_200, %dma_start3A_201] : memref<16384x32x128xf32, #tpu.memory_space<hbm>> -> memref<1x26x32xf32, #tpu.memory_space<hbm>>
      %dma_start3A_203 = tpu.memref_squeeze %dma_start3A_202 : memref<1x26x32xf32, #tpu.memory_space<hbm>> -> memref<26x32xf32, #tpu.memory_space<hbm>>
      %dma_start3A_204 = tpu.memref_slice %arg8[%dma_start3A_192] : memref<8x!tpu.dma_semaphore, #tpu.memory_space<semaphore_mem>> -> memref<1x!tpu.dma_semaphore, #tpu.memory_space<semaphore_mem>>
      %dma_start3A_205 = tpu.memref_squeeze %dma_start3A_204 : memref<1x!tpu.dma_semaphore, #tpu.memory_space<semaphore_mem>> -> memref<!tpu.dma_semaphore, #tpu.memory_space<semaphore_mem>>
      %dma_start3A_206 = arith.constant 0 : i32
      %dma_start3A_207 = arith.constant 0 : i32
      %dma_start3A_208 = tpu.memref_slice %arg4[%add3A_190, %dma_start3A_206, %dma_start3A_207] : memref<16384x32x128xf32, #tpu.memory_space<hbm>> -> memref<1x26x32xf32, #tpu.memory_space<hbm>>
      %dma_start3A_209 = tpu.memref_squeeze %dma_start3A_208 : memref<1x26x32xf32, #tpu.memory_space<hbm>> -> memref<26x32xf32, #tpu.memory_space<hbm>>
      %dma_start3A_210 = arith.constant 0 : i32
      %dma_start3A_211 = arith.constant 0 : i32
      %dma_start3A_212 = tpu.memref_slice %arg6[%dma_start3A_191, %dma_start3A_210, %dma_start3A_211] : memref<8x104x32xf32, #tpu.memory_space<vmem>> -> memref<1x104x32xf32, #tpu.memory_space<vmem>>
      %dma_start3A_213 = tpu.memref_squeeze %dma_start3A_212 : memref<1x104x32xf32, #tpu.memory_space<vmem>> -> memref<104x32xf32, #tpu.memory_space<vmem>>
      %dma_start3A_214 = arith.constant 26 : i32
      %dma_start3A_215 = arith.constant 0 : i32
      %dma_start3A_216 = tpu.memref_slice %dma_start3A_213[%dma_start3A_214, %dma_start3A_215] : memref<104x32xf32, #tpu.memory_space<vmem>> -> memref<26x32xf32, #tpu.memory_space<vmem>>
      tpu.enqueue_dma source(%dma_start3A_216 : memref<26x32xf32, #tpu.memory_space<vmem>>) target(%dma_start3A_209 : memref<26x32xf32, #tpu.memory_space<hbm>>) target_semaphore(%dma_start3A_205 : memref<!tpu.dma_semaphore, #tpu.memory_space<semaphore_mem>>)
      %mul3A_217 = arith.constant 4 : i32
      %mul3A_218 = arith.muli %add3A_141, %mul3A_217 : i32
      %add3A_219 = arith.addi %mul3A_4, %mul3A_218 : i32
      %add3A_220 = arith.constant 2 : i32
      %add3A_221 = arith.addi %add3A_219, %add3A_220 : i32
      %dma_start3A_222 = arith.constant 0 : i32
      %dma_start3A_223 = arith.constant 0 : i32
      %dma_start3A_224 = arith.constant 0 : i32
      %dma_start3A_225 = arith.constant 0 : i32
      %dma_start3A_226 = tpu.memref_slice %arg6[%dma_start3A_222, %dma_start3A_224, %dma_start3A_225] : memref<8x104x32xf32, #tpu.memory_space<vmem>> -> memref<1x104x32xf32, #tpu.memory_space<vmem>>
      %dma_start3A_227 = tpu.memref_squeeze %dma_start3A_226 : memref<1x104x32xf32, #tpu.memory_space<vmem>> -> memref<104x32xf32, #tpu.memory_space<vmem>>
      %dma_start3A_228 = arith.constant 52 : i32
      %dma_start3A_229 = arith.constant 0 : i32
      %dma_start3A_230 = tpu.memref_slice %dma_start3A_227[%dma_start3A_228, %dma_start3A_229] : memref<104x32xf32, #tpu.memory_space<vmem>> -> memref<26x32xf32, #tpu.memory_space<vmem>>
      %dma_start3A_231 = arith.constant 0 : i32
      %dma_start3A_232 = arith.constant 0 : i32
      %dma_start3A_233 = tpu.memref_slice %arg4[%add3A_221, %dma_start3A_231, %dma_start3A_232] : memref<16384x32x128xf32, #tpu.memory_space<hbm>> -> memref<1x26x32xf32, #tpu.memory_space<hbm>>
      %dma_start3A_234 = tpu.memref_squeeze %dma_start3A_233 : memref<1x26x32xf32, #tpu.memory_space<hbm>> -> memref<26x32xf32, #tpu.memory_space<hbm>>
      %dma_start3A_235 = tpu.memref_slice %arg8[%dma_start3A_223] : memref<8x!tpu.dma_semaphore, #tpu.memory_space<semaphore_mem>> -> memref<1x!tpu.dma_semaphore, #tpu.memory_space<semaphore_mem>>
      %dma_start3A_236 = tpu.memref_squeeze %dma_start3A_235 : memref<1x!tpu.dma_semaphore, #tpu.memory_space<semaphore_mem>> -> memref<!tpu.dma_semaphore, #tpu.memory_space<semaphore_mem>>
      %dma_start3A_237 = arith.constant 0 : i32
      %dma_start3A_238 = arith.constant 0 : i32
      %dma_start3A_239 = tpu.memref_slice %arg4[%add3A_221, %dma_start3A_237, %dma_start3A_238] : memref<16384x32x128xf32, #tpu.memory_space<hbm>> -> memref<1x26x32xf32, #tpu.memory_space<hbm>>
      %dma_start3A_240 = tpu.memref_squeeze %dma_start3A_239 : memref<1x26x32xf32, #tpu.memory_space<hbm>> -> memref<26x32xf32, #tpu.memory_space<hbm>>
      %dma_start3A_241 = arith.constant 0 : i32
      %dma_start3A_242 = arith.constant 0 : i32
      %dma_start3A_243 = tpu.memref_slice %arg6[%dma_start3A_222, %dma_start3A_241, %dma_start3A_242] : memref<8x104x32xf32, #tpu.memory_space<vmem>> -> memref<1x104x32xf32, #tpu.memory_space<vmem>>
      %dma_start3A_244 = tpu.memref_squeeze %dma_start3A_243 : memref<1x104x32xf32, #tpu.memory_space<vmem>> -> memref<104x32xf32, #tpu.memory_space<vmem>>
      %dma_start3A_245 = arith.constant 52 : i32
      %dma_start3A_246 = arith.constant 0 : i32
      %dma_start3A_247 = tpu.memref_slice %dma_start3A_244[%dma_start3A_245, %dma_start3A_246] : memref<104x32xf32, #tpu.memory_space<vmem>> -> memref<26x32xf32, #tpu.memory_space<vmem>>
      tpu.enqueue_dma source(%dma_start3A_247 : memref<26x32xf32, #tpu.memory_space<vmem>>) target(%dma_start3A_240 : memref<26x32xf32, #tpu.memory_space<hbm>>) target_semaphore(%dma_start3A_236 : memref<!tpu.dma_semaphore, #tpu.memory_space<semaphore_mem>>)
      %mul3A_248 = arith.constant 4 : i32
      %mul3A_249 = arith.muli %add3A_141, %mul3A_248 : i32
      %add3A_250 = arith.addi %mul3A_4, %mul3A_249 : i32
      %add3A_251 = arith.constant 3 : i32
      %add3A_252 = arith.addi %add3A_250, %add3A_251 : i32
      %dma_start3A_253 = arith.constant 0 : i32
      %dma_start3A_254 = arith.constant 0 : i32
      %dma_start3A_255 = arith.constant 0 : i32
      %dma_start3A_256 = arith.constant 0 : i32
      %dma_start3A_257 = tpu.memref_slice %arg6[%dma_start3A_253, %dma_start3A_255, %dma_start3A_256] : memref<8x104x32xf32, #tpu.memory_space<vmem>> -> memref<1x104x32xf32, #tpu.memory_space<vmem>>
      %dma_start3A_258 = tpu.memref_squeeze %dma_start3A_257 : memref<1x104x32xf32, #tpu.memory_space<vmem>> -> memref<104x32xf32, #tpu.memory_space<vmem>>
      %dma_start3A_259 = arith.constant 78 : i32
      %dma_start3A_260 = arith.constant 0 : i32
      %dma_start3A_261 = tpu.memref_slice %dma_start3A_258[%dma_start3A_259, %dma_start3A_260] : memref<104x32xf32, #tpu.memory_space<vmem>> -> memref<26x32xf32, #tpu.memory_space<vmem>>
      %dma_start3A_262 = arith.constant 0 : i32
      %dma_start3A_263 = arith.constant 0 : i32
      %dma_start3A_264 = tpu.memref_slice %arg4[%add3A_252, %dma_start3A_262, %dma_start3A_263] : memref<16384x32x128xf32, #tpu.memory_space<hbm>> -> memref<1x26x32xf32, #tpu.memory_space<hbm>>
      %dma_start3A_265 = tpu.memref_squeeze %dma_start3A_264 : memref<1x26x32xf32, #tpu.memory_space<hbm>> -> memref<26x32xf32, #tpu.memory_space<hbm>>
      %dma_start3A_266 = tpu.memref_slice %arg8[%dma_start3A_254] : memref<8x!tpu.dma_semaphore, #tpu.memory_space<semaphore_mem>> -> memref<1x!tpu.dma_semaphore, #tpu.memory_space<semaphore_mem>>
      %dma_start3A_267 = tpu.memref_squeeze %dma_start3A_266 : memref<1x!tpu.dma_semaphore, #tpu.memory_space<semaphore_mem>> -> memref<!tpu.dma_semaphore, #tpu.memory_space<semaphore_mem>>
      %dma_start3A_268 = arith.constant 0 : i32
      %dma_start3A_269 = arith.constant 0 : i32
      %dma_start3A_270 = tpu.memref_slice %arg4[%add3A_252, %dma_start3A_268, %dma_start3A_269] : memref<16384x32x128xf32, #tpu.memory_space<hbm>> -> memref<1x26x32xf32, #tpu.memory_space<hbm>>
      %dma_start3A_271 = tpu.memref_squeeze %dma_start3A_270 : memref<1x26x32xf32, #tpu.memory_space<hbm>> -> memref<26x32xf32, #tpu.memory_space<hbm>>
      %dma_start3A_272 = arith.constant 0 : i32
      %dma_start3A_273 = arith.constant 0 : i32
      %dma_start3A_274 = tpu.memref_slice %arg6[%dma_start3A_253, %dma_start3A_272, %dma_start3A_273] : memref<8x104x32xf32, #tpu.memory_space<vmem>> -> memref<1x104x32xf32, #tpu.memory_space<vmem>>
      %dma_start3A_275 = tpu.memref_squeeze %dma_start3A_274 : memref<1x104x32xf32, #tpu.memory_space<vmem>> -> memref<104x32xf32, #tpu.memory_space<vmem>>
      %dma_start3A_276 = arith.constant 78 : i32
      %dma_start3A_277 = arith.constant 0 : i32
      %dma_start3A_278 = tpu.memref_slice %dma_start3A_275[%dma_start3A_276, %dma_start3A_277] : memref<104x32xf32, #tpu.memory_space<vmem>> -> memref<26x32xf32, #tpu.memory_space<vmem>>
      tpu.enqueue_dma source(%dma_start3A_278 : memref<26x32xf32, #tpu.memory_space<vmem>>) target(%dma_start3A_271 : memref<26x32xf32, #tpu.memory_space<hbm>>) target_semaphore(%dma_start3A_267 : memref<!tpu.dma_semaphore, #tpu.memory_space<semaphore_mem>>)
      %add3A_279 = arith.constant 1 : i32
      %add3A_280 = arith.addi %mul3A_12, %add3A_279 : i32
      %mul3A_281 = arith.constant 104 : i32
      %mul3A_282 = arith.muli %add3A_280, %mul3A_281 : i32
      %dma_wait3A_283 = arith.constant 1 : i32
      %dma_wait3A_284 = arith.constant 1 : i32
      %dma_wait3A_285 = arith.constant 0 : i32
      %dma_wait3A_286 = arith.constant 0 : i32
      %dma_wait3A_287 = tpu.memref_slice %arg6[%dma_wait3A_283, %dma_wait3A_285, %dma_wait3A_286] : memref<8x104x32xf32, #tpu.memory_space<vmem>> -> memref<1x104x32xf32, #tpu.memory_space<vmem>>
      %dma_wait3A_288 = tpu.memref_squeeze %dma_wait3A_287 : memref<1x104x32xf32, #tpu.memory_space<vmem>> -> memref<104x32xf32, #tpu.memory_space<vmem>>
      %dma_wait3A_289 = tpu.memref_slice %arg5[%mul3A_282] : memref<13312xi32, #tpu.memory_space<vmem>> -> memref<104xi32, #tpu.memory_space<vmem>>
      %dma_wait3A_290 = arith.constant 0 : i32
      %dma_wait3A_291 = arith.constant 0 : i32
      %dma_wait3A_292 = tpu.memref_slice %arg3[%dma_wait3A_290, %dma_wait3A_291] : memref<1000000x32xf32, #tpu.memory_space<hbm>> -> memref<1000000x32xf32, #tpu.memory_space<hbm>>
      %dma_wait3A_293 = tpu.memref_slice %arg7[%dma_wait3A_284] : memref<8x!tpu.dma_semaphore, #tpu.memory_space<semaphore_mem>> -> memref<1x!tpu.dma_semaphore, #tpu.memory_space<semaphore_mem>>
      %dma_wait3A_294 = tpu.memref_squeeze %dma_wait3A_293 : memref<1x!tpu.dma_semaphore, #tpu.memory_space<semaphore_mem>> -> memref<!tpu.dma_semaphore, #tpu.memory_space<semaphore_mem>>
      tpu.wait_indirect_dma semaphore(%dma_wait3A_294 : memref<!tpu.dma_semaphore, #tpu.memory_space<semaphore_mem>>) src(%dma_wait3A_292 : memref<1000000x32xf32, #tpu.memory_space<hbm>>) dst(%dma_wait3A_288 : memref<104x32xf32, #tpu.memory_space<vmem>>)
      %mul3A_295 = arith.constant 4 : i32
      %mul3A_296 = arith.muli %add3A_280, %mul3A_295 : i32
      %add3A_297 = arith.addi %mul3A_4, %mul3A_296 : i32
      %add3A_298 = arith.constant 0 : i32
      %add3A_299 = arith.addi %add3A_297, %add3A_298 : i32
      %dma_start3A_300 = arith.constant 1 : i32
      %dma_start3A_301 = arith.constant 1 : i32
      %dma_start3A_302 = arith.constant 0 : i32
      %dma_start3A_303 = arith.constant 0 : i32
      %dma_start3A_304 = tpu.memref_slice %arg6[%dma_start3A_300, %dma_start3A_302, %dma_start3A_303] : memref<8x104x32xf32, #tpu.memory_space<vmem>> -> memref<1x104x32xf32, #tpu.memory_space<vmem>>
      %dma_start3A_305 = tpu.memref_squeeze %dma_start3A_304 : memref<1x104x32xf32, #tpu.memory_space<vmem>> -> memref<104x32xf32, #tpu.memory_space<vmem>>
      %dma_start3A_306 = arith.constant 0 : i32
      %dma_start3A_307 = arith.constant 0 : i32
      %dma_start3A_308 = tpu.memref_slice %dma_start3A_305[%dma_start3A_306, %dma_start3A_307] : memref<104x32xf32, #tpu.memory_space<vmem>> -> memref<26x32xf32, #tpu.memory_space<vmem>>
      %dma_start3A_309 = arith.constant 0 : i32
      %dma_start3A_310 = arith.constant 0 : i32
      %dma_start3A_311 = tpu.memref_slice %arg4[%add3A_299, %dma_start3A_309, %dma_start3A_310] : memref<16384x32x128xf32, #tpu.memory_space<hbm>> -> memref<1x26x32xf32, #tpu.memory_space<hbm>>
      %dma_start3A_312 = tpu.memref_squeeze %dma_start3A_311 : memref<1x26x32xf32, #tpu.memory_space<hbm>> -> memref<26x32xf32, #tpu.memory_space<hbm>>
      %dma_start3A_313 = tpu.memref_slice %arg8[%dma_start3A_301] : memref<8x!tpu.dma_semaphore, #tpu.memory_space<semaphore_mem>> -> memref<1x!tpu.dma_semaphore, #tpu.memory_space<semaphore_mem>>
      %dma_start3A_314 = tpu.memref_squeeze %dma_start3A_313 : memref<1x!tpu.dma_semaphore, #tpu.memory_space<semaphore_mem>> -> memref<!tpu.dma_semaphore, #tpu.memory_space<semaphore_mem>>
      %dma_start3A_315 = arith.constant 0 : i32
      %dma_start3A_316 = arith.constant 0 : i32
      %dma_start3A_317 = tpu.memref_slice %arg4[%add3A_299, %dma_start3A_315, %dma_start3A_316] : memref<16384x32x128xf32, #tpu.memory_space<hbm>> -> memref<1x26x32xf32, #tpu.memory_space<hbm>>
      %dma_start3A_318 = tpu.memref_squeeze %dma_start3A_317 : memref<1x26x32xf32, #tpu.memory_space<hbm>> -> memref<26x32xf32, #tpu.memory_space<hbm>>
      %dma_start3A_319 = arith.constant 0 : i32
      %dma_start3A_320 = arith.constant 0 : i32
      %dma_start3A_321 = tpu.memref_slice %arg6[%dma_start3A_300, %dma_start3A_319, %dma_start3A_320] : memref<8x104x32xf32, #tpu.memory_space<vmem>> -> memref<1x104x32xf32, #tpu.memory_space<vmem>>
      %dma_start3A_322 = tpu.memref_squeeze %dma_start3A_321 : memref<1x104x32xf32, #tpu.memory_space<vmem>> -> memref<104x32xf32, #tpu.memory_space<vmem>>
      %dma_start3A_323 = arith.constant 0 : i32
      %dma_start3A_324 = arith.constant 0 : i32
      %dma_start3A_325 = tpu.memref_slice %dma_start3A_322[%dma_start3A_323, %dma_start3A_324] : memref<104x32xf32, #tpu.memory_space<vmem>> -> memref<26x32xf32, #tpu.memory_space<vmem>>
      tpu.enqueue_dma source(%dma_start3A_325 : memref<26x32xf32, #tpu.memory_space<vmem>>) target(%dma_start3A_318 : memref<26x32xf32, #tpu.memory_space<hbm>>) target_semaphore(%dma_start3A_314 : memref<!tpu.dma_semaphore, #tpu.memory_space<semaphore_mem>>)
      %mul3A_326 = arith.constant 4 : i32
      %mul3A_327 = arith.muli %add3A_280, %mul3A_326 : i32
      %add3A_328 = arith.addi %mul3A_4, %mul3A_327 : i32
      %add3A_329 = arith.constant 1 : i32
      %add3A_330 = arith.addi %add3A_328, %add3A_329 : i32
      %dma_start3A_331 = arith.constant 1 : i32
      %dma_start3A_332 = arith.constant 1 : i32
      %dma_start3A_333 = arith.constant 0 : i32
      %dma_start3A_334 = arith.constant 0 : i32
      %dma_start3A_335 = tpu.memref_slice %arg6[%dma_start3A_331, %dma_start3A_333, %dma_start3A_334] : memref<8x104x32xf32, #tpu.memory_space<vmem>> -> memref<1x104x32xf32, #tpu.memory_space<vmem>>
      %dma_start3A_336 = tpu.memref_squeeze %dma_start3A_335 : memref<1x104x32xf32, #tpu.memory_space<vmem>> -> memref<104x32xf32, #tpu.memory_space<vmem>>
      %dma_start3A_337 = arith.constant 26 : i32
      %dma_start3A_338 = arith.constant 0 : i32
      %dma_start3A_339 = tpu.memref_slice %dma_start3A_336[%dma_start3A_337, %dma_start3A_338] : memref<104x32xf32, #tpu.memory_space<vmem>> -> memref<26x32xf32, #tpu.memory_space<vmem>>
      %dma_start3A_340 = arith.constant 0 : i32
      %dma_start3A_341 = arith.constant 0 : i32
      %dma_start3A_342 = tpu.memref_slice %arg4[%add3A_330, %dma_start3A_340, %dma_start3A_341] : memref<16384x32x128xf32, #tpu.memory_space<hbm>> -> memref<1x26x32xf32, #tpu.memory_space<hbm>>
      %dma_start3A_343 = tpu.memref_squeeze %dma_start3A_342 : memref<1x26x32xf32, #tpu.memory_space<hbm>> -> memref<26x32xf32, #tpu.memory_space<hbm>>
      %dma_start3A_344 = tpu.memref_slice %arg8[%dma_start3A_332] : memref<8x!tpu.dma_semaphore, #tpu.memory_space<semaphore_mem>> -> memref<1x!tpu.dma_semaphore, #tpu.memory_space<semaphore_mem>>
      %dma_start3A_345 = tpu.memref_squeeze %dma_start3A_344 : memref<1x!tpu.dma_semaphore, #tpu.memory_space<semaphore_mem>> -> memref<!tpu.dma_semaphore, #tpu.memory_space<semaphore_mem>>
      %dma_start3A_346 = arith.constant 0 : i32
      %dma_start3A_347 = arith.constant 0 : i32
      %dma_start3A_348 = tpu.memref_slice %arg4[%add3A_330, %dma_start3A_346, %dma_start3A_347] : memref<16384x32x128xf32, #tpu.memory_space<hbm>> -> memref<1x26x32xf32, #tpu.memory_space<hbm>>
      %dma_start3A_349 = tpu.memref_squeeze %dma_start3A_348 : memref<1x26x32xf32, #tpu.memory_space<hbm>> -> memref<26x32xf32, #tpu.memory_space<hbm>>
      %dma_start3A_350 = arith.constant 0 : i32
      %dma_start3A_351 = arith.constant 0 : i32
      %dma_start3A_352 = tpu.memref_slice %arg6[%dma_start3A_331, %dma_start3A_350, %dma_start3A_351] : memref<8x104x32xf32, #tpu.memory_space<vmem>> -> memref<1x104x32xf32, #tpu.memory_space<vmem>>
      %dma_start3A_353 = tpu.memref_squeeze %dma_start3A_352 : memref<1x104x32xf32, #tpu.memory_space<vmem>> -> memref<104x32xf32, #tpu.memory_space<vmem>>
      %dma_start3A_354 = arith.constant 26 : i32
      %dma_start3A_355 = arith.constant 0 : i32
      %dma_start3A_356 = tpu.memref_slice %dma_start3A_353[%dma_start3A_354, %dma_start3A_355] : memref<104x32xf32, #tpu.memory_space<vmem>> -> memref<26x32xf32, #tpu.memory_space<vmem>>
      tpu.enqueue_dma source(%dma_start3A_356 : memref<26x32xf32, #tpu.memory_space<vmem>>) target(%dma_start3A_349 : memref<26x32xf32, #tpu.memory_space<hbm>>) target_semaphore(%dma_start3A_345 : memref<!tpu.dma_semaphore, #tpu.memory_space<semaphore_mem>>)
      %mul3A_357 = arith.constant 4 : i32
      %mul3A_358 = arith.muli %add3A_280, %mul3A_357 : i32
      %add3A_359 = arith.addi %mul3A_4, %mul3A_358 : i32
      %add3A_360 = arith.constant 2 : i32
      %add3A_361 = arith.addi %add3A_359, %add3A_360 : i32
      %dma_start3A_362 = arith.constant 1 : i32
      %dma_start3A_363 = arith.constant 1 : i32
      %dma_start3A_364 = arith.constant 0 : i32
      %dma_start3A_365 = arith.constant 0 : i32
      %dma_start3A_366 = tpu.memref_slice %arg6[%dma_start3A_362, %dma_start3A_364, %dma_start3A_365] : memref<8x104x32xf32, #tpu.memory_space<vmem>> -> memref<1x104x32xf32, #tpu.memory_space<vmem>>
      %dma_start3A_367 = tpu.memref_squeeze %dma_start3A_366 : memref<1x104x32xf32, #tpu.memory_space<vmem>> -> memref<104x32xf32, #tpu.memory_space<vmem>>
      %dma_start3A_368 = arith.constant 52 : i32
      %dma_start3A_369 = arith.constant 0 : i32
      %dma_start3A_370 = tpu.memref_slice %dma_start3A_367[%dma_start3A_368, %dma_start3A_369] : memref<104x32xf32, #tpu.memory_space<vmem>> -> memref<26x32xf32, #tpu.memory_space<vmem>>
      %dma_start3A_371 = arith.constant 0 : i32
      %dma_start3A_372 = arith.constant 0 : i32
      %dma_start3A_373 = tpu.memref_slice %arg4[%add3A_361, %dma_start3A_371, %dma_start3A_372] : memref<16384x32x128xf32, #tpu.memory_space<hbm>> -> memref<1x26x32xf32, #tpu.memory_space<hbm>>
      %dma_start3A_374 = tpu.memref_squeeze %dma_start3A_373 : memref<1x26x32xf32, #tpu.memory_space<hbm>> -> memref<26x32xf32, #tpu.memory_space<hbm>>
      %dma_start3A_375 = tpu.memref_slice %arg8[%dma_start3A_363] : memref<8x!tpu.dma_semaphore, #tpu.memory_space<semaphore_mem>> -> memref<1x!tpu.dma_semaphore, #tpu.memory_space<semaphore_mem>>
      %dma_start3A_376 = tpu.memref_squeeze %dma_start3A_375 : memref<1x!tpu.dma_semaphore, #tpu.memory_space<semaphore_mem>> -> memref<!tpu.dma_semaphore, #tpu.memory_space<semaphore_mem>>
      %dma_start3A_377 = arith.constant 0 : i32
      %dma_start3A_378 = arith.constant 0 : i32
      %dma_start3A_379 = tpu.memref_slice %arg4[%add3A_361, %dma_start3A_377, %dma_start3A_378] : memref<16384x32x128xf32, #tpu.memory_space<hbm>> -> memref<1x26x32xf32, #tpu.memory_space<hbm>>
      %dma_start3A_380 = tpu.memref_squeeze %dma_start3A_379 : memref<1x26x32xf32, #tpu.memory_space<hbm>> -> memref<26x32xf32, #tpu.memory_space<hbm>>
      %dma_start3A_381 = arith.constant 0 : i32
      %dma_start3A_382 = arith.constant 0 : i32
      %dma_start3A_383 = tpu.memref_slice %arg6[%dma_start3A_362, %dma_start3A_381, %dma_start3A_382] : memref<8x104x32xf32, #tpu.memory_space<vmem>> -> memref<1x104x32xf32, #tpu.memory_space<vmem>>
      %dma_start3A_384 = tpu.memref_squeeze %dma_start3A_383 : memref<1x104x32xf32, #tpu.memory_space<vmem>> -> memref<104x32xf32, #tpu.memory_space<vmem>>
      %dma_start3A_385 = arith.constant 52 : i32
      %dma_start3A_386 = arith.constant 0 : i32
      %dma_start3A_387 = tpu.memref_slice %dma_start3A_384[%dma_start3A_385, %dma_start3A_386] : memref<104x32xf32, #tpu.memory_space<vmem>> -> memref<26x32xf32, #tpu.memory_space<vmem>>
      tpu.enqueue_dma source(%dma_start3A_387 : memref<26x32xf32, #tpu.memory_space<vmem>>) target(%dma_start3A_380 : memref<26x32xf32, #tpu.memory_space<hbm>>) target_semaphore(%dma_start3A_376 : memref<!tpu.dma_semaphore, #tpu.memory_space<semaphore_mem>>)
      %mul3A_388 = arith.constant 4 : i32
      %mul3A_389 = arith.muli %add3A_280, %mul3A_388 : i32
      %add3A_390 = arith.addi %mul3A_4, %mul3A_389 : i32
      %add3A_391 = arith.constant 3 : i32
      %add3A_392 = arith.addi %add3A_390, %add3A_391 : i32
      %dma_start3A_393 = arith.constant 1 : i32
      %dma_start3A_394 = arith.constant 1 : i32
      %dma_start3A_395 = arith.constant 0 : i32
      %dma_start3A_396 = arith.constant 0 : i32
      %dma_start3A_397 = tpu.memref_slice %arg6[%dma_start3A_393, %dma_start3A_395, %dma_start3A_396] : memref<8x104x32xf32, #tpu.memory_space<vmem>> -> memref<1x104x32xf32, #tpu.memory_space<vmem>>
      %dma_start3A_398 = tpu.memref_squeeze %dma_start3A_397 : memref<1x104x32xf32, #tpu.memory_space<vmem>> -> memref<104x32xf32, #tpu.memory_space<vmem>>
      %dma_start3A_399 = arith.constant 78 : i32
      %dma_start3A_400 = arith.constant 0 : i32
      %dma_start3A_401 = tpu.memref_slice %dma_start3A_398[%dma_start3A_399, %dma_start3A_400] : memref<104x32xf32, #tpu.memory_space<vmem>> -> memref<26x32xf32, #tpu.memory_space<vmem>>
      %dma_start3A_402 = arith.constant 0 : i32
      %dma_start3A_403 = arith.constant 0 : i32
      %dma_start3A_404 = tpu.memref_slice %arg4[%add3A_392, %dma_start3A_402, %dma_start3A_403] : memref<16384x32x128xf32, #tpu.memory_space<hbm>> -> memref<1x26x32xf32, #tpu.memory_space<hbm>>
      %dma_start3A_405 = tpu.memref_squeeze %dma_start3A_404 : memref<1x26x32xf32, #tpu.memory_space<hbm>> -> memref<26x32xf32, #tpu.memory_space<hbm>>
      %dma_start3A_406 = tpu.memref_slice %arg8[%dma_start3A_394] : memref<8x!tpu.dma_semaphore, #tpu.memory_space<semaphore_mem>> -> memref<1x!tpu.dma_semaphore, #tpu.memory_space<semaphore_mem>>
      %dma_start3A_407 = tpu.memref_squeeze %dma_start3A_406 : memref<1x!tpu.dma_semaphore, #tpu.memory_space<semaphore_mem>> -> memref<!tpu.dma_semaphore, #tpu.memory_space<semaphore_mem>>
      %dma_start3A_408 = arith.constant 0 : i32
      %dma_start3A_409 = arith.constant 0 : i32
      %dma_start3A_410 = tpu.memref_slice %arg4[%add3A_392, %dma_start3A_408, %dma_start3A_409] : memref<16384x32x128xf32, #tpu.memory_space<hbm>> -> memref<1x26x32xf32, #tpu.memory_space<hbm>>
      %dma_start3A_411 = tpu.memref_squeeze %dma_start3A_410 : memref<1x26x32xf32, #tpu.memory_space<hbm>> -> memref<26x32xf32, #tpu.memory_space<hbm>>
      %dma_start3A_412 = arith.constant 0 : i32
      %dma_start3A_413 = arith.constant 0 : i32
      %dma_start3A_414 = tpu.memref_slice %arg6[%dma_start3A_393, %dma_start3A_412, %dma_start3A_413] : memref<8x104x32xf32, #tpu.memory_space<vmem>> -> memref<1x104x32xf32, #tpu.memory_space<vmem>>
      %dma_start3A_415 = tpu.memref_squeeze %dma_start3A_414 : memref<1x104x32xf32, #tpu.memory_space<vmem>> -> memref<104x32xf32, #tpu.memory_space<vmem>>
      %dma_start3A_416 = arith.constant 78 : i32
      %dma_start3A_417 = arith.constant 0 : i32
      %dma_start3A_418 = tpu.memref_slice %dma_start3A_415[%dma_start3A_416, %dma_start3A_417] : memref<104x32xf32, #tpu.memory_space<vmem>> -> memref<26x32xf32, #tpu.memory_space<vmem>>
      tpu.enqueue_dma source(%dma_start3A_418 : memref<26x32xf32, #tpu.memory_space<vmem>>) target(%dma_start3A_411 : memref<26x32xf32, #tpu.memory_space<hbm>>) target_semaphore(%dma_start3A_407 : memref<!tpu.dma_semaphore, #tpu.memory_space<semaphore_mem>>)
      %add3A_419 = arith.constant 2 : i32
      %add3A_420 = arith.addi %mul3A_12, %add3A_419 : i32
      %mul3A_421 = arith.constant 104 : i32
      %mul3A_422 = arith.muli %add3A_420, %mul3A_421 : i32
      %dma_wait3A_423 = arith.constant 2 : i32
      %dma_wait3A_424 = arith.constant 2 : i32
      %dma_wait3A_425 = arith.constant 0 : i32
      %dma_wait3A_426 = arith.constant 0 : i32
      %dma_wait3A_427 = tpu.memref_slice %arg6[%dma_wait3A_423, %dma_wait3A_425, %dma_wait3A_426] : memref<8x104x32xf32, #tpu.memory_space<vmem>> -> memref<1x104x32xf32, #tpu.memory_space<vmem>>
      %dma_wait3A_428 = tpu.memref_squeeze %dma_wait3A_427 : memref<1x104x32xf32, #tpu.memory_space<vmem>> -> memref<104x32xf32, #tpu.memory_space<vmem>>
      %dma_wait3A_429 = tpu.memref_slice %arg5[%mul3A_422] : memref<13312xi32, #tpu.memory_space<vmem>> -> memref<104xi32, #tpu.memory_space<vmem>>
      %dma_wait3A_430 = arith.constant 0 : i32
      %dma_wait3A_431 = arith.constant 0 : i32
      %dma_wait3A_432 = tpu.memref_slice %arg3[%dma_wait3A_430, %dma_wait3A_431] : memref<1000000x32xf32, #tpu.memory_space<hbm>> -> memref<1000000x32xf32, #tpu.memory_space<hbm>>
      %dma_wait3A_433 = tpu.memref_slice %arg7[%dma_wait3A_424] : memref<8x!tpu.dma_semaphore, #tpu.memory_space<semaphore_mem>> -> memref<1x!tpu.dma_semaphore, #tpu.memory_space<semaphore_mem>>
      %dma_wait3A_434 = tpu.memref_squeeze %dma_wait3A_433 : memref<1x!tpu.dma_semaphore, #tpu.memory_space<semaphore_mem>> -> memref<!tpu.dma_semaphore, #tpu.memory_space<semaphore_mem>>
      tpu.wait_indirect_dma semaphore(%dma_wait3A_434 : memref<!tpu.dma_semaphore, #tpu.memory_space<semaphore_mem>>) src(%dma_wait3A_432 : memref<1000000x32xf32, #tpu.memory_space<hbm>>) dst(%dma_wait3A_428 : memref<104x32xf32, #tpu.memory_space<vmem>>)
      %mul3A_435 = arith.constant 4 : i32
      %mul3A_436 = arith.muli %add3A_420, %mul3A_435 : i32
      %add3A_437 = arith.addi %mul3A_4, %mul3A_436 : i32
      %add3A_438 = arith.constant 0 : i32
      %add3A_439 = arith.addi %add3A_437, %add3A_438 : i32
      %dma_start3A_440 = arith.constant 2 : i32
      %dma_start3A_441 = arith.constant 2 : i32
      %dma_start3A_442 = arith.constant 0 : i32
      %dma_start3A_443 = arith.constant 0 : i32
      %dma_start3A_444 = tpu.memref_slice %arg6[%dma_start3A_440, %dma_start3A_442, %dma_start3A_443] : memref<8x104x32xf32, #tpu.memory_space<vmem>> -> memref<1x104x32xf32, #tpu.memory_space<vmem>>
      %dma_start3A_445 = tpu.memref_squeeze %dma_start3A_444 : memref<1x104x32xf32, #tpu.memory_space<vmem>> -> memref<104x32xf32, #tpu.memory_space<vmem>>
      %dma_start3A_446 = arith.constant 0 : i32
      %dma_start3A_447 = arith.constant 0 : i32
      %dma_start3A_448 = tpu.memref_slice %dma_start3A_445[%dma_start3A_446, %dma_start3A_447] : memref<104x32xf32, #tpu.memory_space<vmem>> -> memref<26x32xf32, #tpu.memory_space<vmem>>
      %dma_start3A_449 = arith.constant 0 : i32
      %dma_start3A_450 = arith.constant 0 : i32
      %dma_start3A_451 = tpu.memref_slice %arg4[%add3A_439, %dma_start3A_449, %dma_start3A_450] : memref<16384x32x128xf32, #tpu.memory_space<hbm>> -> memref<1x26x32xf32, #tpu.memory_space<hbm>>
      %dma_start3A_452 = tpu.memref_squeeze %dma_start3A_451 : memref<1x26x32xf32, #tpu.memory_space<hbm>> -> memref<26x32xf32, #tpu.memory_space<hbm>>
      %dma_start3A_453 = tpu.memref_slice %arg8[%dma_start3A_441] : memref<8x!tpu.dma_semaphore, #tpu.memory_space<semaphore_mem>> -> memref<1x!tpu.dma_semaphore, #tpu.memory_space<semaphore_mem>>
      %dma_start3A_454 = tpu.memref_squeeze %dma_start3A_453 : memref<1x!tpu.dma_semaphore, #tpu.memory_space<semaphore_mem>> -> memref<!tpu.dma_semaphore, #tpu.memory_space<semaphore_mem>>
      %dma_start3A_455 = arith.constant 0 : i32
      %dma_start3A_456 = arith.constant 0 : i32
      %dma_start3A_457 = tpu.memref_slice %arg4[%add3A_439, %dma_start3A_455, %dma_start3A_456] : memref<16384x32x128xf32, #tpu.memory_space<hbm>> -> memref<1x26x32xf32, #tpu.memory_space<hbm>>
      %dma_start3A_458 = tpu.memref_squeeze %dma_start3A_457 : memref<1x26x32xf32, #tpu.memory_space<hbm>> -> memref<26x32xf32, #tpu.memory_space<hbm>>
      %dma_start3A_459 = arith.constant 0 : i32
      %dma_start3A_460 = arith.constant 0 : i32
      %dma_start3A_461 = tpu.memref_slice %arg6[%dma_start3A_440, %dma_start3A_459, %dma_start3A_460] : memref<8x104x32xf32, #tpu.memory_space<vmem>> -> memref<1x104x32xf32, #tpu.memory_space<vmem>>
      %dma_start3A_462 = tpu.memref_squeeze %dma_start3A_461 : memref<1x104x32xf32, #tpu.memory_space<vmem>> -> memref<104x32xf32, #tpu.memory_space<vmem>>
      %dma_start3A_463 = arith.constant 0 : i32
      %dma_start3A_464 = arith.constant 0 : i32
      %dma_start3A_465 = tpu.memref_slice %dma_start3A_462[%dma_start3A_463, %dma_start3A_464] : memref<104x32xf32, #tpu.memory_space<vmem>> -> memref<26x32xf32, #tpu.memory_space<vmem>>
      tpu.enqueue_dma source(%dma_start3A_465 : memref<26x32xf32, #tpu.memory_space<vmem>>) target(%dma_start3A_458 : memref<26x32xf32, #tpu.memory_space<hbm>>) target_semaphore(%dma_start3A_454 : memref<!tpu.dma_semaphore, #tpu.memory_space<semaphore_mem>>)
      %mul3A_466 = arith.constant 4 : i32
      %mul3A_467 = arith.muli %add3A_420, %mul3A_466 : i32
      %add3A_468 = arith.addi %mul3A_4, %mul3A_467 : i32
      %add3A_469 = arith.constant 1 : i32
      %add3A_470 = arith.addi %add3A_468, %add3A_469 : i32
      %dma_start3A_471 = arith.constant 2 : i32
      %dma_start3A_472 = arith.constant 2 : i32
      %dma_start3A_473 = arith.constant 0 : i32
      %dma_start3A_474 = arith.constant 0 : i32
      %dma_start3A_475 = tpu.memref_slice %arg6[%dma_start3A_471, %dma_start3A_473, %dma_start3A_474] : memref<8x104x32xf32, #tpu.memory_space<vmem>> -> memref<1x104x32xf32, #tpu.memory_space<vmem>>
      %dma_start3A_476 = tpu.memref_squeeze %dma_start3A_475 : memref<1x104x32xf32, #tpu.memory_space<vmem>> -> memref<104x32xf32, #tpu.memory_space<vmem>>
      %dma_start3A_477 = arith.constant 26 : i32
      %dma_start3A_478 = arith.constant 0 : i32
      %dma_start3A_479 = tpu.memref_slice %dma_start3A_476[%dma_start3A_477, %dma_start3A_478] : memref<104x32xf32, #tpu.memory_space<vmem>> -> memref<26x32xf32, #tpu.memory_space<vmem>>
      %dma_start3A_480 = arith.constant 0 : i32
      %dma_start3A_481 = arith.constant 0 : i32
      %dma_start3A_482 = tpu.memref_slice %arg4[%add3A_470, %dma_start3A_480, %dma_start3A_481] : memref<16384x32x128xf32, #tpu.memory_space<hbm>> -> memref<1x26x32xf32, #tpu.memory_space<hbm>>
      %dma_start3A_483 = tpu.memref_squeeze %dma_start3A_482 : memref<1x26x32xf32, #tpu.memory_space<hbm>> -> memref<26x32xf32, #tpu.memory_space<hbm>>
      %dma_start3A_484 = tpu.memref_slice %arg8[%dma_start3A_472] : memref<8x!tpu.dma_semaphore, #tpu.memory_space<semaphore_mem>> -> memref<1x!tpu.dma_semaphore, #tpu.memory_space<semaphore_mem>>
      %dma_start3A_485 = tpu.memref_squeeze %dma_start3A_484 : memref<1x!tpu.dma_semaphore, #tpu.memory_space<semaphore_mem>> -> memref<!tpu.dma_semaphore, #tpu.memory_space<semaphore_mem>>
      %dma_start3A_486 = arith.constant 0 : i32
      %dma_start3A_487 = arith.constant 0 : i32
      %dma_start3A_488 = tpu.memref_slice %arg4[%add3A_470, %dma_start3A_486, %dma_start3A_487] : memref<16384x32x128xf32, #tpu.memory_space<hbm>> -> memref<1x26x32xf32, #tpu.memory_space<hbm>>
      %dma_start3A_489 = tpu.memref_squeeze %dma_start3A_488 : memref<1x26x32xf32, #tpu.memory_space<hbm>> -> memref<26x32xf32, #tpu.memory_space<hbm>>
      %dma_start3A_490 = arith.constant 0 : i32
      %dma_start3A_491 = arith.constant 0 : i32
      %dma_start3A_492 = tpu.memref_slice %arg6[%dma_start3A_471, %dma_start3A_490, %dma_start3A_491] : memref<8x104x32xf32, #tpu.memory_space<vmem>> -> memref<1x104x32xf32, #tpu.memory_space<vmem>>
      %dma_start3A_493 = tpu.memref_squeeze %dma_start3A_492 : memref<1x104x32xf32, #tpu.memory_space<vmem>> -> memref<104x32xf32, #tpu.memory_space<vmem>>
      %dma_start3A_494 = arith.constant 26 : i32
      %dma_start3A_495 = arith.constant 0 : i32
      %dma_start3A_496 = tpu.memref_slice %dma_start3A_493[%dma_start3A_494, %dma_start3A_495] : memref<104x32xf32, #tpu.memory_space<vmem>> -> memref<26x32xf32, #tpu.memory_space<vmem>>
      tpu.enqueue_dma source(%dma_start3A_496 : memref<26x32xf32, #tpu.memory_space<vmem>>) target(%dma_start3A_489 : memref<26x32xf32, #tpu.memory_space<hbm>>) target_semaphore(%dma_start3A_485 : memref<!tpu.dma_semaphore, #tpu.memory_space<semaphore_mem>>)
      %mul3A_497 = arith.constant 4 : i32
      %mul3A_498 = arith.muli %add3A_420, %mul3A_497 : i32
      %add3A_499 = arith.addi %mul3A_4, %mul3A_498 : i32
      %add3A_500 = arith.constant 2 : i32
      %add3A_501 = arith.addi %add3A_499, %add3A_500 : i32
      %dma_start3A_502 = arith.constant 2 : i32
      %dma_start3A_503 = arith.constant 2 : i32
      %dma_start3A_504 = arith.constant 0 : i32
      %dma_start3A_505 = arith.constant 0 : i32
      %dma_start3A_506 = tpu.memref_slice %arg6[%dma_start3A_502, %dma_start3A_504, %dma_start3A_505] : memref<8x104x32xf32, #tpu.memory_space<vmem>> -> memref<1x104x32xf32, #tpu.memory_space<vmem>>
      %dma_start3A_507 = tpu.memref_squeeze %dma_start3A_506 : memref<1x104x32xf32, #tpu.memory_space<vmem>> -> memref<104x32xf32, #tpu.memory_space<vmem>>
      %dma_start3A_508 = arith.constant 52 : i32
      %dma_start3A_509 = arith.constant 0 : i32
      %dma_start3A_510 = tpu.memref_slice %dma_start3A_507[%dma_start3A_508, %dma_start3A_509] : memref<104x32xf32, #tpu.memory_space<vmem>> -> memref<26x32xf32, #tpu.memory_space<vmem>>
      %dma_start3A_511 = arith.constant 0 : i32
      %dma_start3A_512 = arith.constant 0 : i32
      %dma_start3A_513 = tpu.memref_slice %arg4[%add3A_501, %dma_start3A_511, %dma_start3A_512] : memref<16384x32x128xf32, #tpu.memory_space<hbm>> -> memref<1x26x32xf32, #tpu.memory_space<hbm>>
      %dma_start3A_514 = tpu.memref_squeeze %dma_start3A_513 : memref<1x26x32xf32, #tpu.memory_space<hbm>> -> memref<26x32xf32, #tpu.memory_space<hbm>>
      %dma_start3A_515 = tpu.memref_slice %arg8[%dma_start3A_503] : memref<8x!tpu.dma_semaphore, #tpu.memory_space<semaphore_mem>> -> memref<1x!tpu.dma_semaphore, #tpu.memory_space<semaphore_mem>>
      %dma_start3A_516 = tpu.memref_squeeze %dma_start3A_515 : memref<1x!tpu.dma_semaphore, #tpu.memory_space<semaphore_mem>> -> memref<!tpu.dma_semaphore, #tpu.memory_space<semaphore_mem>>
      %dma_start3A_517 = arith.constant 0 : i32
      %dma_start3A_518 = arith.constant 0 : i32
      %dma_start3A_519 = tpu.memref_slice %arg4[%add3A_501, %dma_start3A_517, %dma_start3A_518] : memref<16384x32x128xf32, #tpu.memory_space<hbm>> -> memref<1x26x32xf32, #tpu.memory_space<hbm>>
      %dma_start3A_520 = tpu.memref_squeeze %dma_start3A_519 : memref<1x26x32xf32, #tpu.memory_space<hbm>> -> memref<26x32xf32, #tpu.memory_space<hbm>>
      %dma_start3A_521 = arith.constant 0 : i32
      %dma_start3A_522 = arith.constant 0 : i32
      %dma_start3A_523 = tpu.memref_slice %arg6[%dma_start3A_502, %dma_start3A_521, %dma_start3A_522] : memref<8x104x32xf32, #tpu.memory_space<vmem>> -> memref<1x104x32xf32, #tpu.memory_space<vmem>>
      %dma_start3A_524 = tpu.memref_squeeze %dma_start3A_523 : memref<1x104x32xf32, #tpu.memory_space<vmem>> -> memref<104x32xf32, #tpu.memory_space<vmem>>
      %dma_start3A_525 = arith.constant 52 : i32
      %dma_start3A_526 = arith.constant 0 : i32
      %dma_start3A_527 = tpu.memref_slice %dma_start3A_524[%dma_start3A_525, %dma_start3A_526] : memref<104x32xf32, #tpu.memory_space<vmem>> -> memref<26x32xf32, #tpu.memory_space<vmem>>
      tpu.enqueue_dma source(%dma_start3A_527 : memref<26x32xf32, #tpu.memory_space<vmem>>) target(%dma_start3A_520 : memref<26x32xf32, #tpu.memory_space<hbm>>) target_semaphore(%dma_start3A_516 : memref<!tpu.dma_semaphore, #tpu.memory_space<semaphore_mem>>)
      %mul3A_528 = arith.constant 4 : i32
      %mul3A_529 = arith.muli %add3A_420, %mul3A_528 : i32
      %add3A_530 = arith.addi %mul3A_4, %mul3A_529 : i32
      %add3A_531 = arith.constant 3 : i32
      %add3A_532 = arith.addi %add3A_530, %add3A_531 : i32
      %dma_start3A_533 = arith.constant 2 : i32
      %dma_start3A_534 = arith.constant 2 : i32
      %dma_start3A_535 = arith.constant 0 : i32
      %dma_start3A_536 = arith.constant 0 : i32
      %dma_start3A_537 = tpu.memref_slice %arg6[%dma_start3A_533, %dma_start3A_535, %dma_start3A_536] : memref<8x104x32xf32, #tpu.memory_space<vmem>> -> memref<1x104x32xf32, #tpu.memory_space<vmem>>
      %dma_start3A_538 = tpu.memref_squeeze %dma_start3A_537 : memref<1x104x32xf32, #tpu.memory_space<vmem>> -> memref<104x32xf32, #tpu.memory_space<vmem>>
      %dma_start3A_539 = arith.constant 78 : i32
      %dma_start3A_540 = arith.constant 0 : i32
      %dma_start3A_541 = tpu.memref_slice %dma_start3A_538[%dma_start3A_539, %dma_start3A_540] : memref<104x32xf32, #tpu.memory_space<vmem>> -> memref<26x32xf32, #tpu.memory_space<vmem>>
      %dma_start3A_542 = arith.constant 0 : i32
      %dma_start3A_543 = arith.constant 0 : i32
      %dma_start3A_544 = tpu.memref_slice %arg4[%add3A_532, %dma_start3A_542, %dma_start3A_543] : memref<16384x32x128xf32, #tpu.memory_space<hbm>> -> memref<1x26x32xf32, #tpu.memory_space<hbm>>
      %dma_start3A_545 = tpu.memref_squeeze %dma_start3A_544 : memref<1x26x32xf32, #tpu.memory_space<hbm>> -> memref<26x32xf32, #tpu.memory_space<hbm>>
      %dma_start3A_546 = tpu.memref_slice %arg8[%dma_start3A_534] : memref<8x!tpu.dma_semaphore, #tpu.memory_space<semaphore_mem>> -> memref<1x!tpu.dma_semaphore, #tpu.memory_space<semaphore_mem>>
      %dma_start3A_547 = tpu.memref_squeeze %dma_start3A_546 : memref<1x!tpu.dma_semaphore, #tpu.memory_space<semaphore_mem>> -> memref<!tpu.dma_semaphore, #tpu.memory_space<semaphore_mem>>
      %dma_start3A_548 = arith.constant 0 : i32
      %dma_start3A_549 = arith.constant 0 : i32
      %dma_start3A_550 = tpu.memref_slice %arg4[%add3A_532, %dma_start3A_548, %dma_start3A_549] : memref<16384x32x128xf32, #tpu.memory_space<hbm>> -> memref<1x26x32xf32, #tpu.memory_space<hbm>>
      %dma_start3A_551 = tpu.memref_squeeze %dma_start3A_550 : memref<1x26x32xf32, #tpu.memory_space<hbm>> -> memref<26x32xf32, #tpu.memory_space<hbm>>
      %dma_start3A_552 = arith.constant 0 : i32
      %dma_start3A_553 = arith.constant 0 : i32
      %dma_start3A_554 = tpu.memref_slice %arg6[%dma_start3A_533, %dma_start3A_552, %dma_start3A_553] : memref<8x104x32xf32, #tpu.memory_space<vmem>> -> memref<1x104x32xf32, #tpu.memory_space<vmem>>
      %dma_start3A_555 = tpu.memref_squeeze %dma_start3A_554 : memref<1x104x32xf32, #tpu.memory_space<vmem>> -> memref<104x32xf32, #tpu.memory_space<vmem>>
      %dma_start3A_556 = arith.constant 78 : i32
      %dma_start3A_557 = arith.constant 0 : i32
      %dma_start3A_558 = tpu.memref_slice %dma_start3A_555[%dma_start3A_556, %dma_start3A_557] : memref<104x32xf32, #tpu.memory_space<vmem>> -> memref<26x32xf32, #tpu.memory_space<vmem>>
      tpu.enqueue_dma source(%dma_start3A_558 : memref<26x32xf32, #tpu.memory_space<vmem>>) target(%dma_start3A_551 : memref<26x32xf32, #tpu.memory_space<hbm>>) target_semaphore(%dma_start3A_547 : memref<!tpu.dma_semaphore, #tpu.memory_space<semaphore_mem>>)
      %add3A_559 = arith.constant 3 : i32
      %add3A_560 = arith.addi %mul3A_12, %add3A_559 : i32
      %mul3A_561 = arith.constant 104 : i32
      %mul3A_562 = arith.muli %add3A_560, %mul3A_561 : i32
      %dma_wait3A_563 = arith.constant 3 : i32
      %dma_wait3A_564 = arith.constant 3 : i32
      %dma_wait3A_565 = arith.constant 0 : i32
      %dma_wait3A_566 = arith.constant 0 : i32
      %dma_wait3A_567 = tpu.memref_slice %arg6[%dma_wait3A_563, %dma_wait3A_565, %dma_wait3A_566] : memref<8x104x32xf32, #tpu.memory_space<vmem>> -> memref<1x104x32xf32, #tpu.memory_space<vmem>>
      %dma_wait3A_568 = tpu.memref_squeeze %dma_wait3A_567 : memref<1x104x32xf32, #tpu.memory_space<vmem>> -> memref<104x32xf32, #tpu.memory_space<vmem>>
      %dma_wait3A_569 = tpu.memref_slice %arg5[%mul3A_562] : memref<13312xi32, #tpu.memory_space<vmem>> -> memref<104xi32, #tpu.memory_space<vmem>>
      %dma_wait3A_570 = arith.constant 0 : i32
      %dma_wait3A_571 = arith.constant 0 : i32
      %dma_wait3A_572 = tpu.memref_slice %arg3[%dma_wait3A_570, %dma_wait3A_571] : memref<1000000x32xf32, #tpu.memory_space<hbm>> -> memref<1000000x32xf32, #tpu.memory_space<hbm>>
      %dma_wait3A_573 = tpu.memref_slice %arg7[%dma_wait3A_564] : memref<8x!tpu.dma_semaphore, #tpu.memory_space<semaphore_mem>> -> memref<1x!tpu.dma_semaphore, #tpu.memory_space<semaphore_mem>>
      %dma_wait3A_574 = tpu.memref_squeeze %dma_wait3A_573 : memref<1x!tpu.dma_semaphore, #tpu.memory_space<semaphore_mem>> -> memref<!tpu.dma_semaphore, #tpu.memory_space<semaphore_mem>>
      tpu.wait_indirect_dma semaphore(%dma_wait3A_574 : memref<!tpu.dma_semaphore, #tpu.memory_space<semaphore_mem>>) src(%dma_wait3A_572 : memref<1000000x32xf32, #tpu.memory_space<hbm>>) dst(%dma_wait3A_568 : memref<104x32xf32, #tpu.memory_space<vmem>>)
      %mul3A_575 = arith.constant 4 : i32
      %mul3A_576 = arith.muli %add3A_560, %mul3A_575 : i32
      %add3A_577 = arith.addi %mul3A_4, %mul3A_576 : i32
      %add3A_578 = arith.constant 0 : i32
      %add3A_579 = arith.addi %add3A_577, %add3A_578 : i32
      %dma_start3A_580 = arith.constant 3 : i32
      %dma_start3A_581 = arith.constant 3 : i32
      %dma_start3A_582 = arith.constant 0 : i32
      %dma_start3A_583 = arith.constant 0 : i32
      %dma_start3A_584 = tpu.memref_slice %arg6[%dma_start3A_580, %dma_start3A_582, %dma_start3A_583] : memref<8x104x32xf32, #tpu.memory_space<vmem>> -> memref<1x104x32xf32, #tpu.memory_space<vmem>>
      %dma_start3A_585 = tpu.memref_squeeze %dma_start3A_584 : memref<1x104x32xf32, #tpu.memory_space<vmem>> -> memref<104x32xf32, #tpu.memory_space<vmem>>
      %dma_start3A_586 = arith.constant 0 : i32
      %dma_start3A_587 = arith.constant 0 : i32
      %dma_start3A_588 = tpu.memref_slice %dma_start3A_585[%dma_start3A_586, %dma_start3A_587] : memref<104x32xf32, #tpu.memory_space<vmem>> -> memref<26x32xf32, #tpu.memory_space<vmem>>
      %dma_start3A_589 = arith.constant 0 : i32
      %dma_start3A_590 = arith.constant 0 : i32
      %dma_start3A_591 = tpu.memref_slice %arg4[%add3A_579, %dma_start3A_589, %dma_start3A_590] : memref<16384x32x128xf32, #tpu.memory_space<hbm>> -> memref<1x26x32xf32, #tpu.memory_space<hbm>>
      %dma_start3A_592 = tpu.memref_squeeze %dma_start3A_591 : memref<1x26x32xf32, #tpu.memory_space<hbm>> -> memref<26x32xf32, #tpu.memory_space<hbm>>
      %dma_start3A_593 = tpu.memref_slice %arg8[%dma_start3A_581] : memref<8x!tpu.dma_semaphore, #tpu.memory_space<semaphore_mem>> -> memref<1x!tpu.dma_semaphore, #tpu.memory_space<semaphore_mem>>
      %dma_start3A_594 = tpu.memref_squeeze %dma_start3A_593 : memref<1x!tpu.dma_semaphore, #tpu.memory_space<semaphore_mem>> -> memref<!tpu.dma_semaphore, #tpu.memory_space<semaphore_mem>>
      %dma_start3A_595 = arith.constant 0 : i32
      %dma_start3A_596 = arith.constant 0 : i32
      %dma_start3A_597 = tpu.memref_slice %arg4[%add3A_579, %dma_start3A_595, %dma_start3A_596] : memref<16384x32x128xf32, #tpu.memory_space<hbm>> -> memref<1x26x32xf32, #tpu.memory_space<hbm>>
      %dma_start3A_598 = tpu.memref_squeeze %dma_start3A_597 : memref<1x26x32xf32, #tpu.memory_space<hbm>> -> memref<26x32xf32, #tpu.memory_space<hbm>>
      %dma_start3A_599 = arith.constant 0 : i32
      %dma_start3A_600 = arith.constant 0 : i32
      %dma_start3A_601 = tpu.memref_slice %arg6[%dma_start3A_580, %dma_start3A_599, %dma_start3A_600] : memref<8x104x32xf32, #tpu.memory_space<vmem>> -> memref<1x104x32xf32, #tpu.memory_space<vmem>>
      %dma_start3A_602 = tpu.memref_squeeze %dma_start3A_601 : memref<1x104x32xf32, #tpu.memory_space<vmem>> -> memref<104x32xf32, #tpu.memory_space<vmem>>
      %dma_start3A_603 = arith.constant 0 : i32
      %dma_start3A_604 = arith.constant 0 : i32
      %dma_start3A_605 = tpu.memref_slice %dma_start3A_602[%dma_start3A_603, %dma_start3A_604] : memref<104x32xf32, #tpu.memory_space<vmem>> -> memref<26x32xf32, #tpu.memory_space<vmem>>
      tpu.enqueue_dma source(%dma_start3A_605 : memref<26x32xf32, #tpu.memory_space<vmem>>) target(%dma_start3A_598 : memref<26x32xf32, #tpu.memory_space<hbm>>) target_semaphore(%dma_start3A_594 : memref<!tpu.dma_semaphore, #tpu.memory_space<semaphore_mem>>)
      %mul3A_606 = arith.constant 4 : i32
      %mul3A_607 = arith.muli %add3A_560, %mul3A_606 : i32
      %add3A_608 = arith.addi %mul3A_4, %mul3A_607 : i32
      %add3A_609 = arith.constant 1 : i32
      %add3A_610 = arith.addi %add3A_608, %add3A_609 : i32
      %dma_start3A_611 = arith.constant 3 : i32
      %dma_start3A_612 = arith.constant 3 : i32
      %dma_start3A_613 = arith.constant 0 : i32
      %dma_start3A_614 = arith.constant 0 : i32
      %dma_start3A_615 = tpu.memref_slice %arg6[%dma_start3A_611, %dma_start3A_613, %dma_start3A_614] : memref<8x104x32xf32, #tpu.memory_space<vmem>> -> memref<1x104x32xf32, #tpu.memory_space<vmem>>
      %dma_start3A_616 = tpu.memref_squeeze %dma_start3A_615 : memref<1x104x32xf32, #tpu.memory_space<vmem>> -> memref<104x32xf32, #tpu.memory_space<vmem>>
      %dma_start3A_617 = arith.constant 26 : i32
      %dma_start3A_618 = arith.constant 0 : i32
      %dma_start3A_619 = tpu.memref_slice %dma_start3A_616[%dma_start3A_617, %dma_start3A_618] : memref<104x32xf32, #tpu.memory_space<vmem>> -> memref<26x32xf32, #tpu.memory_space<vmem>>
      %dma_start3A_620 = arith.constant 0 : i32
      %dma_start3A_621 = arith.constant 0 : i32
      %dma_start3A_622 = tpu.memref_slice %arg4[%add3A_610, %dma_start3A_620, %dma_start3A_621] : memref<16384x32x128xf32, #tpu.memory_space<hbm>> -> memref<1x26x32xf32, #tpu.memory_space<hbm>>
      %dma_start3A_623 = tpu.memref_squeeze %dma_start3A_622 : memref<1x26x32xf32, #tpu.memory_space<hbm>> -> memref<26x32xf32, #tpu.memory_space<hbm>>
      %dma_start3A_624 = tpu.memref_slice %arg8[%dma_start3A_612] : memref<8x!tpu.dma_semaphore, #tpu.memory_space<semaphore_mem>> -> memref<1x!tpu.dma_semaphore, #tpu.memory_space<semaphore_mem>>
      %dma_start3A_625 = tpu.memref_squeeze %dma_start3A_624 : memref<1x!tpu.dma_semaphore, #tpu.memory_space<semaphore_mem>> -> memref<!tpu.dma_semaphore, #tpu.memory_space<semaphore_mem>>
      %dma_start3A_626 = arith.constant 0 : i32
      %dma_start3A_627 = arith.constant 0 : i32
      %dma_start3A_628 = tpu.memref_slice %arg4[%add3A_610, %dma_start3A_626, %dma_start3A_627] : memref<16384x32x128xf32, #tpu.memory_space<hbm>> -> memref<1x26x32xf32, #tpu.memory_space<hbm>>
      %dma_start3A_629 = tpu.memref_squeeze %dma_start3A_628 : memref<1x26x32xf32, #tpu.memory_space<hbm>> -> memref<26x32xf32, #tpu.memory_space<hbm>>
      %dma_start3A_630 = arith.constant 0 : i32
      %dma_start3A_631 = arith.constant 0 : i32
      %dma_start3A_632 = tpu.memref_slice %arg6[%dma_start3A_611, %dma_start3A_630, %dma_start3A_631] : memref<8x104x32xf32, #tpu.memory_space<vmem>> -> memref<1x104x32xf32, #tpu.memory_space<vmem>>
      %dma_start3A_633 = tpu.memref_squeeze %dma_start3A_632 : memref<1x104x32xf32, #tpu.memory_space<vmem>> -> memref<104x32xf32, #tpu.memory_space<vmem>>
      %dma_start3A_634 = arith.constant 26 : i32
      %dma_start3A_635 = arith.constant 0 : i32
      %dma_start3A_636 = tpu.memref_slice %dma_start3A_633[%dma_start3A_634, %dma_start3A_635] : memref<104x32xf32, #tpu.memory_space<vmem>> -> memref<26x32xf32, #tpu.memory_space<vmem>>
      tpu.enqueue_dma source(%dma_start3A_636 : memref<26x32xf32, #tpu.memory_space<vmem>>) target(%dma_start3A_629 : memref<26x32xf32, #tpu.memory_space<hbm>>) target_semaphore(%dma_start3A_625 : memref<!tpu.dma_semaphore, #tpu.memory_space<semaphore_mem>>)
      %mul3A_637 = arith.constant 4 : i32
      %mul3A_638 = arith.muli %add3A_560, %mul3A_637 : i32
      %add3A_639 = arith.addi %mul3A_4, %mul3A_638 : i32
      %add3A_640 = arith.constant 2 : i32
      %add3A_641 = arith.addi %add3A_639, %add3A_640 : i32
      %dma_start3A_642 = arith.constant 3 : i32
      %dma_start3A_643 = arith.constant 3 : i32
      %dma_start3A_644 = arith.constant 0 : i32
      %dma_start3A_645 = arith.constant 0 : i32
      %dma_start3A_646 = tpu.memref_slice %arg6[%dma_start3A_642, %dma_start3A_644, %dma_start3A_645] : memref<8x104x32xf32, #tpu.memory_space<vmem>> -> memref<1x104x32xf32, #tpu.memory_space<vmem>>
      %dma_start3A_647 = tpu.memref_squeeze %dma_start3A_646 : memref<1x104x32xf32, #tpu.memory_space<vmem>> -> memref<104x32xf32, #tpu.memory_space<vmem>>
      %dma_start3A_648 = arith.constant 52 : i32
      %dma_start3A_649 = arith.constant 0 : i32
      %dma_start3A_650 = tpu.memref_slice %dma_start3A_647[%dma_start3A_648, %dma_start3A_649] : memref<104x32xf32, #tpu.memory_space<vmem>> -> memref<26x32xf32, #tpu.memory_space<vmem>>
      %dma_start3A_651 = arith.constant 0 : i32
      %dma_start3A_652 = arith.constant 0 : i32
      %dma_start3A_653 = tpu.memref_slice %arg4[%add3A_641, %dma_start3A_651, %dma_start3A_652] : memref<16384x32x128xf32, #tpu.memory_space<hbm>> -> memref<1x26x32xf32, #tpu.memory_space<hbm>>
      %dma_start3A_654 = tpu.memref_squeeze %dma_start3A_653 : memref<1x26x32xf32, #tpu.memory_space<hbm>> -> memref<26x32xf32, #tpu.memory_space<hbm>>
      %dma_start3A_655 = tpu.memref_slice %arg8[%dma_start3A_643] : memref<8x!tpu.dma_semaphore, #tpu.memory_space<semaphore_mem>> -> memref<1x!tpu.dma_semaphore, #tpu.memory_space<semaphore_mem>>
      %dma_start3A_656 = tpu.memref_squeeze %dma_start3A_655 : memref<1x!tpu.dma_semaphore, #tpu.memory_space<semaphore_mem>> -> memref<!tpu.dma_semaphore, #tpu.memory_space<semaphore_mem>>
      %dma_start3A_657 = arith.constant 0 : i32
      %dma_start3A_658 = arith.constant 0 : i32
      %dma_start3A_659 = tpu.memref_slice %arg4[%add3A_641, %dma_start3A_657, %dma_start3A_658] : memref<16384x32x128xf32, #tpu.memory_space<hbm>> -> memref<1x26x32xf32, #tpu.memory_space<hbm>>
      %dma_start3A_660 = tpu.memref_squeeze %dma_start3A_659 : memref<1x26x32xf32, #tpu.memory_space<hbm>> -> memref<26x32xf32, #tpu.memory_space<hbm>>
      %dma_start3A_661 = arith.constant 0 : i32
      %dma_start3A_662 = arith.constant 0 : i32
      %dma_start3A_663 = tpu.memref_slice %arg6[%dma_start3A_642, %dma_start3A_661, %dma_start3A_662] : memref<8x104x32xf32, #tpu.memory_space<vmem>> -> memref<1x104x32xf32, #tpu.memory_space<vmem>>
      %dma_start3A_664 = tpu.memref_squeeze %dma_start3A_663 : memref<1x104x32xf32, #tpu.memory_space<vmem>> -> memref<104x32xf32, #tpu.memory_space<vmem>>
      %dma_start3A_665 = arith.constant 52 : i32
      %dma_start3A_666 = arith.constant 0 : i32
      %dma_start3A_667 = tpu.memref_slice %dma_start3A_664[%dma_start3A_665, %dma_start3A_666] : memref<104x32xf32, #tpu.memory_space<vmem>> -> memref<26x32xf32, #tpu.memory_space<vmem>>
      tpu.enqueue_dma source(%dma_start3A_667 : memref<26x32xf32, #tpu.memory_space<vmem>>) target(%dma_start3A_660 : memref<26x32xf32, #tpu.memory_space<hbm>>) target_semaphore(%dma_start3A_656 : memref<!tpu.dma_semaphore, #tpu.memory_space<semaphore_mem>>)
      %mul3A_668 = arith.constant 4 : i32
      %mul3A_669 = arith.muli %add3A_560, %mul3A_668 : i32
      %add3A_670 = arith.addi %mul3A_4, %mul3A_669 : i32
      %add3A_671 = arith.constant 3 : i32
      %add3A_672 = arith.addi %add3A_670, %add3A_671 : i32
      %dma_start3A_673 = arith.constant 3 : i32
      %dma_start3A_674 = arith.constant 3 : i32
      %dma_start3A_675 = arith.constant 0 : i32
      %dma_start3A_676 = arith.constant 0 : i32
      %dma_start3A_677 = tpu.memref_slice %arg6[%dma_start3A_673, %dma_start3A_675, %dma_start3A_676] : memref<8x104x32xf32, #tpu.memory_space<vmem>> -> memref<1x104x32xf32, #tpu.memory_space<vmem>>
      %dma_start3A_678 = tpu.memref_squeeze %dma_start3A_677 : memref<1x104x32xf32, #tpu.memory_space<vmem>> -> memref<104x32xf32, #tpu.memory_space<vmem>>
      %dma_start3A_679 = arith.constant 78 : i32
      %dma_start3A_680 = arith.constant 0 : i32
      %dma_start3A_681 = tpu.memref_slice %dma_start3A_678[%dma_start3A_679, %dma_start3A_680] : memref<104x32xf32, #tpu.memory_space<vmem>> -> memref<26x32xf32, #tpu.memory_space<vmem>>
      %dma_start3A_682 = arith.constant 0 : i32
      %dma_start3A_683 = arith.constant 0 : i32
      %dma_start3A_684 = tpu.memref_slice %arg4[%add3A_672, %dma_start3A_682, %dma_start3A_683] : memref<16384x32x128xf32, #tpu.memory_space<hbm>> -> memref<1x26x32xf32, #tpu.memory_space<hbm>>
      %dma_start3A_685 = tpu.memref_squeeze %dma_start3A_684 : memref<1x26x32xf32, #tpu.memory_space<hbm>> -> memref<26x32xf32, #tpu.memory_space<hbm>>
      %dma_start3A_686 = tpu.memref_slice %arg8[%dma_start3A_674] : memref<8x!tpu.dma_semaphore, #tpu.memory_space<semaphore_mem>> -> memref<1x!tpu.dma_semaphore, #tpu.memory_space<semaphore_mem>>
      %dma_start3A_687 = tpu.memref_squeeze %dma_start3A_686 : memref<1x!tpu.dma_semaphore, #tpu.memory_space<semaphore_mem>> -> memref<!tpu.dma_semaphore, #tpu.memory_space<semaphore_mem>>
      %dma_start3A_688 = arith.constant 0 : i32
      %dma_start3A_689 = arith.constant 0 : i32
      %dma_start3A_690 = tpu.memref_slice %arg4[%add3A_672, %dma_start3A_688, %dma_start3A_689] : memref<16384x32x128xf32, #tpu.memory_space<hbm>> -> memref<1x26x32xf32, #tpu.memory_space<hbm>>
      %dma_start3A_691 = tpu.memref_squeeze %dma_start3A_690 : memref<1x26x32xf32, #tpu.memory_space<hbm>> -> memref<26x32xf32, #tpu.memory_space<hbm>>
      %dma_start3A_692 = arith.constant 0 : i32
      %dma_start3A_693 = arith.constant 0 : i32
      %dma_start3A_694 = tpu.memref_slice %arg6[%dma_start3A_673, %dma_start3A_692, %dma_start3A_693] : memref<8x104x32xf32, #tpu.memory_space<vmem>> -> memref<1x104x32xf32, #tpu.memory_space<vmem>>
      %dma_start3A_695 = tpu.memref_squeeze %dma_start3A_694 : memref<1x104x32xf32, #tpu.memory_space<vmem>> -> memref<104x32xf32, #tpu.memory_space<vmem>>
      %dma_start3A_696 = arith.constant 78 : i32
      %dma_start3A_697 = arith.constant 0 : i32
      %dma_start3A_698 = tpu.memref_slice %dma_start3A_695[%dma_start3A_696, %dma_start3A_697] : memref<104x32xf32, #tpu.memory_space<vmem>> -> memref<26x32xf32, #tpu.memory_space<vmem>>
      tpu.enqueue_dma source(%dma_start3A_698 : memref<26x32xf32, #tpu.memory_space<vmem>>) target(%dma_start3A_691 : memref<26x32xf32, #tpu.memory_space<hbm>>) target_semaphore(%dma_start3A_687 : memref<!tpu.dma_semaphore, #tpu.memory_space<semaphore_mem>>)
      %add3A_699 = arith.constant 4 : i32
      %add3A_700 = arith.addi %mul3A_12, %add3A_699 : i32
      %mul3A_701 = arith.constant 104 : i32
      %mul3A_702 = arith.muli %add3A_700, %mul3A_701 : i32
      %dma_wait3A_703 = arith.constant 4 : i32
      %dma_wait3A_704 = arith.constant 4 : i32
      %dma_wait3A_705 = arith.constant 0 : i32
      %dma_wait3A_706 = arith.constant 0 : i32
      %dma_wait3A_707 = tpu.memref_slice %arg6[%dma_wait3A_703, %dma_wait3A_705, %dma_wait3A_706] : memref<8x104x32xf32, #tpu.memory_space<vmem>> -> memref<1x104x32xf32, #tpu.memory_space<vmem>>
      %dma_wait3A_708 = tpu.memref_squeeze %dma_wait3A_707 : memref<1x104x32xf32, #tpu.memory_space<vmem>> -> memref<104x32xf32, #tpu.memory_space<vmem>>
      %dma_wait3A_709 = tpu.memref_slice %arg5[%mul3A_702] : memref<13312xi32, #tpu.memory_space<vmem>> -> memref<104xi32, #tpu.memory_space<vmem>>
      %dma_wait3A_710 = arith.constant 0 : i32
      %dma_wait3A_711 = arith.constant 0 : i32
      %dma_wait3A_712 = tpu.memref_slice %arg3[%dma_wait3A_710, %dma_wait3A_711] : memref<1000000x32xf32, #tpu.memory_space<hbm>> -> memref<1000000x32xf32, #tpu.memory_space<hbm>>
      %dma_wait3A_713 = tpu.memref_slice %arg7[%dma_wait3A_704] : memref<8x!tpu.dma_semaphore, #tpu.memory_space<semaphore_mem>> -> memref<1x!tpu.dma_semaphore, #tpu.memory_space<semaphore_mem>>
      %dma_wait3A_714 = tpu.memref_squeeze %dma_wait3A_713 : memref<1x!tpu.dma_semaphore, #tpu.memory_space<semaphore_mem>> -> memref<!tpu.dma_semaphore, #tpu.memory_space<semaphore_mem>>
      tpu.wait_indirect_dma semaphore(%dma_wait3A_714 : memref<!tpu.dma_semaphore, #tpu.memory_space<semaphore_mem>>) src(%dma_wait3A_712 : memref<1000000x32xf32, #tpu.memory_space<hbm>>) dst(%dma_wait3A_708 : memref<104x32xf32, #tpu.memory_space<vmem>>)
      %mul3A_715 = arith.constant 4 : i32
      %mul3A_716 = arith.muli %add3A_700, %mul3A_715 : i32
      %add3A_717 = arith.addi %mul3A_4, %mul3A_716 : i32
      %add3A_718 = arith.constant 0 : i32
      %add3A_719 = arith.addi %add3A_717, %add3A_718 : i32
      %dma_start3A_720 = arith.constant 4 : i32
      %dma_start3A_721 = arith.constant 4 : i32
      %dma_start3A_722 = arith.constant 0 : i32
      %dma_start3A_723 = arith.constant 0 : i32
      %dma_start3A_724 = tpu.memref_slice %arg6[%dma_start3A_720, %dma_start3A_722, %dma_start3A_723] : memref<8x104x32xf32, #tpu.memory_space<vmem>> -> memref<1x104x32xf32, #tpu.memory_space<vmem>>
      %dma_start3A_725 = tpu.memref_squeeze %dma_start3A_724 : memref<1x104x32xf32, #tpu.memory_space<vmem>> -> memref<104x32xf32, #tpu.memory_space<vmem>>
      %dma_start3A_726 = arith.constant 0 : i32
      %dma_start3A_727 = arith.constant 0 : i32
      %dma_start3A_728 = tpu.memref_slice %dma_start3A_725[%dma_start3A_726, %dma_start3A_727] : memref<104x32xf32, #tpu.memory_space<vmem>> -> memref<26x32xf32, #tpu.memory_space<vmem>>
      %dma_start3A_729 = arith.constant 0 : i32
      %dma_start3A_730 = arith.constant 0 : i32
      %dma_start3A_731 = tpu.memref_slice %arg4[%add3A_719, %dma_start3A_729, %dma_start3A_730] : memref<16384x32x128xf32, #tpu.memory_space<hbm>> -> memref<1x26x32xf32, #tpu.memory_space<hbm>>
      %dma_start3A_732 = tpu.memref_squeeze %dma_start3A_731 : memref<1x26x32xf32, #tpu.memory_space<hbm>> -> memref<26x32xf32, #tpu.memory_space<hbm>>
      %dma_start3A_733 = tpu.memref_slice %arg8[%dma_start3A_721] : memref<8x!tpu.dma_semaphore, #tpu.memory_space<semaphore_mem>> -> memref<1x!tpu.dma_semaphore, #tpu.memory_space<semaphore_mem>>
      %dma_start3A_734 = tpu.memref_squeeze %dma_start3A_733 : memref<1x!tpu.dma_semaphore, #tpu.memory_space<semaphore_mem>> -> memref<!tpu.dma_semaphore, #tpu.memory_space<semaphore_mem>>
      %dma_start3A_735 = arith.constant 0 : i32
      %dma_start3A_736 = arith.constant 0 : i32
      %dma_start3A_737 = tpu.memref_slice %arg4[%add3A_719, %dma_start3A_735, %dma_start3A_736] : memref<16384x32x128xf32, #tpu.memory_space<hbm>> -> memref<1x26x32xf32, #tpu.memory_space<hbm>>
      %dma_start3A_738 = tpu.memref_squeeze %dma_start3A_737 : memref<1x26x32xf32, #tpu.memory_space<hbm>> -> memref<26x32xf32, #tpu.memory_space<hbm>>
      %dma_start3A_739 = arith.constant 0 : i32
      %dma_start3A_740 = arith.constant 0 : i32
      %dma_start3A_741 = tpu.memref_slice %arg6[%dma_start3A_720, %dma_start3A_739, %dma_start3A_740] : memref<8x104x32xf32, #tpu.memory_space<vmem>> -> memref<1x104x32xf32, #tpu.memory_space<vmem>>
      %dma_start3A_742 = tpu.memref_squeeze %dma_start3A_741 : memref<1x104x32xf32, #tpu.memory_space<vmem>> -> memref<104x32xf32, #tpu.memory_space<vmem>>
      %dma_start3A_743 = arith.constant 0 : i32
      %dma_start3A_744 = arith.constant 0 : i32
      %dma_start3A_745 = tpu.memref_slice %dma_start3A_742[%dma_start3A_743, %dma_start3A_744] : memref<104x32xf32, #tpu.memory_space<vmem>> -> memref<26x32xf32, #tpu.memory_space<vmem>>
      tpu.enqueue_dma source(%dma_start3A_745 : memref<26x32xf32, #tpu.memory_space<vmem>>) target(%dma_start3A_738 : memref<26x32xf32, #tpu.memory_space<hbm>>) target_semaphore(%dma_start3A_734 : memref<!tpu.dma_semaphore, #tpu.memory_space<semaphore_mem>>)
      %mul3A_746 = arith.constant 4 : i32
      %mul3A_747 = arith.muli %add3A_700, %mul3A_746 : i32
      %add3A_748 = arith.addi %mul3A_4, %mul3A_747 : i32
      %add3A_749 = arith.constant 1 : i32
      %add3A_750 = arith.addi %add3A_748, %add3A_749 : i32
      %dma_start3A_751 = arith.constant 4 : i32
      %dma_start3A_752 = arith.constant 4 : i32
      %dma_start3A_753 = arith.constant 0 : i32
      %dma_start3A_754 = arith.constant 0 : i32
      %dma_start3A_755 = tpu.memref_slice %arg6[%dma_start3A_751, %dma_start3A_753, %dma_start3A_754] : memref<8x104x32xf32, #tpu.memory_space<vmem>> -> memref<1x104x32xf32, #tpu.memory_space<vmem>>
      %dma_start3A_756 = tpu.memref_squeeze %dma_start3A_755 : memref<1x104x32xf32, #tpu.memory_space<vmem>> -> memref<104x32xf32, #tpu.memory_space<vmem>>
      %dma_start3A_757 = arith.constant 26 : i32
      %dma_start3A_758 = arith.constant 0 : i32
      %dma_start3A_759 = tpu.memref_slice %dma_start3A_756[%dma_start3A_757, %dma_start3A_758] : memref<104x32xf32, #tpu.memory_space<vmem>> -> memref<26x32xf32, #tpu.memory_space<vmem>>
      %dma_start3A_760 = arith.constant 0 : i32
      %dma_start3A_761 = arith.constant 0 : i32
      %dma_start3A_762 = tpu.memref_slice %arg4[%add3A_750, %dma_start3A_760, %dma_start3A_761] : memref<16384x32x128xf32, #tpu.memory_space<hbm>> -> memref<1x26x32xf32, #tpu.memory_space<hbm>>
      %dma_start3A_763 = tpu.memref_squeeze %dma_start3A_762 : memref<1x26x32xf32, #tpu.memory_space<hbm>> -> memref<26x32xf32, #tpu.memory_space<hbm>>
      %dma_start3A_764 = tpu.memref_slice %arg8[%dma_start3A_752] : memref<8x!tpu.dma_semaphore, #tpu.memory_space<semaphore_mem>> -> memref<1x!tpu.dma_semaphore, #tpu.memory_space<semaphore_mem>>
      %dma_start3A_765 = tpu.memref_squeeze %dma_start3A_764 : memref<1x!tpu.dma_semaphore, #tpu.memory_space<semaphore_mem>> -> memref<!tpu.dma_semaphore, #tpu.memory_space<semaphore_mem>>
      %dma_start3A_766 = arith.constant 0 : i32
      %dma_start3A_767 = arith.constant 0 : i32
      %dma_start3A_768 = tpu.memref_slice %arg4[%add3A_750, %dma_start3A_766, %dma_start3A_767] : memref<16384x32x128xf32, #tpu.memory_space<hbm>> -> memref<1x26x32xf32, #tpu.memory_space<hbm>>
      %dma_start3A_769 = tpu.memref_squeeze %dma_start3A_768 : memref<1x26x32xf32, #tpu.memory_space<hbm>> -> memref<26x32xf32, #tpu.memory_space<hbm>>
      %dma_start3A_770 = arith.constant 0 : i32
      %dma_start3A_771 = arith.constant 0 : i32
      %dma_start3A_772 = tpu.memref_slice %arg6[%dma_start3A_751, %dma_start3A_770, %dma_start3A_771] : memref<8x104x32xf32, #tpu.memory_space<vmem>> -> memref<1x104x32xf32, #tpu.memory_space<vmem>>
      %dma_start3A_773 = tpu.memref_squeeze %dma_start3A_772 : memref<1x104x32xf32, #tpu.memory_space<vmem>> -> memref<104x32xf32, #tpu.memory_space<vmem>>
      %dma_start3A_774 = arith.constant 26 : i32
      %dma_start3A_775 = arith.constant 0 : i32
      %dma_start3A_776 = tpu.memref_slice %dma_start3A_773[%dma_start3A_774, %dma_start3A_775] : memref<104x32xf32, #tpu.memory_space<vmem>> -> memref<26x32xf32, #tpu.memory_space<vmem>>
      tpu.enqueue_dma source(%dma_start3A_776 : memref<26x32xf32, #tpu.memory_space<vmem>>) target(%dma_start3A_769 : memref<26x32xf32, #tpu.memory_space<hbm>>) target_semaphore(%dma_start3A_765 : memref<!tpu.dma_semaphore, #tpu.memory_space<semaphore_mem>>)
      %mul3A_777 = arith.constant 4 : i32
      %mul3A_778 = arith.muli %add3A_700, %mul3A_777 : i32
      %add3A_779 = arith.addi %mul3A_4, %mul3A_778 : i32
      %add3A_780 = arith.constant 2 : i32
      %add3A_781 = arith.addi %add3A_779, %add3A_780 : i32
      %dma_start3A_782 = arith.constant 4 : i32
      %dma_start3A_783 = arith.constant 4 : i32
      %dma_start3A_784 = arith.constant 0 : i32
      %dma_start3A_785 = arith.constant 0 : i32
      %dma_start3A_786 = tpu.memref_slice %arg6[%dma_start3A_782, %dma_start3A_784, %dma_start3A_785] : memref<8x104x32xf32, #tpu.memory_space<vmem>> -> memref<1x104x32xf32, #tpu.memory_space<vmem>>
      %dma_start3A_787 = tpu.memref_squeeze %dma_start3A_786 : memref<1x104x32xf32, #tpu.memory_space<vmem>> -> memref<104x32xf32, #tpu.memory_space<vmem>>
      %dma_start3A_788 = arith.constant 52 : i32
      %dma_start3A_789 = arith.constant 0 : i32
      %dma_start3A_790 = tpu.memref_slice %dma_start3A_787[%dma_start3A_788, %dma_start3A_789] : memref<104x32xf32, #tpu.memory_space<vmem>> -> memref<26x32xf32, #tpu.memory_space<vmem>>
      %dma_start3A_791 = arith.constant 0 : i32
      %dma_start3A_792 = arith.constant 0 : i32
      %dma_start3A_793 = tpu.memref_slice %arg4[%add3A_781, %dma_start3A_791, %dma_start3A_792] : memref<16384x32x128xf32, #tpu.memory_space<hbm>> -> memref<1x26x32xf32, #tpu.memory_space<hbm>>
      %dma_start3A_794 = tpu.memref_squeeze %dma_start3A_793 : memref<1x26x32xf32, #tpu.memory_space<hbm>> -> memref<26x32xf32, #tpu.memory_space<hbm>>
      %dma_start3A_795 = tpu.memref_slice %arg8[%dma_start3A_783] : memref<8x!tpu.dma_semaphore, #tpu.memory_space<semaphore_mem>> -> memref<1x!tpu.dma_semaphore, #tpu.memory_space<semaphore_mem>>
      %dma_start3A_796 = tpu.memref_squeeze %dma_start3A_795 : memref<1x!tpu.dma_semaphore, #tpu.memory_space<semaphore_mem>> -> memref<!tpu.dma_semaphore, #tpu.memory_space<semaphore_mem>>
      %dma_start3A_797 = arith.constant 0 : i32
      %dma_start3A_798 = arith.constant 0 : i32
      %dma_start3A_799 = tpu.memref_slice %arg4[%add3A_781, %dma_start3A_797, %dma_start3A_798] : memref<16384x32x128xf32, #tpu.memory_space<hbm>> -> memref<1x26x32xf32, #tpu.memory_space<hbm>>
      %dma_start3A_800 = tpu.memref_squeeze %dma_start3A_799 : memref<1x26x32xf32, #tpu.memory_space<hbm>> -> memref<26x32xf32, #tpu.memory_space<hbm>>
      %dma_start3A_801 = arith.constant 0 : i32
      %dma_start3A_802 = arith.constant 0 : i32
      %dma_start3A_803 = tpu.memref_slice %arg6[%dma_start3A_782, %dma_start3A_801, %dma_start3A_802] : memref<8x104x32xf32, #tpu.memory_space<vmem>> -> memref<1x104x32xf32, #tpu.memory_space<vmem>>
      %dma_start3A_804 = tpu.memref_squeeze %dma_start3A_803 : memref<1x104x32xf32, #tpu.memory_space<vmem>> -> memref<104x32xf32, #tpu.memory_space<vmem>>
      %dma_start3A_805 = arith.constant 52 : i32
      %dma_start3A_806 = arith.constant 0 : i32
      %dma_start3A_807 = tpu.memref_slice %dma_start3A_804[%dma_start3A_805, %dma_start3A_806] : memref<104x32xf32, #tpu.memory_space<vmem>> -> memref<26x32xf32, #tpu.memory_space<vmem>>
      tpu.enqueue_dma source(%dma_start3A_807 : memref<26x32xf32, #tpu.memory_space<vmem>>) target(%dma_start3A_800 : memref<26x32xf32, #tpu.memory_space<hbm>>) target_semaphore(%dma_start3A_796 : memref<!tpu.dma_semaphore, #tpu.memory_space<semaphore_mem>>)
      %mul3A_808 = arith.constant 4 : i32
      %mul3A_809 = arith.muli %add3A_700, %mul3A_808 : i32
      %add3A_810 = arith.addi %mul3A_4, %mul3A_809 : i32
      %add3A_811 = arith.constant 3 : i32
      %add3A_812 = arith.addi %add3A_810, %add3A_811 : i32
      %dma_start3A_813 = arith.constant 4 : i32
      %dma_start3A_814 = arith.constant 4 : i32
      %dma_start3A_815 = arith.constant 0 : i32
      %dma_start3A_816 = arith.constant 0 : i32
      %dma_start3A_817 = tpu.memref_slice %arg6[%dma_start3A_813, %dma_start3A_815, %dma_start3A_816] : memref<8x104x32xf32, #tpu.memory_space<vmem>> -> memref<1x104x32xf32, #tpu.memory_space<vmem>>
      %dma_start3A_818 = tpu.memref_squeeze %dma_start3A_817 : memref<1x104x32xf32, #tpu.memory_space<vmem>> -> memref<104x32xf32, #tpu.memory_space<vmem>>
      %dma_start3A_819 = arith.constant 78 : i32
      %dma_start3A_820 = arith.constant 0 : i32
      %dma_start3A_821 = tpu.memref_slice %dma_start3A_818[%dma_start3A_819, %dma_start3A_820] : memref<104x32xf32, #tpu.memory_space<vmem>> -> memref<26x32xf32, #tpu.memory_space<vmem>>
      %dma_start3A_822 = arith.constant 0 : i32
      %dma_start3A_823 = arith.constant 0 : i32
      %dma_start3A_824 = tpu.memref_slice %arg4[%add3A_812, %dma_start3A_822, %dma_start3A_823] : memref<16384x32x128xf32, #tpu.memory_space<hbm>> -> memref<1x26x32xf32, #tpu.memory_space<hbm>>
      %dma_start3A_825 = tpu.memref_squeeze %dma_start3A_824 : memref<1x26x32xf32, #tpu.memory_space<hbm>> -> memref<26x32xf32, #tpu.memory_space<hbm>>
      %dma_start3A_826 = tpu.memref_slice %arg8[%dma_start3A_814] : memref<8x!tpu.dma_semaphore, #tpu.memory_space<semaphore_mem>> -> memref<1x!tpu.dma_semaphore, #tpu.memory_space<semaphore_mem>>
      %dma_start3A_827 = tpu.memref_squeeze %dma_start3A_826 : memref<1x!tpu.dma_semaphore, #tpu.memory_space<semaphore_mem>> -> memref<!tpu.dma_semaphore, #tpu.memory_space<semaphore_mem>>
      %dma_start3A_828 = arith.constant 0 : i32
      %dma_start3A_829 = arith.constant 0 : i32
      %dma_start3A_830 = tpu.memref_slice %arg4[%add3A_812, %dma_start3A_828, %dma_start3A_829] : memref<16384x32x128xf32, #tpu.memory_space<hbm>> -> memref<1x26x32xf32, #tpu.memory_space<hbm>>
      %dma_start3A_831 = tpu.memref_squeeze %dma_start3A_830 : memref<1x26x32xf32, #tpu.memory_space<hbm>> -> memref<26x32xf32, #tpu.memory_space<hbm>>
      %dma_start3A_832 = arith.constant 0 : i32
      %dma_start3A_833 = arith.constant 0 : i32
      %dma_start3A_834 = tpu.memref_slice %arg6[%dma_start3A_813, %dma_start3A_832, %dma_start3A_833] : memref<8x104x32xf32, #tpu.memory_space<vmem>> -> memref<1x104x32xf32, #tpu.memory_space<vmem>>
      %dma_start3A_835 = tpu.memref_squeeze %dma_start3A_834 : memref<1x104x32xf32, #tpu.memory_space<vmem>> -> memref<104x32xf32, #tpu.memory_space<vmem>>
      %dma_start3A_836 = arith.constant 78 : i32
      %dma_start3A_837 = arith.constant 0 : i32
      %dma_start3A_838 = tpu.memref_slice %dma_start3A_835[%dma_start3A_836, %dma_start3A_837] : memref<104x32xf32, #tpu.memory_space<vmem>> -> memref<26x32xf32, #tpu.memory_space<vmem>>
      tpu.enqueue_dma source(%dma_start3A_838 : memref<26x32xf32, #tpu.memory_space<vmem>>) target(%dma_start3A_831 : memref<26x32xf32, #tpu.memory_space<hbm>>) target_semaphore(%dma_start3A_827 : memref<!tpu.dma_semaphore, #tpu.memory_space<semaphore_mem>>)
      %add3A_839 = arith.constant 5 : i32
      %add3A_840 = arith.addi %mul3A_12, %add3A_839 : i32
      %mul3A_841 = arith.constant 104 : i32
      %mul3A_842 = arith.muli %add3A_840, %mul3A_841 : i32
      %dma_wait3A_843 = arith.constant 5 : i32
      %dma_wait3A_844 = arith.constant 5 : i32
      %dma_wait3A_845 = arith.constant 0 : i32
      %dma_wait3A_846 = arith.constant 0 : i32
      %dma_wait3A_847 = tpu.memref_slice %arg6[%dma_wait3A_843, %dma_wait3A_845, %dma_wait3A_846] : memref<8x104x32xf32, #tpu.memory_space<vmem>> -> memref<1x104x32xf32, #tpu.memory_space<vmem>>
      %dma_wait3A_848 = tpu.memref_squeeze %dma_wait3A_847 : memref<1x104x32xf32, #tpu.memory_space<vmem>> -> memref<104x32xf32, #tpu.memory_space<vmem>>
      %dma_wait3A_849 = tpu.memref_slice %arg5[%mul3A_842] : memref<13312xi32, #tpu.memory_space<vmem>> -> memref<104xi32, #tpu.memory_space<vmem>>
      %dma_wait3A_850 = arith.constant 0 : i32
      %dma_wait3A_851 = arith.constant 0 : i32
      %dma_wait3A_852 = tpu.memref_slice %arg3[%dma_wait3A_850, %dma_wait3A_851] : memref<1000000x32xf32, #tpu.memory_space<hbm>> -> memref<1000000x32xf32, #tpu.memory_space<hbm>>
      %dma_wait3A_853 = tpu.memref_slice %arg7[%dma_wait3A_844] : memref<8x!tpu.dma_semaphore, #tpu.memory_space<semaphore_mem>> -> memref<1x!tpu.dma_semaphore, #tpu.memory_space<semaphore_mem>>
      %dma_wait3A_854 = tpu.memref_squeeze %dma_wait3A_853 : memref<1x!tpu.dma_semaphore, #tpu.memory_space<semaphore_mem>> -> memref<!tpu.dma_semaphore, #tpu.memory_space<semaphore_mem>>
      tpu.wait_indirect_dma semaphore(%dma_wait3A_854 : memref<!tpu.dma_semaphore, #tpu.memory_space<semaphore_mem>>) src(%dma_wait3A_852 : memref<1000000x32xf32, #tpu.memory_space<hbm>>) dst(%dma_wait3A_848 : memref<104x32xf32, #tpu.memory_space<vmem>>)
      %mul3A_855 = arith.constant 4 : i32
      %mul3A_856 = arith.muli %add3A_840, %mul3A_855 : i32
      %add3A_857 = arith.addi %mul3A_4, %mul3A_856 : i32
      %add3A_858 = arith.constant 0 : i32
      %add3A_859 = arith.addi %add3A_857, %add3A_858 : i32
      %dma_start3A_860 = arith.constant 5 : i32
      %dma_start3A_861 = arith.constant 5 : i32
      %dma_start3A_862 = arith.constant 0 : i32
      %dma_start3A_863 = arith.constant 0 : i32
      %dma_start3A_864 = tpu.memref_slice %arg6[%dma_start3A_860, %dma_start3A_862, %dma_start3A_863] : memref<8x104x32xf32, #tpu.memory_space<vmem>> -> memref<1x104x32xf32, #tpu.memory_space<vmem>>
      %dma_start3A_865 = tpu.memref_squeeze %dma_start3A_864 : memref<1x104x32xf32, #tpu.memory_space<vmem>> -> memref<104x32xf32, #tpu.memory_space<vmem>>
      %dma_start3A_866 = arith.constant 0 : i32
      %dma_start3A_867 = arith.constant 0 : i32
      %dma_start3A_868 = tpu.memref_slice %dma_start3A_865[%dma_start3A_866, %dma_start3A_867] : memref<104x32xf32, #tpu.memory_space<vmem>> -> memref<26x32xf32, #tpu.memory_space<vmem>>
      %dma_start3A_869 = arith.constant 0 : i32
      %dma_start3A_870 = arith.constant 0 : i32
      %dma_start3A_871 = tpu.memref_slice %arg4[%add3A_859, %dma_start3A_869, %dma_start3A_870] : memref<16384x32x128xf32, #tpu.memory_space<hbm>> -> memref<1x26x32xf32, #tpu.memory_space<hbm>>
      %dma_start3A_872 = tpu.memref_squeeze %dma_start3A_871 : memref<1x26x32xf32, #tpu.memory_space<hbm>> -> memref<26x32xf32, #tpu.memory_space<hbm>>
      %dma_start3A_873 = tpu.memref_slice %arg8[%dma_start3A_861] : memref<8x!tpu.dma_semaphore, #tpu.memory_space<semaphore_mem>> -> memref<1x!tpu.dma_semaphore, #tpu.memory_space<semaphore_mem>>
      %dma_start3A_874 = tpu.memref_squeeze %dma_start3A_873 : memref<1x!tpu.dma_semaphore, #tpu.memory_space<semaphore_mem>> -> memref<!tpu.dma_semaphore, #tpu.memory_space<semaphore_mem>>
      %dma_start3A_875 = arith.constant 0 : i32
      %dma_start3A_876 = arith.constant 0 : i32
      %dma_start3A_877 = tpu.memref_slice %arg4[%add3A_859, %dma_start3A_875, %dma_start3A_876] : memref<16384x32x128xf32, #tpu.memory_space<hbm>> -> memref<1x26x32xf32, #tpu.memory_space<hbm>>
      %dma_start3A_878 = tpu.memref_squeeze %dma_start3A_877 : memref<1x26x32xf32, #tpu.memory_space<hbm>> -> memref<26x32xf32, #tpu.memory_space<hbm>>
      %dma_start3A_879 = arith.constant 0 : i32
      %dma_start3A_880 = arith.constant 0 : i32
      %dma_start3A_881 = tpu.memref_slice %arg6[%dma_start3A_860, %dma_start3A_879, %dma_start3A_880] : memref<8x104x32xf32, #tpu.memory_space<vmem>> -> memref<1x104x32xf32, #tpu.memory_space<vmem>>
      %dma_start3A_882 = tpu.memref_squeeze %dma_start3A_881 : memref<1x104x32xf32, #tpu.memory_space<vmem>> -> memref<104x32xf32, #tpu.memory_space<vmem>>
      %dma_start3A_883 = arith.constant 0 : i32
      %dma_start3A_884 = arith.constant 0 : i32
      %dma_start3A_885 = tpu.memref_slice %dma_start3A_882[%dma_start3A_883, %dma_start3A_884] : memref<104x32xf32, #tpu.memory_space<vmem>> -> memref<26x32xf32, #tpu.memory_space<vmem>>
      tpu.enqueue_dma source(%dma_start3A_885 : memref<26x32xf32, #tpu.memory_space<vmem>>) target(%dma_start3A_878 : memref<26x32xf32, #tpu.memory_space<hbm>>) target_semaphore(%dma_start3A_874 : memref<!tpu.dma_semaphore, #tpu.memory_space<semaphore_mem>>)
      %mul3A_886 = arith.constant 4 : i32
      %mul3A_887 = arith.muli %add3A_840, %mul3A_886 : i32
      %add3A_888 = arith.addi %mul3A_4, %mul3A_887 : i32
      %add3A_889 = arith.constant 1 : i32
      %add3A_890 = arith.addi %add3A_888, %add3A_889 : i32
      %dma_start3A_891 = arith.constant 5 : i32
      %dma_start3A_892 = arith.constant 5 : i32
      %dma_start3A_893 = arith.constant 0 : i32
      %dma_start3A_894 = arith.constant 0 : i32
      %dma_start3A_895 = tpu.memref_slice %arg6[%dma_start3A_891, %dma_start3A_893, %dma_start3A_894] : memref<8x104x32xf32, #tpu.memory_space<vmem>> -> memref<1x104x32xf32, #tpu.memory_space<vmem>>
      %dma_start3A_896 = tpu.memref_squeeze %dma_start3A_895 : memref<1x104x32xf32, #tpu.memory_space<vmem>> -> memref<104x32xf32, #tpu.memory_space<vmem>>
      %dma_start3A_897 = arith.constant 26 : i32
      %dma_start3A_898 = arith.constant 0 : i32
      %dma_start3A_899 = tpu.memref_slice %dma_start3A_896[%dma_start3A_897, %dma_start3A_898] : memref<104x32xf32, #tpu.memory_space<vmem>> -> memref<26x32xf32, #tpu.memory_space<vmem>>
      %dma_start3A_900 = arith.constant 0 : i32
      %dma_start3A_901 = arith.constant 0 : i32
      %dma_start3A_902 = tpu.memref_slice %arg4[%add3A_890, %dma_start3A_900, %dma_start3A_901] : memref<16384x32x128xf32, #tpu.memory_space<hbm>> -> memref<1x26x32xf32, #tpu.memory_space<hbm>>
      %dma_start3A_903 = tpu.memref_squeeze %dma_start3A_902 : memref<1x26x32xf32, #tpu.memory_space<hbm>> -> memref<26x32xf32, #tpu.memory_space<hbm>>
      %dma_start3A_904 = tpu.memref_slice %arg8[%dma_start3A_892] : memref<8x!tpu.dma_semaphore, #tpu.memory_space<semaphore_mem>> -> memref<1x!tpu.dma_semaphore, #tpu.memory_space<semaphore_mem>>
      %dma_start3A_905 = tpu.memref_squeeze %dma_start3A_904 : memref<1x!tpu.dma_semaphore, #tpu.memory_space<semaphore_mem>> -> memref<!tpu.dma_semaphore, #tpu.memory_space<semaphore_mem>>
      %dma_start3A_906 = arith.constant 0 : i32
      %dma_start3A_907 = arith.constant 0 : i32
      %dma_start3A_908 = tpu.memref_slice %arg4[%add3A_890, %dma_start3A_906, %dma_start3A_907] : memref<16384x32x128xf32, #tpu.memory_space<hbm>> -> memref<1x26x32xf32, #tpu.memory_space<hbm>>
      %dma_start3A_909 = tpu.memref_squeeze %dma_start3A_908 : memref<1x26x32xf32, #tpu.memory_space<hbm>> -> memref<26x32xf32, #tpu.memory_space<hbm>>
      %dma_start3A_910 = arith.constant 0 : i32
      %dma_start3A_911 = arith.constant 0 : i32
      %dma_start3A_912 = tpu.memref_slice %arg6[%dma_start3A_891, %dma_start3A_910, %dma_start3A_911] : memref<8x104x32xf32, #tpu.memory_space<vmem>> -> memref<1x104x32xf32, #tpu.memory_space<vmem>>
      %dma_start3A_913 = tpu.memref_squeeze %dma_start3A_912 : memref<1x104x32xf32, #tpu.memory_space<vmem>> -> memref<104x32xf32, #tpu.memory_space<vmem>>
      %dma_start3A_914 = arith.constant 26 : i32
      %dma_start3A_915 = arith.constant 0 : i32
      %dma_start3A_916 = tpu.memref_slice %dma_start3A_913[%dma_start3A_914, %dma_start3A_915] : memref<104x32xf32, #tpu.memory_space<vmem>> -> memref<26x32xf32, #tpu.memory_space<vmem>>
      tpu.enqueue_dma source(%dma_start3A_916 : memref<26x32xf32, #tpu.memory_space<vmem>>) target(%dma_start3A_909 : memref<26x32xf32, #tpu.memory_space<hbm>>) target_semaphore(%dma_start3A_905 : memref<!tpu.dma_semaphore, #tpu.memory_space<semaphore_mem>>)
      %mul3A_917 = arith.constant 4 : i32
      %mul3A_918 = arith.muli %add3A_840, %mul3A_917 : i32
      %add3A_919 = arith.addi %mul3A_4, %mul3A_918 : i32
      %add3A_920 = arith.constant 2 : i32
      %add3A_921 = arith.addi %add3A_919, %add3A_920 : i32
      %dma_start3A_922 = arith.constant 5 : i32
      %dma_start3A_923 = arith.constant 5 : i32
      %dma_start3A_924 = arith.constant 0 : i32
      %dma_start3A_925 = arith.constant 0 : i32
      %dma_start3A_926 = tpu.memref_slice %arg6[%dma_start3A_922, %dma_start3A_924, %dma_start3A_925] : memref<8x104x32xf32, #tpu.memory_space<vmem>> -> memref<1x104x32xf32, #tpu.memory_space<vmem>>
      %dma_start3A_927 = tpu.memref_squeeze %dma_start3A_926 : memref<1x104x32xf32, #tpu.memory_space<vmem>> -> memref<104x32xf32, #tpu.memory_space<vmem>>
      %dma_start3A_928 = arith.constant 52 : i32
      %dma_start3A_929 = arith.constant 0 : i32
      %dma_start3A_930 = tpu.memref_slice %dma_start3A_927[%dma_start3A_928, %dma_start3A_929] : memref<104x32xf32, #tpu.memory_space<vmem>> -> memref<26x32xf32, #tpu.memory_space<vmem>>
      %dma_start3A_931 = arith.constant 0 : i32
      %dma_start3A_932 = arith.constant 0 : i32
      %dma_start3A_933 = tpu.memref_slice %arg4[%add3A_921, %dma_start3A_931, %dma_start3A_932] : memref<16384x32x128xf32, #tpu.memory_space<hbm>> -> memref<1x26x32xf32, #tpu.memory_space<hbm>>
      %dma_start3A_934 = tpu.memref_squeeze %dma_start3A_933 : memref<1x26x32xf32, #tpu.memory_space<hbm>> -> memref<26x32xf32, #tpu.memory_space<hbm>>
      %dma_start3A_935 = tpu.memref_slice %arg8[%dma_start3A_923] : memref<8x!tpu.dma_semaphore, #tpu.memory_space<semaphore_mem>> -> memref<1x!tpu.dma_semaphore, #tpu.memory_space<semaphore_mem>>
      %dma_start3A_936 = tpu.memref_squeeze %dma_start3A_935 : memref<1x!tpu.dma_semaphore, #tpu.memory_space<semaphore_mem>> -> memref<!tpu.dma_semaphore, #tpu.memory_space<semaphore_mem>>
      %dma_start3A_937 = arith.constant 0 : i32
      %dma_start3A_938 = arith.constant 0 : i32
      %dma_start3A_939 = tpu.memref_slice %arg4[%add3A_921, %dma_start3A_937, %dma_start3A_938] : memref<16384x32x128xf32, #tpu.memory_space<hbm>> -> memref<1x26x32xf32, #tpu.memory_space<hbm>>
      %dma_start3A_940 = tpu.memref_squeeze %dma_start3A_939 : memref<1x26x32xf32, #tpu.memory_space<hbm>> -> memref<26x32xf32, #tpu.memory_space<hbm>>
      %dma_start3A_941 = arith.constant 0 : i32
      %dma_start3A_942 = arith.constant 0 : i32
      %dma_start3A_943 = tpu.memref_slice %arg6[%dma_start3A_922, %dma_start3A_941, %dma_start3A_942] : memref<8x104x32xf32, #tpu.memory_space<vmem>> -> memref<1x104x32xf32, #tpu.memory_space<vmem>>
      %dma_start3A_944 = tpu.memref_squeeze %dma_start3A_943 : memref<1x104x32xf32, #tpu.memory_space<vmem>> -> memref<104x32xf32, #tpu.memory_space<vmem>>
      %dma_start3A_945 = arith.constant 52 : i32
      %dma_start3A_946 = arith.constant 0 : i32
      %dma_start3A_947 = tpu.memref_slice %dma_start3A_944[%dma_start3A_945, %dma_start3A_946] : memref<104x32xf32, #tpu.memory_space<vmem>> -> memref<26x32xf32, #tpu.memory_space<vmem>>
      tpu.enqueue_dma source(%dma_start3A_947 : memref<26x32xf32, #tpu.memory_space<vmem>>) target(%dma_start3A_940 : memref<26x32xf32, #tpu.memory_space<hbm>>) target_semaphore(%dma_start3A_936 : memref<!tpu.dma_semaphore, #tpu.memory_space<semaphore_mem>>)
      %mul3A_948 = arith.constant 4 : i32
      %mul3A_949 = arith.muli %add3A_840, %mul3A_948 : i32
      %add3A_950 = arith.addi %mul3A_4, %mul3A_949 : i32
      %add3A_951 = arith.constant 3 : i32
      %add3A_952 = arith.addi %add3A_950, %add3A_951 : i32
      %dma_start3A_953 = arith.constant 5 : i32
      %dma_start3A_954 = arith.constant 5 : i32
      %dma_start3A_955 = arith.constant 0 : i32
      %dma_start3A_956 = arith.constant 0 : i32
      %dma_start3A_957 = tpu.memref_slice %arg6[%dma_start3A_953, %dma_start3A_955, %dma_start3A_956] : memref<8x104x32xf32, #tpu.memory_space<vmem>> -> memref<1x104x32xf32, #tpu.memory_space<vmem>>
      %dma_start3A_958 = tpu.memref_squeeze %dma_start3A_957 : memref<1x104x32xf32, #tpu.memory_space<vmem>> -> memref<104x32xf32, #tpu.memory_space<vmem>>
      %dma_start3A_959 = arith.constant 78 : i32
      %dma_start3A_960 = arith.constant 0 : i32
      %dma_start3A_961 = tpu.memref_slice %dma_start3A_958[%dma_start3A_959, %dma_start3A_960] : memref<104x32xf32, #tpu.memory_space<vmem>> -> memref<26x32xf32, #tpu.memory_space<vmem>>
      %dma_start3A_962 = arith.constant 0 : i32
      %dma_start3A_963 = arith.constant 0 : i32
      %dma_start3A_964 = tpu.memref_slice %arg4[%add3A_952, %dma_start3A_962, %dma_start3A_963] : memref<16384x32x128xf32, #tpu.memory_space<hbm>> -> memref<1x26x32xf32, #tpu.memory_space<hbm>>
      %dma_start3A_965 = tpu.memref_squeeze %dma_start3A_964 : memref<1x26x32xf32, #tpu.memory_space<hbm>> -> memref<26x32xf32, #tpu.memory_space<hbm>>
      %dma_start3A_966 = tpu.memref_slice %arg8[%dma_start3A_954] : memref<8x!tpu.dma_semaphore, #tpu.memory_space<semaphore_mem>> -> memref<1x!tpu.dma_semaphore, #tpu.memory_space<semaphore_mem>>
      %dma_start3A_967 = tpu.memref_squeeze %dma_start3A_966 : memref<1x!tpu.dma_semaphore, #tpu.memory_space<semaphore_mem>> -> memref<!tpu.dma_semaphore, #tpu.memory_space<semaphore_mem>>
      %dma_start3A_968 = arith.constant 0 : i32
      %dma_start3A_969 = arith.constant 0 : i32
      %dma_start3A_970 = tpu.memref_slice %arg4[%add3A_952, %dma_start3A_968, %dma_start3A_969] : memref<16384x32x128xf32, #tpu.memory_space<hbm>> -> memref<1x26x32xf32, #tpu.memory_space<hbm>>
      %dma_start3A_971 = tpu.memref_squeeze %dma_start3A_970 : memref<1x26x32xf32, #tpu.memory_space<hbm>> -> memref<26x32xf32, #tpu.memory_space<hbm>>
      %dma_start3A_972 = arith.constant 0 : i32
      %dma_start3A_973 = arith.constant 0 : i32
      %dma_start3A_974 = tpu.memref_slice %arg6[%dma_start3A_953, %dma_start3A_972, %dma_start3A_973] : memref<8x104x32xf32, #tpu.memory_space<vmem>> -> memref<1x104x32xf32, #tpu.memory_space<vmem>>
      %dma_start3A_975 = tpu.memref_squeeze %dma_start3A_974 : memref<1x104x32xf32, #tpu.memory_space<vmem>> -> memref<104x32xf32, #tpu.memory_space<vmem>>
      %dma_start3A_976 = arith.constant 78 : i32
      %dma_start3A_977 = arith.constant 0 : i32
      %dma_start3A_978 = tpu.memref_slice %dma_start3A_975[%dma_start3A_976, %dma_start3A_977] : memref<104x32xf32, #tpu.memory_space<vmem>> -> memref<26x32xf32, #tpu.memory_space<vmem>>
      tpu.enqueue_dma source(%dma_start3A_978 : memref<26x32xf32, #tpu.memory_space<vmem>>) target(%dma_start3A_971 : memref<26x32xf32, #tpu.memory_space<hbm>>) target_semaphore(%dma_start3A_967 : memref<!tpu.dma_semaphore, #tpu.memory_space<semaphore_mem>>)
      %add3A_979 = arith.constant 6 : i32
      %add3A_980 = arith.addi %mul3A_12, %add3A_979 : i32
      %mul3A_981 = arith.constant 104 : i32
      %mul3A_982 = arith.muli %add3A_980, %mul3A_981 : i32
      %dma_wait3A_983 = arith.constant 6 : i32
      %dma_wait3A_984 = arith.constant 6 : i32
      %dma_wait3A_985 = arith.constant 0 : i32
      %dma_wait3A_986 = arith.constant 0 : i32
      %dma_wait3A_987 = tpu.memref_slice %arg6[%dma_wait3A_983, %dma_wait3A_985, %dma_wait3A_986] : memref<8x104x32xf32, #tpu.memory_space<vmem>> -> memref<1x104x32xf32, #tpu.memory_space<vmem>>
      %dma_wait3A_988 = tpu.memref_squeeze %dma_wait3A_987 : memref<1x104x32xf32, #tpu.memory_space<vmem>> -> memref<104x32xf32, #tpu.memory_space<vmem>>
      %dma_wait3A_989 = tpu.memref_slice %arg5[%mul3A_982] : memref<13312xi32, #tpu.memory_space<vmem>> -> memref<104xi32, #tpu.memory_space<vmem>>
      %dma_wait3A_990 = arith.constant 0 : i32
      %dma_wait3A_991 = arith.constant 0 : i32
      %dma_wait3A_992 = tpu.memref_slice %arg3[%dma_wait3A_990, %dma_wait3A_991] : memref<1000000x32xf32, #tpu.memory_space<hbm>> -> memref<1000000x32xf32, #tpu.memory_space<hbm>>
      %dma_wait3A_993 = tpu.memref_slice %arg7[%dma_wait3A_984] : memref<8x!tpu.dma_semaphore, #tpu.memory_space<semaphore_mem>> -> memref<1x!tpu.dma_semaphore, #tpu.memory_space<semaphore_mem>>
      %dma_wait3A_994 = tpu.memref_squeeze %dma_wait3A_993 : memref<1x!tpu.dma_semaphore, #tpu.memory_space<semaphore_mem>> -> memref<!tpu.dma_semaphore, #tpu.memory_space<semaphore_mem>>
      tpu.wait_indirect_dma semaphore(%dma_wait3A_994 : memref<!tpu.dma_semaphore, #tpu.memory_space<semaphore_mem>>) src(%dma_wait3A_992 : memref<1000000x32xf32, #tpu.memory_space<hbm>>) dst(%dma_wait3A_988 : memref<104x32xf32, #tpu.memory_space<vmem>>)
      %mul3A_995 = arith.constant 4 : i32
      %mul3A_996 = arith.muli %add3A_980, %mul3A_995 : i32
      %add3A_997 = arith.addi %mul3A_4, %mul3A_996 : i32
      %add3A_998 = arith.constant 0 : i32
      %add3A_999 = arith.addi %add3A_997, %add3A_998 : i32
      %dma_start3A_1000 = arith.constant 6 : i32
      %dma_start3A_1001 = arith.constant 6 : i32
      %dma_start3A_1002 = arith.constant 0 : i32
      %dma_start3A_1003 = arith.constant 0 : i32
      %dma_start3A_1004 = tpu.memref_slice %arg6[%dma_start3A_1000, %dma_start3A_1002, %dma_start3A_1003] : memref<8x104x32xf32, #tpu.memory_space<vmem>> -> memref<1x104x32xf32, #tpu.memory_space<vmem>>
      %dma_start3A_1005 = tpu.memref_squeeze %dma_start3A_1004 : memref<1x104x32xf32, #tpu.memory_space<vmem>> -> memref<104x32xf32, #tpu.memory_space<vmem>>
      %dma_start3A_1006 = arith.constant 0 : i32
      %dma_start3A_1007 = arith.constant 0 : i32
      %dma_start3A_1008 = tpu.memref_slice %dma_start3A_1005[%dma_start3A_1006, %dma_start3A_1007] : memref<104x32xf32, #tpu.memory_space<vmem>> -> memref<26x32xf32, #tpu.memory_space<vmem>>
      %dma_start3A_1009 = arith.constant 0 : i32
      %dma_start3A_1010 = arith.constant 0 : i32
      %dma_start3A_1011 = tpu.memref_slice %arg4[%add3A_999, %dma_start3A_1009, %dma_start3A_1010] : memref<16384x32x128xf32, #tpu.memory_space<hbm>> -> memref<1x26x32xf32, #tpu.memory_space<hbm>>
      %dma_start3A_1012 = tpu.memref_squeeze %dma_start3A_1011 : memref<1x26x32xf32, #tpu.memory_space<hbm>> -> memref<26x32xf32, #tpu.memory_space<hbm>>
      %dma_start3A_1013 = tpu.memref_slice %arg8[%dma_start3A_1001] : memref<8x!tpu.dma_semaphore, #tpu.memory_space<semaphore_mem>> -> memref<1x!tpu.dma_semaphore, #tpu.memory_space<semaphore_mem>>
      %dma_start3A_1014 = tpu.memref_squeeze %dma_start3A_1013 : memref<1x!tpu.dma_semaphore, #tpu.memory_space<semaphore_mem>> -> memref<!tpu.dma_semaphore, #tpu.memory_space<semaphore_mem>>
      %dma_start3A_1015 = arith.constant 0 : i32
      %dma_start3A_1016 = arith.constant 0 : i32
      %dma_start3A_1017 = tpu.memref_slice %arg4[%add3A_999, %dma_start3A_1015, %dma_start3A_1016] : memref<16384x32x128xf32, #tpu.memory_space<hbm>> -> memref<1x26x32xf32, #tpu.memory_space<hbm>>
      %dma_start3A_1018 = tpu.memref_squeeze %dma_start3A_1017 : memref<1x26x32xf32, #tpu.memory_space<hbm>> -> memref<26x32xf32, #tpu.memory_space<hbm>>
      %dma_start3A_1019 = arith.constant 0 : i32
      %dma_start3A_1020 = arith.constant 0 : i32
      %dma_start3A_1021 = tpu.memref_slice %arg6[%dma_start3A_1000, %dma_start3A_1019, %dma_start3A_1020] : memref<8x104x32xf32, #tpu.memory_space<vmem>> -> memref<1x104x32xf32, #tpu.memory_space<vmem>>
      %dma_start3A_1022 = tpu.memref_squeeze %dma_start3A_1021 : memref<1x104x32xf32, #tpu.memory_space<vmem>> -> memref<104x32xf32, #tpu.memory_space<vmem>>
      %dma_start3A_1023 = arith.constant 0 : i32
      %dma_start3A_1024 = arith.constant 0 : i32
      %dma_start3A_1025 = tpu.memref_slice %dma_start3A_1022[%dma_start3A_1023, %dma_start3A_1024] : memref<104x32xf32, #tpu.memory_space<vmem>> -> memref<26x32xf32, #tpu.memory_space<vmem>>
      tpu.enqueue_dma source(%dma_start3A_1025 : memref<26x32xf32, #tpu.memory_space<vmem>>) target(%dma_start3A_1018 : memref<26x32xf32, #tpu.memory_space<hbm>>) target_semaphore(%dma_start3A_1014 : memref<!tpu.dma_semaphore, #tpu.memory_space<semaphore_mem>>)
      %mul3A_1026 = arith.constant 4 : i32
      %mul3A_1027 = arith.muli %add3A_980, %mul3A_1026 : i32
      %add3A_1028 = arith.addi %mul3A_4, %mul3A_1027 : i32
      %add3A_1029 = arith.constant 1 : i32
      %add3A_1030 = arith.addi %add3A_1028, %add3A_1029 : i32
      %dma_start3A_1031 = arith.constant 6 : i32
      %dma_start3A_1032 = arith.constant 6 : i32
      %dma_start3A_1033 = arith.constant 0 : i32
      %dma_start3A_1034 = arith.constant 0 : i32
      %dma_start3A_1035 = tpu.memref_slice %arg6[%dma_start3A_1031, %dma_start3A_1033, %dma_start3A_1034] : memref<8x104x32xf32, #tpu.memory_space<vmem>> -> memref<1x104x32xf32, #tpu.memory_space<vmem>>
      %dma_start3A_1036 = tpu.memref_squeeze %dma_start3A_1035 : memref<1x104x32xf32, #tpu.memory_space<vmem>> -> memref<104x32xf32, #tpu.memory_space<vmem>>
      %dma_start3A_1037 = arith.constant 26 : i32
      %dma_start3A_1038 = arith.constant 0 : i32
      %dma_start3A_1039 = tpu.memref_slice %dma_start3A_1036[%dma_start3A_1037, %dma_start3A_1038] : memref<104x32xf32, #tpu.memory_space<vmem>> -> memref<26x32xf32, #tpu.memory_space<vmem>>
      %dma_start3A_1040 = arith.constant 0 : i32
      %dma_start3A_1041 = arith.constant 0 : i32
      %dma_start3A_1042 = tpu.memref_slice %arg4[%add3A_1030, %dma_start3A_1040, %dma_start3A_1041] : memref<16384x32x128xf32, #tpu.memory_space<hbm>> -> memref<1x26x32xf32, #tpu.memory_space<hbm>>
      %dma_start3A_1043 = tpu.memref_squeeze %dma_start3A_1042 : memref<1x26x32xf32, #tpu.memory_space<hbm>> -> memref<26x32xf32, #tpu.memory_space<hbm>>
      %dma_start3A_1044 = tpu.memref_slice %arg8[%dma_start3A_1032] : memref<8x!tpu.dma_semaphore, #tpu.memory_space<semaphore_mem>> -> memref<1x!tpu.dma_semaphore, #tpu.memory_space<semaphore_mem>>
      %dma_start3A_1045 = tpu.memref_squeeze %dma_start3A_1044 : memref<1x!tpu.dma_semaphore, #tpu.memory_space<semaphore_mem>> -> memref<!tpu.dma_semaphore, #tpu.memory_space<semaphore_mem>>
      %dma_start3A_1046 = arith.constant 0 : i32
      %dma_start3A_1047 = arith.constant 0 : i32
      %dma_start3A_1048 = tpu.memref_slice %arg4[%add3A_1030, %dma_start3A_1046, %dma_start3A_1047] : memref<16384x32x128xf32, #tpu.memory_space<hbm>> -> memref<1x26x32xf32, #tpu.memory_space<hbm>>
      %dma_start3A_1049 = tpu.memref_squeeze %dma_start3A_1048 : memref<1x26x32xf32, #tpu.memory_space<hbm>> -> memref<26x32xf32, #tpu.memory_space<hbm>>
      %dma_start3A_1050 = arith.constant 0 : i32
      %dma_start3A_1051 = arith.constant 0 : i32
      %dma_start3A_1052 = tpu.memref_slice %arg6[%dma_start3A_1031, %dma_start3A_1050, %dma_start3A_1051] : memref<8x104x32xf32, #tpu.memory_space<vmem>> -> memref<1x104x32xf32, #tpu.memory_space<vmem>>
      %dma_start3A_1053 = tpu.memref_squeeze %dma_start3A_1052 : memref<1x104x32xf32, #tpu.memory_space<vmem>> -> memref<104x32xf32, #tpu.memory_space<vmem>>
      %dma_start3A_1054 = arith.constant 26 : i32
      %dma_start3A_1055 = arith.constant 0 : i32
      %dma_start3A_1056 = tpu.memref_slice %dma_start3A_1053[%dma_start3A_1054, %dma_start3A_1055] : memref<104x32xf32, #tpu.memory_space<vmem>> -> memref<26x32xf32, #tpu.memory_space<vmem>>
      tpu.enqueue_dma source(%dma_start3A_1056 : memref<26x32xf32, #tpu.memory_space<vmem>>) target(%dma_start3A_1049 : memref<26x32xf32, #tpu.memory_space<hbm>>) target_semaphore(%dma_start3A_1045 : memref<!tpu.dma_semaphore, #tpu.memory_space<semaphore_mem>>)
      %mul3A_1057 = arith.constant 4 : i32
      %mul3A_1058 = arith.muli %add3A_980, %mul3A_1057 : i32
      %add3A_1059 = arith.addi %mul3A_4, %mul3A_1058 : i32
      %add3A_1060 = arith.constant 2 : i32
      %add3A_1061 = arith.addi %add3A_1059, %add3A_1060 : i32
      %dma_start3A_1062 = arith.constant 6 : i32
      %dma_start3A_1063 = arith.constant 6 : i32
      %dma_start3A_1064 = arith.constant 0 : i32
      %dma_start3A_1065 = arith.constant 0 : i32
      %dma_start3A_1066 = tpu.memref_slice %arg6[%dma_start3A_1062, %dma_start3A_1064, %dma_start3A_1065] : memref<8x104x32xf32, #tpu.memory_space<vmem>> -> memref<1x104x32xf32, #tpu.memory_space<vmem>>
      %dma_start3A_1067 = tpu.memref_squeeze %dma_start3A_1066 : memref<1x104x32xf32, #tpu.memory_space<vmem>> -> memref<104x32xf32, #tpu.memory_space<vmem>>
      %dma_start3A_1068 = arith.constant 52 : i32
      %dma_start3A_1069 = arith.constant 0 : i32
      %dma_start3A_1070 = tpu.memref_slice %dma_start3A_1067[%dma_start3A_1068, %dma_start3A_1069] : memref<104x32xf32, #tpu.memory_space<vmem>> -> memref<26x32xf32, #tpu.memory_space<vmem>>
      %dma_start3A_1071 = arith.constant 0 : i32
      %dma_start3A_1072 = arith.constant 0 : i32
      %dma_start3A_1073 = tpu.memref_slice %arg4[%add3A_1061, %dma_start3A_1071, %dma_start3A_1072] : memref<16384x32x128xf32, #tpu.memory_space<hbm>> -> memref<1x26x32xf32, #tpu.memory_space<hbm>>
      %dma_start3A_1074 = tpu.memref_squeeze %dma_start3A_1073 : memref<1x26x32xf32, #tpu.memory_space<hbm>> -> memref<26x32xf32, #tpu.memory_space<hbm>>
      %dma_start3A_1075 = tpu.memref_slice %arg8[%dma_start3A_1063] : memref<8x!tpu.dma_semaphore, #tpu.memory_space<semaphore_mem>> -> memref<1x!tpu.dma_semaphore, #tpu.memory_space<semaphore_mem>>
      %dma_start3A_1076 = tpu.memref_squeeze %dma_start3A_1075 : memref<1x!tpu.dma_semaphore, #tpu.memory_space<semaphore_mem>> -> memref<!tpu.dma_semaphore, #tpu.memory_space<semaphore_mem>>
      %dma_start3A_1077 = arith.constant 0 : i32
      %dma_start3A_1078 = arith.constant 0 : i32
      %dma_start3A_1079 = tpu.memref_slice %arg4[%add3A_1061, %dma_start3A_1077, %dma_start3A_1078] : memref<16384x32x128xf32, #tpu.memory_space<hbm>> -> memref<1x26x32xf32, #tpu.memory_space<hbm>>
      %dma_start3A_1080 = tpu.memref_squeeze %dma_start3A_1079 : memref<1x26x32xf32, #tpu.memory_space<hbm>> -> memref<26x32xf32, #tpu.memory_space<hbm>>
      %dma_start3A_1081 = arith.constant 0 : i32
      %dma_start3A_1082 = arith.constant 0 : i32
      %dma_start3A_1083 = tpu.memref_slice %arg6[%dma_start3A_1062, %dma_start3A_1081, %dma_start3A_1082] : memref<8x104x32xf32, #tpu.memory_space<vmem>> -> memref<1x104x32xf32, #tpu.memory_space<vmem>>
      %dma_start3A_1084 = tpu.memref_squeeze %dma_start3A_1083 : memref<1x104x32xf32, #tpu.memory_space<vmem>> -> memref<104x32xf32, #tpu.memory_space<vmem>>
      %dma_start3A_1085 = arith.constant 52 : i32
      %dma_start3A_1086 = arith.constant 0 : i32
      %dma_start3A_1087 = tpu.memref_slice %dma_start3A_1084[%dma_start3A_1085, %dma_start3A_1086] : memref<104x32xf32, #tpu.memory_space<vmem>> -> memref<26x32xf32, #tpu.memory_space<vmem>>
      tpu.enqueue_dma source(%dma_start3A_1087 : memref<26x32xf32, #tpu.memory_space<vmem>>) target(%dma_start3A_1080 : memref<26x32xf32, #tpu.memory_space<hbm>>) target_semaphore(%dma_start3A_1076 : memref<!tpu.dma_semaphore, #tpu.memory_space<semaphore_mem>>)
      %mul3A_1088 = arith.constant 4 : i32
      %mul3A_1089 = arith.muli %add3A_980, %mul3A_1088 : i32
      %add3A_1090 = arith.addi %mul3A_4, %mul3A_1089 : i32
      %add3A_1091 = arith.constant 3 : i32
      %add3A_1092 = arith.addi %add3A_1090, %add3A_1091 : i32
      %dma_start3A_1093 = arith.constant 6 : i32
      %dma_start3A_1094 = arith.constant 6 : i32
      %dma_start3A_1095 = arith.constant 0 : i32
      %dma_start3A_1096 = arith.constant 0 : i32
      %dma_start3A_1097 = tpu.memref_slice %arg6[%dma_start3A_1093, %dma_start3A_1095, %dma_start3A_1096] : memref<8x104x32xf32, #tpu.memory_space<vmem>> -> memref<1x104x32xf32, #tpu.memory_space<vmem>>
      %dma_start3A_1098 = tpu.memref_squeeze %dma_start3A_1097 : memref<1x104x32xf32, #tpu.memory_space<vmem>> -> memref<104x32xf32, #tpu.memory_space<vmem>>
      %dma_start3A_1099 = arith.constant 78 : i32
      %dma_start3A_1100 = arith.constant 0 : i32
      %dma_start3A_1101 = tpu.memref_slice %dma_start3A_1098[%dma_start3A_1099, %dma_start3A_1100] : memref<104x32xf32, #tpu.memory_space<vmem>> -> memref<26x32xf32, #tpu.memory_space<vmem>>
      %dma_start3A_1102 = arith.constant 0 : i32
      %dma_start3A_1103 = arith.constant 0 : i32
      %dma_start3A_1104 = tpu.memref_slice %arg4[%add3A_1092, %dma_start3A_1102, %dma_start3A_1103] : memref<16384x32x128xf32, #tpu.memory_space<hbm>> -> memref<1x26x32xf32, #tpu.memory_space<hbm>>
      %dma_start3A_1105 = tpu.memref_squeeze %dma_start3A_1104 : memref<1x26x32xf32, #tpu.memory_space<hbm>> -> memref<26x32xf32, #tpu.memory_space<hbm>>
      %dma_start3A_1106 = tpu.memref_slice %arg8[%dma_start3A_1094] : memref<8x!tpu.dma_semaphore, #tpu.memory_space<semaphore_mem>> -> memref<1x!tpu.dma_semaphore, #tpu.memory_space<semaphore_mem>>
      %dma_start3A_1107 = tpu.memref_squeeze %dma_start3A_1106 : memref<1x!tpu.dma_semaphore, #tpu.memory_space<semaphore_mem>> -> memref<!tpu.dma_semaphore, #tpu.memory_space<semaphore_mem>>
      %dma_start3A_1108 = arith.constant 0 : i32
      %dma_start3A_1109 = arith.constant 0 : i32
      %dma_start3A_1110 = tpu.memref_slice %arg4[%add3A_1092, %dma_start3A_1108, %dma_start3A_1109] : memref<16384x32x128xf32, #tpu.memory_space<hbm>> -> memref<1x26x32xf32, #tpu.memory_space<hbm>>
      %dma_start3A_1111 = tpu.memref_squeeze %dma_start3A_1110 : memref<1x26x32xf32, #tpu.memory_space<hbm>> -> memref<26x32xf32, #tpu.memory_space<hbm>>
      %dma_start3A_1112 = arith.constant 0 : i32
      %dma_start3A_1113 = arith.constant 0 : i32
      %dma_start3A_1114 = tpu.memref_slice %arg6[%dma_start3A_1093, %dma_start3A_1112, %dma_start3A_1113] : memref<8x104x32xf32, #tpu.memory_space<vmem>> -> memref<1x104x32xf32, #tpu.memory_space<vmem>>
      %dma_start3A_1115 = tpu.memref_squeeze %dma_start3A_1114 : memref<1x104x32xf32, #tpu.memory_space<vmem>> -> memref<104x32xf32, #tpu.memory_space<vmem>>
      %dma_start3A_1116 = arith.constant 78 : i32
      %dma_start3A_1117 = arith.constant 0 : i32
      %dma_start3A_1118 = tpu.memref_slice %dma_start3A_1115[%dma_start3A_1116, %dma_start3A_1117] : memref<104x32xf32, #tpu.memory_space<vmem>> -> memref<26x32xf32, #tpu.memory_space<vmem>>
      tpu.enqueue_dma source(%dma_start3A_1118 : memref<26x32xf32, #tpu.memory_space<vmem>>) target(%dma_start3A_1111 : memref<26x32xf32, #tpu.memory_space<hbm>>) target_semaphore(%dma_start3A_1107 : memref<!tpu.dma_semaphore, #tpu.memory_space<semaphore_mem>>)
      %add3A_1119 = arith.constant 7 : i32
      %add3A_1120 = arith.addi %mul3A_12, %add3A_1119 : i32
      %mul3A_1121 = arith.constant 104 : i32
      %mul3A_1122 = arith.muli %add3A_1120, %mul3A_1121 : i32
      %dma_wait3A_1123 = arith.constant 7 : i32
      %dma_wait3A_1124 = arith.constant 7 : i32
      %dma_wait3A_1125 = arith.constant 0 : i32
      %dma_wait3A_1126 = arith.constant 0 : i32
      %dma_wait3A_1127 = tpu.memref_slice %arg6[%dma_wait3A_1123, %dma_wait3A_1125, %dma_wait3A_1126] : memref<8x104x32xf32, #tpu.memory_space<vmem>> -> memref<1x104x32xf32, #tpu.memory_space<vmem>>
      %dma_wait3A_1128 = tpu.memref_squeeze %dma_wait3A_1127 : memref<1x104x32xf32, #tpu.memory_space<vmem>> -> memref<104x32xf32, #tpu.memory_space<vmem>>
      %dma_wait3A_1129 = tpu.memref_slice %arg5[%mul3A_1122] : memref<13312xi32, #tpu.memory_space<vmem>> -> memref<104xi32, #tpu.memory_space<vmem>>
      %dma_wait3A_1130 = arith.constant 0 : i32
      %dma_wait3A_1131 = arith.constant 0 : i32
      %dma_wait3A_1132 = tpu.memref_slice %arg3[%dma_wait3A_1130, %dma_wait3A_1131] : memref<1000000x32xf32, #tpu.memory_space<hbm>> -> memref<1000000x32xf32, #tpu.memory_space<hbm>>
      %dma_wait3A_1133 = tpu.memref_slice %arg7[%dma_wait3A_1124] : memref<8x!tpu.dma_semaphore, #tpu.memory_space<semaphore_mem>> -> memref<1x!tpu.dma_semaphore, #tpu.memory_space<semaphore_mem>>
      %dma_wait3A_1134 = tpu.memref_squeeze %dma_wait3A_1133 : memref<1x!tpu.dma_semaphore, #tpu.memory_space<semaphore_mem>> -> memref<!tpu.dma_semaphore, #tpu.memory_space<semaphore_mem>>
      tpu.wait_indirect_dma semaphore(%dma_wait3A_1134 : memref<!tpu.dma_semaphore, #tpu.memory_space<semaphore_mem>>) src(%dma_wait3A_1132 : memref<1000000x32xf32, #tpu.memory_space<hbm>>) dst(%dma_wait3A_1128 : memref<104x32xf32, #tpu.memory_space<vmem>>)
      %mul3A_1135 = arith.constant 4 : i32
      %mul3A_1136 = arith.muli %add3A_1120, %mul3A_1135 : i32
      %add3A_1137 = arith.addi %mul3A_4, %mul3A_1136 : i32
      %add3A_1138 = arith.constant 0 : i32
      %add3A_1139 = arith.addi %add3A_1137, %add3A_1138 : i32
      %dma_start3A_1140 = arith.constant 7 : i32
      %dma_start3A_1141 = arith.constant 7 : i32
      %dma_start3A_1142 = arith.constant 0 : i32
      %dma_start3A_1143 = arith.constant 0 : i32
      %dma_start3A_1144 = tpu.memref_slice %arg6[%dma_start3A_1140, %dma_start3A_1142, %dma_start3A_1143] : memref<8x104x32xf32, #tpu.memory_space<vmem>> -> memref<1x104x32xf32, #tpu.memory_space<vmem>>
      %dma_start3A_1145 = tpu.memref_squeeze %dma_start3A_1144 : memref<1x104x32xf32, #tpu.memory_space<vmem>> -> memref<104x32xf32, #tpu.memory_space<vmem>>
      %dma_start3A_1146 = arith.constant 0 : i32
      %dma_start3A_1147 = arith.constant 0 : i32
      %dma_start3A_1148 = tpu.memref_slice %dma_start3A_1145[%dma_start3A_1146, %dma_start3A_1147] : memref<104x32xf32, #tpu.memory_space<vmem>> -> memref<26x32xf32, #tpu.memory_space<vmem>>
      %dma_start3A_1149 = arith.constant 0 : i32
      %dma_start3A_1150 = arith.constant 0 : i32
      %dma_start3A_1151 = tpu.memref_slice %arg4[%add3A_1139, %dma_start3A_1149, %dma_start3A_1150] : memref<16384x32x128xf32, #tpu.memory_space<hbm>> -> memref<1x26x32xf32, #tpu.memory_space<hbm>>
      %dma_start3A_1152 = tpu.memref_squeeze %dma_start3A_1151 : memref<1x26x32xf32, #tpu.memory_space<hbm>> -> memref<26x32xf32, #tpu.memory_space<hbm>>
      %dma_start3A_1153 = tpu.memref_slice %arg8[%dma_start3A_1141] : memref<8x!tpu.dma_semaphore, #tpu.memory_space<semaphore_mem>> -> memref<1x!tpu.dma_semaphore, #tpu.memory_space<semaphore_mem>>
      %dma_start3A_1154 = tpu.memref_squeeze %dma_start3A_1153 : memref<1x!tpu.dma_semaphore, #tpu.memory_space<semaphore_mem>> -> memref<!tpu.dma_semaphore, #tpu.memory_space<semaphore_mem>>
      %dma_start3A_1155 = arith.constant 0 : i32
      %dma_start3A_1156 = arith.constant 0 : i32
      %dma_start3A_1157 = tpu.memref_slice %arg4[%add3A_1139, %dma_start3A_1155, %dma_start3A_1156] : memref<16384x32x128xf32, #tpu.memory_space<hbm>> -> memref<1x26x32xf32, #tpu.memory_space<hbm>>
      %dma_start3A_1158 = tpu.memref_squeeze %dma_start3A_1157 : memref<1x26x32xf32, #tpu.memory_space<hbm>> -> memref<26x32xf32, #tpu.memory_space<hbm>>
      %dma_start3A_1159 = arith.constant 0 : i32
      %dma_start3A_1160 = arith.constant 0 : i32
      %dma_start3A_1161 = tpu.memref_slice %arg6[%dma_start3A_1140, %dma_start3A_1159, %dma_start3A_1160] : memref<8x104x32xf32, #tpu.memory_space<vmem>> -> memref<1x104x32xf32, #tpu.memory_space<vmem>>
      %dma_start3A_1162 = tpu.memref_squeeze %dma_start3A_1161 : memref<1x104x32xf32, #tpu.memory_space<vmem>> -> memref<104x32xf32, #tpu.memory_space<vmem>>
      %dma_start3A_1163 = arith.constant 0 : i32
      %dma_start3A_1164 = arith.constant 0 : i32
      %dma_start3A_1165 = tpu.memref_slice %dma_start3A_1162[%dma_start3A_1163, %dma_start3A_1164] : memref<104x32xf32, #tpu.memory_space<vmem>> -> memref<26x32xf32, #tpu.memory_space<vmem>>
      tpu.enqueue_dma source(%dma_start3A_1165 : memref<26x32xf32, #tpu.memory_space<vmem>>) target(%dma_start3A_1158 : memref<26x32xf32, #tpu.memory_space<hbm>>) target_semaphore(%dma_start3A_1154 : memref<!tpu.dma_semaphore, #tpu.memory_space<semaphore_mem>>)
      %mul3A_1166 = arith.constant 4 : i32
      %mul3A_1167 = arith.muli %add3A_1120, %mul3A_1166 : i32
      %add3A_1168 = arith.addi %mul3A_4, %mul3A_1167 : i32
      %add3A_1169 = arith.constant 1 : i32
      %add3A_1170 = arith.addi %add3A_1168, %add3A_1169 : i32
      %dma_start3A_1171 = arith.constant 7 : i32
      %dma_start3A_1172 = arith.constant 7 : i32
      %dma_start3A_1173 = arith.constant 0 : i32
      %dma_start3A_1174 = arith.constant 0 : i32
      %dma_start3A_1175 = tpu.memref_slice %arg6[%dma_start3A_1171, %dma_start3A_1173, %dma_start3A_1174] : memref<8x104x32xf32, #tpu.memory_space<vmem>> -> memref<1x104x32xf32, #tpu.memory_space<vmem>>
      %dma_start3A_1176 = tpu.memref_squeeze %dma_start3A_1175 : memref<1x104x32xf32, #tpu.memory_space<vmem>> -> memref<104x32xf32, #tpu.memory_space<vmem>>
      %dma_start3A_1177 = arith.constant 26 : i32
      %dma_start3A_1178 = arith.constant 0 : i32
      %dma_start3A_1179 = tpu.memref_slice %dma_start3A_1176[%dma_start3A_1177, %dma_start3A_1178] : memref<104x32xf32, #tpu.memory_space<vmem>> -> memref<26x32xf32, #tpu.memory_space<vmem>>
      %dma_start3A_1180 = arith.constant 0 : i32
      %dma_start3A_1181 = arith.constant 0 : i32
      %dma_start3A_1182 = tpu.memref_slice %arg4[%add3A_1170, %dma_start3A_1180, %dma_start3A_1181] : memref<16384x32x128xf32, #tpu.memory_space<hbm>> -> memref<1x26x32xf32, #tpu.memory_space<hbm>>
      %dma_start3A_1183 = tpu.memref_squeeze %dma_start3A_1182 : memref<1x26x32xf32, #tpu.memory_space<hbm>> -> memref<26x32xf32, #tpu.memory_space<hbm>>
      %dma_start3A_1184 = tpu.memref_slice %arg8[%dma_start3A_1172] : memref<8x!tpu.dma_semaphore, #tpu.memory_space<semaphore_mem>> -> memref<1x!tpu.dma_semaphore, #tpu.memory_space<semaphore_mem>>
      %dma_start3A_1185 = tpu.memref_squeeze %dma_start3A_1184 : memref<1x!tpu.dma_semaphore, #tpu.memory_space<semaphore_mem>> -> memref<!tpu.dma_semaphore, #tpu.memory_space<semaphore_mem>>
      %dma_start3A_1186 = arith.constant 0 : i32
      %dma_start3A_1187 = arith.constant 0 : i32
      %dma_start3A_1188 = tpu.memref_slice %arg4[%add3A_1170, %dma_start3A_1186, %dma_start3A_1187] : memref<16384x32x128xf32, #tpu.memory_space<hbm>> -> memref<1x26x32xf32, #tpu.memory_space<hbm>>
      %dma_start3A_1189 = tpu.memref_squeeze %dma_start3A_1188 : memref<1x26x32xf32, #tpu.memory_space<hbm>> -> memref<26x32xf32, #tpu.memory_space<hbm>>
      %dma_start3A_1190 = arith.constant 0 : i32
      %dma_start3A_1191 = arith.constant 0 : i32
      %dma_start3A_1192 = tpu.memref_slice %arg6[%dma_start3A_1171, %dma_start3A_1190, %dma_start3A_1191] : memref<8x104x32xf32, #tpu.memory_space<vmem>> -> memref<1x104x32xf32, #tpu.memory_space<vmem>>
      %dma_start3A_1193 = tpu.memref_squeeze %dma_start3A_1192 : memref<1x104x32xf32, #tpu.memory_space<vmem>> -> memref<104x32xf32, #tpu.memory_space<vmem>>
      %dma_start3A_1194 = arith.constant 26 : i32
      %dma_start3A_1195 = arith.constant 0 : i32
      %dma_start3A_1196 = tpu.memref_slice %dma_start3A_1193[%dma_start3A_1194, %dma_start3A_1195] : memref<104x32xf32, #tpu.memory_space<vmem>> -> memref<26x32xf32, #tpu.memory_space<vmem>>
      tpu.enqueue_dma source(%dma_start3A_1196 : memref<26x32xf32, #tpu.memory_space<vmem>>) target(%dma_start3A_1189 : memref<26x32xf32, #tpu.memory_space<hbm>>) target_semaphore(%dma_start3A_1185 : memref<!tpu.dma_semaphore, #tpu.memory_space<semaphore_mem>>)
      %mul3A_1197 = arith.constant 4 : i32
      %mul3A_1198 = arith.muli %add3A_1120, %mul3A_1197 : i32
      %add3A_1199 = arith.addi %mul3A_4, %mul3A_1198 : i32
      %add3A_1200 = arith.constant 2 : i32
      %add3A_1201 = arith.addi %add3A_1199, %add3A_1200 : i32
      %dma_start3A_1202 = arith.constant 7 : i32
      %dma_start3A_1203 = arith.constant 7 : i32
      %dma_start3A_1204 = arith.constant 0 : i32
      %dma_start3A_1205 = arith.constant 0 : i32
      %dma_start3A_1206 = tpu.memref_slice %arg6[%dma_start3A_1202, %dma_start3A_1204, %dma_start3A_1205] : memref<8x104x32xf32, #tpu.memory_space<vmem>> -> memref<1x104x32xf32, #tpu.memory_space<vmem>>
      %dma_start3A_1207 = tpu.memref_squeeze %dma_start3A_1206 : memref<1x104x32xf32, #tpu.memory_space<vmem>> -> memref<104x32xf32, #tpu.memory_space<vmem>>
      %dma_start3A_1208 = arith.constant 52 : i32
      %dma_start3A_1209 = arith.constant 0 : i32
      %dma_start3A_1210 = tpu.memref_slice %dma_start3A_1207[%dma_start3A_1208, %dma_start3A_1209] : memref<104x32xf32, #tpu.memory_space<vmem>> -> memref<26x32xf32, #tpu.memory_space<vmem>>
      %dma_start3A_1211 = arith.constant 0 : i32
      %dma_start3A_1212 = arith.constant 0 : i32
      %dma_start3A_1213 = tpu.memref_slice %arg4[%add3A_1201, %dma_start3A_1211, %dma_start3A_1212] : memref<16384x32x128xf32, #tpu.memory_space<hbm>> -> memref<1x26x32xf32, #tpu.memory_space<hbm>>
      %dma_start3A_1214 = tpu.memref_squeeze %dma_start3A_1213 : memref<1x26x32xf32, #tpu.memory_space<hbm>> -> memref<26x32xf32, #tpu.memory_space<hbm>>
      %dma_start3A_1215 = tpu.memref_slice %arg8[%dma_start3A_1203] : memref<8x!tpu.dma_semaphore, #tpu.memory_space<semaphore_mem>> -> memref<1x!tpu.dma_semaphore, #tpu.memory_space<semaphore_mem>>
      %dma_start3A_1216 = tpu.memref_squeeze %dma_start3A_1215 : memref<1x!tpu.dma_semaphore, #tpu.memory_space<semaphore_mem>> -> memref<!tpu.dma_semaphore, #tpu.memory_space<semaphore_mem>>
      %dma_start3A_1217 = arith.constant 0 : i32
      %dma_start3A_1218 = arith.constant 0 : i32
      %dma_start3A_1219 = tpu.memref_slice %arg4[%add3A_1201, %dma_start3A_1217, %dma_start3A_1218] : memref<16384x32x128xf32, #tpu.memory_space<hbm>> -> memref<1x26x32xf32, #tpu.memory_space<hbm>>
      %dma_start3A_1220 = tpu.memref_squeeze %dma_start3A_1219 : memref<1x26x32xf32, #tpu.memory_space<hbm>> -> memref<26x32xf32, #tpu.memory_space<hbm>>
      %dma_start3A_1221 = arith.constant 0 : i32
      %dma_start3A_1222 = arith.constant 0 : i32
      %dma_start3A_1223 = tpu.memref_slice %arg6[%dma_start3A_1202, %dma_start3A_1221, %dma_start3A_1222] : memref<8x104x32xf32, #tpu.memory_space<vmem>> -> memref<1x104x32xf32, #tpu.memory_space<vmem>>
      %dma_start3A_1224 = tpu.memref_squeeze %dma_start3A_1223 : memref<1x104x32xf32, #tpu.memory_space<vmem>> -> memref<104x32xf32, #tpu.memory_space<vmem>>
      %dma_start3A_1225 = arith.constant 52 : i32
      %dma_start3A_1226 = arith.constant 0 : i32
      %dma_start3A_1227 = tpu.memref_slice %dma_start3A_1224[%dma_start3A_1225, %dma_start3A_1226] : memref<104x32xf32, #tpu.memory_space<vmem>> -> memref<26x32xf32, #tpu.memory_space<vmem>>
      tpu.enqueue_dma source(%dma_start3A_1227 : memref<26x32xf32, #tpu.memory_space<vmem>>) target(%dma_start3A_1220 : memref<26x32xf32, #tpu.memory_space<hbm>>) target_semaphore(%dma_start3A_1216 : memref<!tpu.dma_semaphore, #tpu.memory_space<semaphore_mem>>)
      %mul3A_1228 = arith.constant 4 : i32
      %mul3A_1229 = arith.muli %add3A_1120, %mul3A_1228 : i32
      %add3A_1230 = arith.addi %mul3A_4, %mul3A_1229 : i32
      %add3A_1231 = arith.constant 3 : i32
      %add3A_1232 = arith.addi %add3A_1230, %add3A_1231 : i32
      %dma_start3A_1233 = arith.constant 7 : i32
      %dma_start3A_1234 = arith.constant 7 : i32
      %dma_start3A_1235 = arith.constant 0 : i32
      %dma_start3A_1236 = arith.constant 0 : i32
      %dma_start3A_1237 = tpu.memref_slice %arg6[%dma_start3A_1233, %dma_start3A_1235, %dma_start3A_1236] : memref<8x104x32xf32, #tpu.memory_space<vmem>> -> memref<1x104x32xf32, #tpu.memory_space<vmem>>
      %dma_start3A_1238 = tpu.memref_squeeze %dma_start3A_1237 : memref<1x104x32xf32, #tpu.memory_space<vmem>> -> memref<104x32xf32, #tpu.memory_space<vmem>>
      %dma_start3A_1239 = arith.constant 78 : i32
      %dma_start3A_1240 = arith.constant 0 : i32
      %dma_start3A_1241 = tpu.memref_slice %dma_start3A_1238[%dma_start3A_1239, %dma_start3A_1240] : memref<104x32xf32, #tpu.memory_space<vmem>> -> memref<26x32xf32, #tpu.memory_space<vmem>>
      %dma_start3A_1242 = arith.constant 0 : i32
      %dma_start3A_1243 = arith.constant 0 : i32
      %dma_start3A_1244 = tpu.memref_slice %arg4[%add3A_1232, %dma_start3A_1242, %dma_start3A_1243] : memref<16384x32x128xf32, #tpu.memory_space<hbm>> -> memref<1x26x32xf32, #tpu.memory_space<hbm>>
      %dma_start3A_1245 = tpu.memref_squeeze %dma_start3A_1244 : memref<1x26x32xf32, #tpu.memory_space<hbm>> -> memref<26x32xf32, #tpu.memory_space<hbm>>
      %dma_start3A_1246 = tpu.memref_slice %arg8[%dma_start3A_1234] : memref<8x!tpu.dma_semaphore, #tpu.memory_space<semaphore_mem>> -> memref<1x!tpu.dma_semaphore, #tpu.memory_space<semaphore_mem>>
      %dma_start3A_1247 = tpu.memref_squeeze %dma_start3A_1246 : memref<1x!tpu.dma_semaphore, #tpu.memory_space<semaphore_mem>> -> memref<!tpu.dma_semaphore, #tpu.memory_space<semaphore_mem>>
      %dma_start3A_1248 = arith.constant 0 : i32
      %dma_start3A_1249 = arith.constant 0 : i32
      %dma_start3A_1250 = tpu.memref_slice %arg4[%add3A_1232, %dma_start3A_1248, %dma_start3A_1249] : memref<16384x32x128xf32, #tpu.memory_space<hbm>> -> memref<1x26x32xf32, #tpu.memory_space<hbm>>
      %dma_start3A_1251 = tpu.memref_squeeze %dma_start3A_1250 : memref<1x26x32xf32, #tpu.memory_space<hbm>> -> memref<26x32xf32, #tpu.memory_space<hbm>>
      %dma_start3A_1252 = arith.constant 0 : i32
      %dma_start3A_1253 = arith.constant 0 : i32
      %dma_start3A_1254 = tpu.memref_slice %arg6[%dma_start3A_1233, %dma_start3A_1252, %dma_start3A_1253] : memref<8x104x32xf32, #tpu.memory_space<vmem>> -> memref<1x104x32xf32, #tpu.memory_space<vmem>>
      %dma_start3A_1255 = tpu.memref_squeeze %dma_start3A_1254 : memref<1x104x32xf32, #tpu.memory_space<vmem>> -> memref<104x32xf32, #tpu.memory_space<vmem>>
      %dma_start3A_1256 = arith.constant 78 : i32
      %dma_start3A_1257 = arith.constant 0 : i32
      %dma_start3A_1258 = tpu.memref_slice %dma_start3A_1255[%dma_start3A_1256, %dma_start3A_1257] : memref<104x32xf32, #tpu.memory_space<vmem>> -> memref<26x32xf32, #tpu.memory_space<vmem>>
      tpu.enqueue_dma source(%dma_start3A_1258 : memref<26x32xf32, #tpu.memory_space<vmem>>) target(%dma_start3A_1251 : memref<26x32xf32, #tpu.memory_space<hbm>>) target_semaphore(%dma_start3A_1247 : memref<!tpu.dma_semaphore, #tpu.memory_space<semaphore_mem>>)
      %add3A_1259 = arith.constant 0 : i32
      %add3A_1260 = arith.addi %mul3A_12, %add3A_1259 : i32
      %mul3A_1261 = arith.constant 4 : i32
      %mul3A_1262 = arith.muli %add3A_1260, %mul3A_1261 : i32
      %add3A_1263 = arith.addi %mul3A_4, %mul3A_1262 : i32
      %add3A_1264 = arith.constant 0 : i32
      %add3A_1265 = arith.addi %add3A_1263, %add3A_1264 : i32
      %dma_wait3A_1266 = arith.constant 0 : i32
      %dma_wait3A_1267 = arith.constant 0 : i32
      %dma_wait3A_1268 = arith.constant 0 : i32
      %dma_wait3A_1269 = arith.constant 0 : i32
      %dma_wait3A_1270 = tpu.memref_slice %arg6[%dma_wait3A_1266, %dma_wait3A_1268, %dma_wait3A_1269] : memref<8x104x32xf32, #tpu.memory_space<vmem>> -> memref<1x104x32xf32, #tpu.memory_space<vmem>>
      %dma_wait3A_1271 = tpu.memref_squeeze %dma_wait3A_1270 : memref<1x104x32xf32, #tpu.memory_space<vmem>> -> memref<104x32xf32, #tpu.memory_space<vmem>>
      %dma_wait3A_1272 = arith.constant 0 : i32
      %dma_wait3A_1273 = arith.constant 0 : i32
      %dma_wait3A_1274 = tpu.memref_slice %dma_wait3A_1271[%dma_wait3A_1272, %dma_wait3A_1273] : memref<104x32xf32, #tpu.memory_space<vmem>> -> memref<26x32xf32, #tpu.memory_space<vmem>>
      %dma_wait3A_1275 = arith.constant 0 : i32
      %dma_wait3A_1276 = arith.constant 0 : i32
      %dma_wait3A_1277 = tpu.memref_slice %arg4[%add3A_1265, %dma_wait3A_1275, %dma_wait3A_1276] : memref<16384x32x128xf32, #tpu.memory_space<hbm>> -> memref<1x26x32xf32, #tpu.memory_space<hbm>>
      %dma_wait3A_1278 = tpu.memref_squeeze %dma_wait3A_1277 : memref<1x26x32xf32, #tpu.memory_space<hbm>> -> memref<26x32xf32, #tpu.memory_space<hbm>>
      %dma_wait3A_1279 = tpu.memref_slice %arg8[%dma_wait3A_1267] : memref<8x!tpu.dma_semaphore, #tpu.memory_space<semaphore_mem>> -> memref<1x!tpu.dma_semaphore, #tpu.memory_space<semaphore_mem>>
      %dma_wait3A_1280 = tpu.memref_squeeze %dma_wait3A_1279 : memref<1x!tpu.dma_semaphore, #tpu.memory_space<semaphore_mem>> -> memref<!tpu.dma_semaphore, #tpu.memory_space<semaphore_mem>>
      %dma_wait3A_1281 = arith.constant 0 : i32
      %dma_wait3A_1282 = arith.constant 0 : i32
      %dma_wait3A_1283 = tpu.memref_slice %arg4[%add3A_1265, %dma_wait3A_1281, %dma_wait3A_1282] : memref<16384x32x128xf32, #tpu.memory_space<hbm>> -> memref<1x26x32xf32, #tpu.memory_space<hbm>>
      %dma_wait3A_1284 = tpu.memref_squeeze %dma_wait3A_1283 : memref<1x26x32xf32, #tpu.memory_space<hbm>> -> memref<26x32xf32, #tpu.memory_space<hbm>>
      %dma_wait3A_1285 = arith.constant 0 : i32
      %dma_wait3A_1286 = arith.constant 0 : i32
      %dma_wait3A_1287 = tpu.memref_slice %arg6[%dma_wait3A_1266, %dma_wait3A_1285, %dma_wait3A_1286] : memref<8x104x32xf32, #tpu.memory_space<vmem>> -> memref<1x104x32xf32, #tpu.memory_space<vmem>>
      %dma_wait3A_1288 = tpu.memref_squeeze %dma_wait3A_1287 : memref<1x104x32xf32, #tpu.memory_space<vmem>> -> memref<104x32xf32, #tpu.memory_space<vmem>>
      %dma_wait3A_1289 = arith.constant 0 : i32
      %dma_wait3A_1290 = arith.constant 0 : i32
      %dma_wait3A_1291 = tpu.memref_slice %dma_wait3A_1288[%dma_wait3A_1289, %dma_wait3A_1290] : memref<104x32xf32, #tpu.memory_space<vmem>> -> memref<26x32xf32, #tpu.memory_space<vmem>>
      tpu.wait_dma2 semaphore(%dma_wait3A_1280 : memref<!tpu.dma_semaphore, #tpu.memory_space<semaphore_mem>>) src(%dma_wait3A_1291 : memref<26x32xf32, #tpu.memory_space<vmem>>) dst(%dma_wait3A_1284 : memref<26x32xf32, #tpu.memory_space<hbm>>)
      %mul3A_1292 = arith.constant 4 : i32
      %mul3A_1293 = arith.muli %add3A_1260, %mul3A_1292 : i32
      %add3A_1294 = arith.addi %mul3A_4, %mul3A_1293 : i32
      %add3A_1295 = arith.constant 1 : i32
      %add3A_1296 = arith.addi %add3A_1294, %add3A_1295 : i32
      %dma_wait3A_1297 = arith.constant 0 : i32
      %dma_wait3A_1298 = arith.constant 0 : i32
      %dma_wait3A_1299 = arith.constant 0 : i32
      %dma_wait3A_1300 = arith.constant 0 : i32
      %dma_wait3A_1301 = tpu.memref_slice %arg6[%dma_wait3A_1297, %dma_wait3A_1299, %dma_wait3A_1300] : memref<8x104x32xf32, #tpu.memory_space<vmem>> -> memref<1x104x32xf32, #tpu.memory_space<vmem>>
      %dma_wait3A_1302 = tpu.memref_squeeze %dma_wait3A_1301 : memref<1x104x32xf32, #tpu.memory_space<vmem>> -> memref<104x32xf32, #tpu.memory_space<vmem>>
      %dma_wait3A_1303 = arith.constant 26 : i32
      %dma_wait3A_1304 = arith.constant 0 : i32
      %dma_wait3A_1305 = tpu.memref_slice %dma_wait3A_1302[%dma_wait3A_1303, %dma_wait3A_1304] : memref<104x32xf32, #tpu.memory_space<vmem>> -> memref<26x32xf32, #tpu.memory_space<vmem>>
      %dma_wait3A_1306 = arith.constant 0 : i32
      %dma_wait3A_1307 = arith.constant 0 : i32
      %dma_wait3A_1308 = tpu.memref_slice %arg4[%add3A_1296, %dma_wait3A_1306, %dma_wait3A_1307] : memref<16384x32x128xf32, #tpu.memory_space<hbm>> -> memref<1x26x32xf32, #tpu.memory_space<hbm>>
      %dma_wait3A_1309 = tpu.memref_squeeze %dma_wait3A_1308 : memref<1x26x32xf32, #tpu.memory_space<hbm>> -> memref<26x32xf32, #tpu.memory_space<hbm>>
      %dma_wait3A_1310 = tpu.memref_slice %arg8[%dma_wait3A_1298] : memref<8x!tpu.dma_semaphore, #tpu.memory_space<semaphore_mem>> -> memref<1x!tpu.dma_semaphore, #tpu.memory_space<semaphore_mem>>
      %dma_wait3A_1311 = tpu.memref_squeeze %dma_wait3A_1310 : memref<1x!tpu.dma_semaphore, #tpu.memory_space<semaphore_mem>> -> memref<!tpu.dma_semaphore, #tpu.memory_space<semaphore_mem>>
      %dma_wait3A_1312 = arith.constant 0 : i32
      %dma_wait3A_1313 = arith.constant 0 : i32
      %dma_wait3A_1314 = tpu.memref_slice %arg4[%add3A_1296, %dma_wait3A_1312, %dma_wait3A_1313] : memref<16384x32x128xf32, #tpu.memory_space<hbm>> -> memref<1x26x32xf32, #tpu.memory_space<hbm>>
      %dma_wait3A_1315 = tpu.memref_squeeze %dma_wait3A_1314 : memref<1x26x32xf32, #tpu.memory_space<hbm>> -> memref<26x32xf32, #tpu.memory_space<hbm>>
      %dma_wait3A_1316 = arith.constant 0 : i32
      %dma_wait3A_1317 = arith.constant 0 : i32
      %dma_wait3A_1318 = tpu.memref_slice %arg6[%dma_wait3A_1297, %dma_wait3A_1316, %dma_wait3A_1317] : memref<8x104x32xf32, #tpu.memory_space<vmem>> -> memref<1x104x32xf32, #tpu.memory_space<vmem>>
      %dma_wait3A_1319 = tpu.memref_squeeze %dma_wait3A_1318 : memref<1x104x32xf32, #tpu.memory_space<vmem>> -> memref<104x32xf32, #tpu.memory_space<vmem>>
      %dma_wait3A_1320 = arith.constant 26 : i32
      %dma_wait3A_1321 = arith.constant 0 : i32
      %dma_wait3A_1322 = tpu.memref_slice %dma_wait3A_1319[%dma_wait3A_1320, %dma_wait3A_1321] : memref<104x32xf32, #tpu.memory_space<vmem>> -> memref<26x32xf32, #tpu.memory_space<vmem>>
      tpu.wait_dma2 semaphore(%dma_wait3A_1311 : memref<!tpu.dma_semaphore, #tpu.memory_space<semaphore_mem>>) src(%dma_wait3A_1322 : memref<26x32xf32, #tpu.memory_space<vmem>>) dst(%dma_wait3A_1315 : memref<26x32xf32, #tpu.memory_space<hbm>>)
      %mul3A_1323 = arith.constant 4 : i32
      %mul3A_1324 = arith.muli %add3A_1260, %mul3A_1323 : i32
      %add3A_1325 = arith.addi %mul3A_4, %mul3A_1324 : i32
      %add3A_1326 = arith.constant 2 : i32
      %add3A_1327 = arith.addi %add3A_1325, %add3A_1326 : i32
      %dma_wait3A_1328 = arith.constant 0 : i32
      %dma_wait3A_1329 = arith.constant 0 : i32
      %dma_wait3A_1330 = arith.constant 0 : i32
      %dma_wait3A_1331 = arith.constant 0 : i32
      %dma_wait3A_1332 = tpu.memref_slice %arg6[%dma_wait3A_1328, %dma_wait3A_1330, %dma_wait3A_1331] : memref<8x104x32xf32, #tpu.memory_space<vmem>> -> memref<1x104x32xf32, #tpu.memory_space<vmem>>
      %dma_wait3A_1333 = tpu.memref_squeeze %dma_wait3A_1332 : memref<1x104x32xf32, #tpu.memory_space<vmem>> -> memref<104x32xf32, #tpu.memory_space<vmem>>
      %dma_wait3A_1334 = arith.constant 52 : i32
      %dma_wait3A_1335 = arith.constant 0 : i32
      %dma_wait3A_1336 = tpu.memref_slice %dma_wait3A_1333[%dma_wait3A_1334, %dma_wait3A_1335] : memref<104x32xf32, #tpu.memory_space<vmem>> -> memref<26x32xf32, #tpu.memory_space<vmem>>
      %dma_wait3A_1337 = arith.constant 0 : i32
      %dma_wait3A_1338 = arith.constant 0 : i32
      %dma_wait3A_1339 = tpu.memref_slice %arg4[%add3A_1327, %dma_wait3A_1337, %dma_wait3A_1338] : memref<16384x32x128xf32, #tpu.memory_space<hbm>> -> memref<1x26x32xf32, #tpu.memory_space<hbm>>
      %dma_wait3A_1340 = tpu.memref_squeeze %dma_wait3A_1339 : memref<1x26x32xf32, #tpu.memory_space<hbm>> -> memref<26x32xf32, #tpu.memory_space<hbm>>
      %dma_wait3A_1341 = tpu.memref_slice %arg8[%dma_wait3A_1329] : memref<8x!tpu.dma_semaphore, #tpu.memory_space<semaphore_mem>> -> memref<1x!tpu.dma_semaphore, #tpu.memory_space<semaphore_mem>>
      %dma_wait3A_1342 = tpu.memref_squeeze %dma_wait3A_1341 : memref<1x!tpu.dma_semaphore, #tpu.memory_space<semaphore_mem>> -> memref<!tpu.dma_semaphore, #tpu.memory_space<semaphore_mem>>
      %dma_wait3A_1343 = arith.constant 0 : i32
      %dma_wait3A_1344 = arith.constant 0 : i32
      %dma_wait3A_1345 = tpu.memref_slice %arg4[%add3A_1327, %dma_wait3A_1343, %dma_wait3A_1344] : memref<16384x32x128xf32, #tpu.memory_space<hbm>> -> memref<1x26x32xf32, #tpu.memory_space<hbm>>
      %dma_wait3A_1346 = tpu.memref_squeeze %dma_wait3A_1345 : memref<1x26x32xf32, #tpu.memory_space<hbm>> -> memref<26x32xf32, #tpu.memory_space<hbm>>
      %dma_wait3A_1347 = arith.constant 0 : i32
      %dma_wait3A_1348 = arith.constant 0 : i32
      %dma_wait3A_1349 = tpu.memref_slice %arg6[%dma_wait3A_1328, %dma_wait3A_1347, %dma_wait3A_1348] : memref<8x104x32xf32, #tpu.memory_space<vmem>> -> memref<1x104x32xf32, #tpu.memory_space<vmem>>
      %dma_wait3A_1350 = tpu.memref_squeeze %dma_wait3A_1349 : memref<1x104x32xf32, #tpu.memory_space<vmem>> -> memref<104x32xf32, #tpu.memory_space<vmem>>
      %dma_wait3A_1351 = arith.constant 52 : i32
      %dma_wait3A_1352 = arith.constant 0 : i32
      %dma_wait3A_1353 = tpu.memref_slice %dma_wait3A_1350[%dma_wait3A_1351, %dma_wait3A_1352] : memref<104x32xf32, #tpu.memory_space<vmem>> -> memref<26x32xf32, #tpu.memory_space<vmem>>
      tpu.wait_dma2 semaphore(%dma_wait3A_1342 : memref<!tpu.dma_semaphore, #tpu.memory_space<semaphore_mem>>) src(%dma_wait3A_1353 : memref<26x32xf32, #tpu.memory_space<vmem>>) dst(%dma_wait3A_1346 : memref<26x32xf32, #tpu.memory_space<hbm>>)
      %mul3A_1354 = arith.constant 4 : i32
      %mul3A_1355 = arith.muli %add3A_1260, %mul3A_1354 : i32
      %add3A_1356 = arith.addi %mul3A_4, %mul3A_1355 : i32
      %add3A_1357 = arith.constant 3 : i32
      %add3A_1358 = arith.addi %add3A_1356, %add3A_1357 : i32
      %dma_wait3A_1359 = arith.constant 0 : i32
      %dma_wait3A_1360 = arith.constant 0 : i32
      %dma_wait3A_1361 = arith.constant 0 : i32
      %dma_wait3A_1362 = arith.constant 0 : i32
      %dma_wait3A_1363 = tpu.memref_slice %arg6[%dma_wait3A_1359, %dma_wait3A_1361, %dma_wait3A_1362] : memref<8x104x32xf32, #tpu.memory_space<vmem>> -> memref<1x104x32xf32, #tpu.memory_space<vmem>>
      %dma_wait3A_1364 = tpu.memref_squeeze %dma_wait3A_1363 : memref<1x104x32xf32, #tpu.memory_space<vmem>> -> memref<104x32xf32, #tpu.memory_space<vmem>>
      %dma_wait3A_1365 = arith.constant 78 : i32
      %dma_wait3A_1366 = arith.constant 0 : i32
      %dma_wait3A_1367 = tpu.memref_slice %dma_wait3A_1364[%dma_wait3A_1365, %dma_wait3A_1366] : memref<104x32xf32, #tpu.memory_space<vmem>> -> memref<26x32xf32, #tpu.memory_space<vmem>>
      %dma_wait3A_1368 = arith.constant 0 : i32
      %dma_wait3A_1369 = arith.constant 0 : i32
      %dma_wait3A_1370 = tpu.memref_slice %arg4[%add3A_1358, %dma_wait3A_1368, %dma_wait3A_1369] : memref<16384x32x128xf32, #tpu.memory_space<hbm>> -> memref<1x26x32xf32, #tpu.memory_space<hbm>>
      %dma_wait3A_1371 = tpu.memref_squeeze %dma_wait3A_1370 : memref<1x26x32xf32, #tpu.memory_space<hbm>> -> memref<26x32xf32, #tpu.memory_space<hbm>>
      %dma_wait3A_1372 = tpu.memref_slice %arg8[%dma_wait3A_1360] : memref<8x!tpu.dma_semaphore, #tpu.memory_space<semaphore_mem>> -> memref<1x!tpu.dma_semaphore, #tpu.memory_space<semaphore_mem>>
      %dma_wait3A_1373 = tpu.memref_squeeze %dma_wait3A_1372 : memref<1x!tpu.dma_semaphore, #tpu.memory_space<semaphore_mem>> -> memref<!tpu.dma_semaphore, #tpu.memory_space<semaphore_mem>>
      %dma_wait3A_1374 = arith.constant 0 : i32
      %dma_wait3A_1375 = arith.constant 0 : i32
      %dma_wait3A_1376 = tpu.memref_slice %arg4[%add3A_1358, %dma_wait3A_1374, %dma_wait3A_1375] : memref<16384x32x128xf32, #tpu.memory_space<hbm>> -> memref<1x26x32xf32, #tpu.memory_space<hbm>>
      %dma_wait3A_1377 = tpu.memref_squeeze %dma_wait3A_1376 : memref<1x26x32xf32, #tpu.memory_space<hbm>> -> memref<26x32xf32, #tpu.memory_space<hbm>>
      %dma_wait3A_1378 = arith.constant 0 : i32
      %dma_wait3A_1379 = arith.constant 0 : i32
      %dma_wait3A_1380 = tpu.memref_slice %arg6[%dma_wait3A_1359, %dma_wait3A_1378, %dma_wait3A_1379] : memref<8x104x32xf32, #tpu.memory_space<vmem>> -> memref<1x104x32xf32, #tpu.memory_space<vmem>>
      %dma_wait3A_1381 = tpu.memref_squeeze %dma_wait3A_1380 : memref<1x104x32xf32, #tpu.memory_space<vmem>> -> memref<104x32xf32, #tpu.memory_space<vmem>>
      %dma_wait3A_1382 = arith.constant 78 : i32
      %dma_wait3A_1383 = arith.constant 0 : i32
      %dma_wait3A_1384 = tpu.memref_slice %dma_wait3A_1381[%dma_wait3A_1382, %dma_wait3A_1383] : memref<104x32xf32, #tpu.memory_space<vmem>> -> memref<26x32xf32, #tpu.memory_space<vmem>>
      tpu.wait_dma2 semaphore(%dma_wait3A_1373 : memref<!tpu.dma_semaphore, #tpu.memory_space<semaphore_mem>>) src(%dma_wait3A_1384 : memref<26x32xf32, #tpu.memory_space<vmem>>) dst(%dma_wait3A_1377 : memref<26x32xf32, #tpu.memory_space<hbm>>)
      %add3A_1385 = arith.constant 1 : i32
      %add3A_1386 = arith.addi %mul3A_12, %add3A_1385 : i32
      %mul3A_1387 = arith.constant 4 : i32
      %mul3A_1388 = arith.muli %add3A_1386, %mul3A_1387 : i32
      %add3A_1389 = arith.addi %mul3A_4, %mul3A_1388 : i32
      %add3A_1390 = arith.constant 0 : i32
      %add3A_1391 = arith.addi %add3A_1389, %add3A_1390 : i32
      %dma_wait3A_1392 = arith.constant 1 : i32
      %dma_wait3A_1393 = arith.constant 1 : i32
      %dma_wait3A_1394 = arith.constant 0 : i32
      %dma_wait3A_1395 = arith.constant 0 : i32
      %dma_wait3A_1396 = tpu.memref_slice %arg6[%dma_wait3A_1392, %dma_wait3A_1394, %dma_wait3A_1395] : memref<8x104x32xf32, #tpu.memory_space<vmem>> -> memref<1x104x32xf32, #tpu.memory_space<vmem>>
      %dma_wait3A_1397 = tpu.memref_squeeze %dma_wait3A_1396 : memref<1x104x32xf32, #tpu.memory_space<vmem>> -> memref<104x32xf32, #tpu.memory_space<vmem>>
      %dma_wait3A_1398 = arith.constant 0 : i32
      %dma_wait3A_1399 = arith.constant 0 : i32
      %dma_wait3A_1400 = tpu.memref_slice %dma_wait3A_1397[%dma_wait3A_1398, %dma_wait3A_1399] : memref<104x32xf32, #tpu.memory_space<vmem>> -> memref<26x32xf32, #tpu.memory_space<vmem>>
      %dma_wait3A_1401 = arith.constant 0 : i32
      %dma_wait3A_1402 = arith.constant 0 : i32
      %dma_wait3A_1403 = tpu.memref_slice %arg4[%add3A_1391, %dma_wait3A_1401, %dma_wait3A_1402] : memref<16384x32x128xf32, #tpu.memory_space<hbm>> -> memref<1x26x32xf32, #tpu.memory_space<hbm>>
      %dma_wait3A_1404 = tpu.memref_squeeze %dma_wait3A_1403 : memref<1x26x32xf32, #tpu.memory_space<hbm>> -> memref<26x32xf32, #tpu.memory_space<hbm>>
      %dma_wait3A_1405 = tpu.memref_slice %arg8[%dma_wait3A_1393] : memref<8x!tpu.dma_semaphore, #tpu.memory_space<semaphore_mem>> -> memref<1x!tpu.dma_semaphore, #tpu.memory_space<semaphore_mem>>
      %dma_wait3A_1406 = tpu.memref_squeeze %dma_wait3A_1405 : memref<1x!tpu.dma_semaphore, #tpu.memory_space<semaphore_mem>> -> memref<!tpu.dma_semaphore, #tpu.memory_space<semaphore_mem>>
      %dma_wait3A_1407 = arith.constant 0 : i32
      %dma_wait3A_1408 = arith.constant 0 : i32
      %dma_wait3A_1409 = tpu.memref_slice %arg4[%add3A_1391, %dma_wait3A_1407, %dma_wait3A_1408] : memref<16384x32x128xf32, #tpu.memory_space<hbm>> -> memref<1x26x32xf32, #tpu.memory_space<hbm>>
      %dma_wait3A_1410 = tpu.memref_squeeze %dma_wait3A_1409 : memref<1x26x32xf32, #tpu.memory_space<hbm>> -> memref<26x32xf32, #tpu.memory_space<hbm>>
      %dma_wait3A_1411 = arith.constant 0 : i32
      %dma_wait3A_1412 = arith.constant 0 : i32
      %dma_wait3A_1413 = tpu.memref_slice %arg6[%dma_wait3A_1392, %dma_wait3A_1411, %dma_wait3A_1412] : memref<8x104x32xf32, #tpu.memory_space<vmem>> -> memref<1x104x32xf32, #tpu.memory_space<vmem>>
      %dma_wait3A_1414 = tpu.memref_squeeze %dma_wait3A_1413 : memref<1x104x32xf32, #tpu.memory_space<vmem>> -> memref<104x32xf32, #tpu.memory_space<vmem>>
      %dma_wait3A_1415 = arith.constant 0 : i32
      %dma_wait3A_1416 = arith.constant 0 : i32
      %dma_wait3A_1417 = tpu.memref_slice %dma_wait3A_1414[%dma_wait3A_1415, %dma_wait3A_1416] : memref<104x32xf32, #tpu.memory_space<vmem>> -> memref<26x32xf32, #tpu.memory_space<vmem>>
      tpu.wait_dma2 semaphore(%dma_wait3A_1406 : memref<!tpu.dma_semaphore, #tpu.memory_space<semaphore_mem>>) src(%dma_wait3A_1417 : memref<26x32xf32, #tpu.memory_space<vmem>>) dst(%dma_wait3A_1410 : memref<26x32xf32, #tpu.memory_space<hbm>>)
      %mul3A_1418 = arith.constant 4 : i32
      %mul3A_1419 = arith.muli %add3A_1386, %mul3A_1418 : i32
      %add3A_1420 = arith.addi %mul3A_4, %mul3A_1419 : i32
      %add3A_1421 = arith.constant 1 : i32
      %add3A_1422 = arith.addi %add3A_1420, %add3A_1421 : i32
      %dma_wait3A_1423 = arith.constant 1 : i32
      %dma_wait3A_1424 = arith.constant 1 : i32
      %dma_wait3A_1425 = arith.constant 0 : i32
      %dma_wait3A_1426 = arith.constant 0 : i32
      %dma_wait3A_1427 = tpu.memref_slice %arg6[%dma_wait3A_1423, %dma_wait3A_1425, %dma_wait3A_1426] : memref<8x104x32xf32, #tpu.memory_space<vmem>> -> memref<1x104x32xf32, #tpu.memory_space<vmem>>
      %dma_wait3A_1428 = tpu.memref_squeeze %dma_wait3A_1427 : memref<1x104x32xf32, #tpu.memory_space<vmem>> -> memref<104x32xf32, #tpu.memory_space<vmem>>
      %dma_wait3A_1429 = arith.constant 26 : i32
      %dma_wait3A_1430 = arith.constant 0 : i32
      %dma_wait3A_1431 = tpu.memref_slice %dma_wait3A_1428[%dma_wait3A_1429, %dma_wait3A_1430] : memref<104x32xf32, #tpu.memory_space<vmem>> -> memref<26x32xf32, #tpu.memory_space<vmem>>
      %dma_wait3A_1432 = arith.constant 0 : i32
      %dma_wait3A_1433 = arith.constant 0 : i32
      %dma_wait3A_1434 = tpu.memref_slice %arg4[%add3A_1422, %dma_wait3A_1432, %dma_wait3A_1433] : memref<16384x32x128xf32, #tpu.memory_space<hbm>> -> memref<1x26x32xf32, #tpu.memory_space<hbm>>
      %dma_wait3A_1435 = tpu.memref_squeeze %dma_wait3A_1434 : memref<1x26x32xf32, #tpu.memory_space<hbm>> -> memref<26x32xf32, #tpu.memory_space<hbm>>
      %dma_wait3A_1436 = tpu.memref_slice %arg8[%dma_wait3A_1424] : memref<8x!tpu.dma_semaphore, #tpu.memory_space<semaphore_mem>> -> memref<1x!tpu.dma_semaphore, #tpu.memory_space<semaphore_mem>>
      %dma_wait3A_1437 = tpu.memref_squeeze %dma_wait3A_1436 : memref<1x!tpu.dma_semaphore, #tpu.memory_space<semaphore_mem>> -> memref<!tpu.dma_semaphore, #tpu.memory_space<semaphore_mem>>
      %dma_wait3A_1438 = arith.constant 0 : i32
      %dma_wait3A_1439 = arith.constant 0 : i32
      %dma_wait3A_1440 = tpu.memref_slice %arg4[%add3A_1422, %dma_wait3A_1438, %dma_wait3A_1439] : memref<16384x32x128xf32, #tpu.memory_space<hbm>> -> memref<1x26x32xf32, #tpu.memory_space<hbm>>
      %dma_wait3A_1441 = tpu.memref_squeeze %dma_wait3A_1440 : memref<1x26x32xf32, #tpu.memory_space<hbm>> -> memref<26x32xf32, #tpu.memory_space<hbm>>
      %dma_wait3A_1442 = arith.constant 0 : i32
      %dma_wait3A_1443 = arith.constant 0 : i32
      %dma_wait3A_1444 = tpu.memref_slice %arg6[%dma_wait3A_1423, %dma_wait3A_1442, %dma_wait3A_1443] : memref<8x104x32xf32, #tpu.memory_space<vmem>> -> memref<1x104x32xf32, #tpu.memory_space<vmem>>
      %dma_wait3A_1445 = tpu.memref_squeeze %dma_wait3A_1444 : memref<1x104x32xf32, #tpu.memory_space<vmem>> -> memref<104x32xf32, #tpu.memory_space<vmem>>
      %dma_wait3A_1446 = arith.constant 26 : i32
      %dma_wait3A_1447 = arith.constant 0 : i32
      %dma_wait3A_1448 = tpu.memref_slice %dma_wait3A_1445[%dma_wait3A_1446, %dma_wait3A_1447] : memref<104x32xf32, #tpu.memory_space<vmem>> -> memref<26x32xf32, #tpu.memory_space<vmem>>
      tpu.wait_dma2 semaphore(%dma_wait3A_1437 : memref<!tpu.dma_semaphore, #tpu.memory_space<semaphore_mem>>) src(%dma_wait3A_1448 : memref<26x32xf32, #tpu.memory_space<vmem>>) dst(%dma_wait3A_1441 : memref<26x32xf32, #tpu.memory_space<hbm>>)
      %mul3A_1449 = arith.constant 4 : i32
      %mul3A_1450 = arith.muli %add3A_1386, %mul3A_1449 : i32
      %add3A_1451 = arith.addi %mul3A_4, %mul3A_1450 : i32
      %add3A_1452 = arith.constant 2 : i32
      %add3A_1453 = arith.addi %add3A_1451, %add3A_1452 : i32
      %dma_wait3A_1454 = arith.constant 1 : i32
      %dma_wait3A_1455 = arith.constant 1 : i32
      %dma_wait3A_1456 = arith.constant 0 : i32
      %dma_wait3A_1457 = arith.constant 0 : i32
      %dma_wait3A_1458 = tpu.memref_slice %arg6[%dma_wait3A_1454, %dma_wait3A_1456, %dma_wait3A_1457] : memref<8x104x32xf32, #tpu.memory_space<vmem>> -> memref<1x104x32xf32, #tpu.memory_space<vmem>>
      %dma_wait3A_1459 = tpu.memref_squeeze %dma_wait3A_1458 : memref<1x104x32xf32, #tpu.memory_space<vmem>> -> memref<104x32xf32, #tpu.memory_space<vmem>>
      %dma_wait3A_1460 = arith.constant 52 : i32
      %dma_wait3A_1461 = arith.constant 0 : i32
      %dma_wait3A_1462 = tpu.memref_slice %dma_wait3A_1459[%dma_wait3A_1460, %dma_wait3A_1461] : memref<104x32xf32, #tpu.memory_space<vmem>> -> memref<26x32xf32, #tpu.memory_space<vmem>>
      %dma_wait3A_1463 = arith.constant 0 : i32
      %dma_wait3A_1464 = arith.constant 0 : i32
      %dma_wait3A_1465 = tpu.memref_slice %arg4[%add3A_1453, %dma_wait3A_1463, %dma_wait3A_1464] : memref<16384x32x128xf32, #tpu.memory_space<hbm>> -> memref<1x26x32xf32, #tpu.memory_space<hbm>>
      %dma_wait3A_1466 = tpu.memref_squeeze %dma_wait3A_1465 : memref<1x26x32xf32, #tpu.memory_space<hbm>> -> memref<26x32xf32, #tpu.memory_space<hbm>>
      %dma_wait3A_1467 = tpu.memref_slice %arg8[%dma_wait3A_1455] : memref<8x!tpu.dma_semaphore, #tpu.memory_space<semaphore_mem>> -> memref<1x!tpu.dma_semaphore, #tpu.memory_space<semaphore_mem>>
      %dma_wait3A_1468 = tpu.memref_squeeze %dma_wait3A_1467 : memref<1x!tpu.dma_semaphore, #tpu.memory_space<semaphore_mem>> -> memref<!tpu.dma_semaphore, #tpu.memory_space<semaphore_mem>>
      %dma_wait3A_1469 = arith.constant 0 : i32
      %dma_wait3A_1470 = arith.constant 0 : i32
      %dma_wait3A_1471 = tpu.memref_slice %arg4[%add3A_1453, %dma_wait3A_1469, %dma_wait3A_1470] : memref<16384x32x128xf32, #tpu.memory_space<hbm>> -> memref<1x26x32xf32, #tpu.memory_space<hbm>>
      %dma_wait3A_1472 = tpu.memref_squeeze %dma_wait3A_1471 : memref<1x26x32xf32, #tpu.memory_space<hbm>> -> memref<26x32xf32, #tpu.memory_space<hbm>>
      %dma_wait3A_1473 = arith.constant 0 : i32
      %dma_wait3A_1474 = arith.constant 0 : i32
      %dma_wait3A_1475 = tpu.memref_slice %arg6[%dma_wait3A_1454, %dma_wait3A_1473, %dma_wait3A_1474] : memref<8x104x32xf32, #tpu.memory_space<vmem>> -> memref<1x104x32xf32, #tpu.memory_space<vmem>>
      %dma_wait3A_1476 = tpu.memref_squeeze %dma_wait3A_1475 : memref<1x104x32xf32, #tpu.memory_space<vmem>> -> memref<104x32xf32, #tpu.memory_space<vmem>>
      %dma_wait3A_1477 = arith.constant 52 : i32
      %dma_wait3A_1478 = arith.constant 0 : i32
      %dma_wait3A_1479 = tpu.memref_slice %dma_wait3A_1476[%dma_wait3A_1477, %dma_wait3A_1478] : memref<104x32xf32, #tpu.memory_space<vmem>> -> memref<26x32xf32, #tpu.memory_space<vmem>>
      tpu.wait_dma2 semaphore(%dma_wait3A_1468 : memref<!tpu.dma_semaphore, #tpu.memory_space<semaphore_mem>>) src(%dma_wait3A_1479 : memref<26x32xf32, #tpu.memory_space<vmem>>) dst(%dma_wait3A_1472 : memref<26x32xf32, #tpu.memory_space<hbm>>)
      %mul3A_1480 = arith.constant 4 : i32
      %mul3A_1481 = arith.muli %add3A_1386, %mul3A_1480 : i32
      %add3A_1482 = arith.addi %mul3A_4, %mul3A_1481 : i32
      %add3A_1483 = arith.constant 3 : i32
      %add3A_1484 = arith.addi %add3A_1482, %add3A_1483 : i32
      %dma_wait3A_1485 = arith.constant 1 : i32
      %dma_wait3A_1486 = arith.constant 1 : i32
      %dma_wait3A_1487 = arith.constant 0 : i32
      %dma_wait3A_1488 = arith.constant 0 : i32
      %dma_wait3A_1489 = tpu.memref_slice %arg6[%dma_wait3A_1485, %dma_wait3A_1487, %dma_wait3A_1488] : memref<8x104x32xf32, #tpu.memory_space<vmem>> -> memref<1x104x32xf32, #tpu.memory_space<vmem>>
      %dma_wait3A_1490 = tpu.memref_squeeze %dma_wait3A_1489 : memref<1x104x32xf32, #tpu.memory_space<vmem>> -> memref<104x32xf32, #tpu.memory_space<vmem>>
      %dma_wait3A_1491 = arith.constant 78 : i32
      %dma_wait3A_1492 = arith.constant 0 : i32
      %dma_wait3A_1493 = tpu.memref_slice %dma_wait3A_1490[%dma_wait3A_1491, %dma_wait3A_1492] : memref<104x32xf32, #tpu.memory_space<vmem>> -> memref<26x32xf32, #tpu.memory_space<vmem>>
      %dma_wait3A_1494 = arith.constant 0 : i32
      %dma_wait3A_1495 = arith.constant 0 : i32
      %dma_wait3A_1496 = tpu.memref_slice %arg4[%add3A_1484, %dma_wait3A_1494, %dma_wait3A_1495] : memref<16384x32x128xf32, #tpu.memory_space<hbm>> -> memref<1x26x32xf32, #tpu.memory_space<hbm>>
      %dma_wait3A_1497 = tpu.memref_squeeze %dma_wait3A_1496 : memref<1x26x32xf32, #tpu.memory_space<hbm>> -> memref<26x32xf32, #tpu.memory_space<hbm>>
      %dma_wait3A_1498 = tpu.memref_slice %arg8[%dma_wait3A_1486] : memref<8x!tpu.dma_semaphore, #tpu.memory_space<semaphore_mem>> -> memref<1x!tpu.dma_semaphore, #tpu.memory_space<semaphore_mem>>
      %dma_wait3A_1499 = tpu.memref_squeeze %dma_wait3A_1498 : memref<1x!tpu.dma_semaphore, #tpu.memory_space<semaphore_mem>> -> memref<!tpu.dma_semaphore, #tpu.memory_space<semaphore_mem>>
      %dma_wait3A_1500 = arith.constant 0 : i32
      %dma_wait3A_1501 = arith.constant 0 : i32
      %dma_wait3A_1502 = tpu.memref_slice %arg4[%add3A_1484, %dma_wait3A_1500, %dma_wait3A_1501] : memref<16384x32x128xf32, #tpu.memory_space<hbm>> -> memref<1x26x32xf32, #tpu.memory_space<hbm>>
      %dma_wait3A_1503 = tpu.memref_squeeze %dma_wait3A_1502 : memref<1x26x32xf32, #tpu.memory_space<hbm>> -> memref<26x32xf32, #tpu.memory_space<hbm>>
      %dma_wait3A_1504 = arith.constant 0 : i32
      %dma_wait3A_1505 = arith.constant 0 : i32
      %dma_wait3A_1506 = tpu.memref_slice %arg6[%dma_wait3A_1485, %dma_wait3A_1504, %dma_wait3A_1505] : memref<8x104x32xf32, #tpu.memory_space<vmem>> -> memref<1x104x32xf32, #tpu.memory_space<vmem>>
      %dma_wait3A_1507 = tpu.memref_squeeze %dma_wait3A_1506 : memref<1x104x32xf32, #tpu.memory_space<vmem>> -> memref<104x32xf32, #tpu.memory_space<vmem>>
      %dma_wait3A_1508 = arith.constant 78 : i32
      %dma_wait3A_1509 = arith.constant 0 : i32
      %dma_wait3A_1510 = tpu.memref_slice %dma_wait3A_1507[%dma_wait3A_1508, %dma_wait3A_1509] : memref<104x32xf32, #tpu.memory_space<vmem>> -> memref<26x32xf32, #tpu.memory_space<vmem>>
      tpu.wait_dma2 semaphore(%dma_wait3A_1499 : memref<!tpu.dma_semaphore, #tpu.memory_space<semaphore_mem>>) src(%dma_wait3A_1510 : memref<26x32xf32, #tpu.memory_space<vmem>>) dst(%dma_wait3A_1503 : memref<26x32xf32, #tpu.memory_space<hbm>>)
      %add3A_1511 = arith.constant 2 : i32
      %add3A_1512 = arith.addi %mul3A_12, %add3A_1511 : i32
      %mul3A_1513 = arith.constant 4 : i32
      %mul3A_1514 = arith.muli %add3A_1512, %mul3A_1513 : i32
      %add3A_1515 = arith.addi %mul3A_4, %mul3A_1514 : i32
      %add3A_1516 = arith.constant 0 : i32
      %add3A_1517 = arith.addi %add3A_1515, %add3A_1516 : i32
      %dma_wait3A_1518 = arith.constant 2 : i32
      %dma_wait3A_1519 = arith.constant 2 : i32
      %dma_wait3A_1520 = arith.constant 0 : i32
      %dma_wait3A_1521 = arith.constant 0 : i32
      %dma_wait3A_1522 = tpu.memref_slice %arg6[%dma_wait3A_1518, %dma_wait3A_1520, %dma_wait3A_1521] : memref<8x104x32xf32, #tpu.memory_space<vmem>> -> memref<1x104x32xf32, #tpu.memory_space<vmem>>
      %dma_wait3A_1523 = tpu.memref_squeeze %dma_wait3A_1522 : memref<1x104x32xf32, #tpu.memory_space<vmem>> -> memref<104x32xf32, #tpu.memory_space<vmem>>
      %dma_wait3A_1524 = arith.constant 0 : i32
      %dma_wait3A_1525 = arith.constant 0 : i32
      %dma_wait3A_1526 = tpu.memref_slice %dma_wait3A_1523[%dma_wait3A_1524, %dma_wait3A_1525] : memref<104x32xf32, #tpu.memory_space<vmem>> -> memref<26x32xf32, #tpu.memory_space<vmem>>
      %dma_wait3A_1527 = arith.constant 0 : i32
      %dma_wait3A_1528 = arith.constant 0 : i32
      %dma_wait3A_1529 = tpu.memref_slice %arg4[%add3A_1517, %dma_wait3A_1527, %dma_wait3A_1528] : memref<16384x32x128xf32, #tpu.memory_space<hbm>> -> memref<1x26x32xf32, #tpu.memory_space<hbm>>
      %dma_wait3A_1530 = tpu.memref_squeeze %dma_wait3A_1529 : memref<1x26x32xf32, #tpu.memory_space<hbm>> -> memref<26x32xf32, #tpu.memory_space<hbm>>
      %dma_wait3A_1531 = tpu.memref_slice %arg8[%dma_wait3A_1519] : memref<8x!tpu.dma_semaphore, #tpu.memory_space<semaphore_mem>> -> memref<1x!tpu.dma_semaphore, #tpu.memory_space<semaphore_mem>>
      %dma_wait3A_1532 = tpu.memref_squeeze %dma_wait3A_1531 : memref<1x!tpu.dma_semaphore, #tpu.memory_space<semaphore_mem>> -> memref<!tpu.dma_semaphore, #tpu.memory_space<semaphore_mem>>
      %dma_wait3A_1533 = arith.constant 0 : i32
      %dma_wait3A_1534 = arith.constant 0 : i32
      %dma_wait3A_1535 = tpu.memref_slice %arg4[%add3A_1517, %dma_wait3A_1533, %dma_wait3A_1534] : memref<16384x32x128xf32, #tpu.memory_space<hbm>> -> memref<1x26x32xf32, #tpu.memory_space<hbm>>
      %dma_wait3A_1536 = tpu.memref_squeeze %dma_wait3A_1535 : memref<1x26x32xf32, #tpu.memory_space<hbm>> -> memref<26x32xf32, #tpu.memory_space<hbm>>
      %dma_wait3A_1537 = arith.constant 0 : i32
      %dma_wait3A_1538 = arith.constant 0 : i32
      %dma_wait3A_1539 = tpu.memref_slice %arg6[%dma_wait3A_1518, %dma_wait3A_1537, %dma_wait3A_1538] : memref<8x104x32xf32, #tpu.memory_space<vmem>> -> memref<1x104x32xf32, #tpu.memory_space<vmem>>
      %dma_wait3A_1540 = tpu.memref_squeeze %dma_wait3A_1539 : memref<1x104x32xf32, #tpu.memory_space<vmem>> -> memref<104x32xf32, #tpu.memory_space<vmem>>
      %dma_wait3A_1541 = arith.constant 0 : i32
      %dma_wait3A_1542 = arith.constant 0 : i32
      %dma_wait3A_1543 = tpu.memref_slice %dma_wait3A_1540[%dma_wait3A_1541, %dma_wait3A_1542] : memref<104x32xf32, #tpu.memory_space<vmem>> -> memref<26x32xf32, #tpu.memory_space<vmem>>
      tpu.wait_dma2 semaphore(%dma_wait3A_1532 : memref<!tpu.dma_semaphore, #tpu.memory_space<semaphore_mem>>) src(%dma_wait3A_1543 : memref<26x32xf32, #tpu.memory_space<vmem>>) dst(%dma_wait3A_1536 : memref<26x32xf32, #tpu.memory_space<hbm>>)
      %mul3A_1544 = arith.constant 4 : i32
      %mul3A_1545 = arith.muli %add3A_1512, %mul3A_1544 : i32
      %add3A_1546 = arith.addi %mul3A_4, %mul3A_1545 : i32
      %add3A_1547 = arith.constant 1 : i32
      %add3A_1548 = arith.addi %add3A_1546, %add3A_1547 : i32
      %dma_wait3A_1549 = arith.constant 2 : i32
      %dma_wait3A_1550 = arith.constant 2 : i32
      %dma_wait3A_1551 = arith.constant 0 : i32
      %dma_wait3A_1552 = arith.constant 0 : i32
      %dma_wait3A_1553 = tpu.memref_slice %arg6[%dma_wait3A_1549, %dma_wait3A_1551, %dma_wait3A_1552] : memref<8x104x32xf32, #tpu.memory_space<vmem>> -> memref<1x104x32xf32, #tpu.memory_space<vmem>>
      %dma_wait3A_1554 = tpu.memref_squeeze %dma_wait3A_1553 : memref<1x104x32xf32, #tpu.memory_space<vmem>> -> memref<104x32xf32, #tpu.memory_space<vmem>>
      %dma_wait3A_1555 = arith.constant 26 : i32
      %dma_wait3A_1556 = arith.constant 0 : i32
      %dma_wait3A_1557 = tpu.memref_slice %dma_wait3A_1554[%dma_wait3A_1555, %dma_wait3A_1556] : memref<104x32xf32, #tpu.memory_space<vmem>> -> memref<26x32xf32, #tpu.memory_space<vmem>>
      %dma_wait3A_1558 = arith.constant 0 : i32
      %dma_wait3A_1559 = arith.constant 0 : i32
      %dma_wait3A_1560 = tpu.memref_slice %arg4[%add3A_1548, %dma_wait3A_1558, %dma_wait3A_1559] : memref<16384x32x128xf32, #tpu.memory_space<hbm>> -> memref<1x26x32xf32, #tpu.memory_space<hbm>>
      %dma_wait3A_1561 = tpu.memref_squeeze %dma_wait3A_1560 : memref<1x26x32xf32, #tpu.memory_space<hbm>> -> memref<26x32xf32, #tpu.memory_space<hbm>>
      %dma_wait3A_1562 = tpu.memref_slice %arg8[%dma_wait3A_1550] : memref<8x!tpu.dma_semaphore, #tpu.memory_space<semaphore_mem>> -> memref<1x!tpu.dma_semaphore, #tpu.memory_space<semaphore_mem>>
      %dma_wait3A_1563 = tpu.memref_squeeze %dma_wait3A_1562 : memref<1x!tpu.dma_semaphore, #tpu.memory_space<semaphore_mem>> -> memref<!tpu.dma_semaphore, #tpu.memory_space<semaphore_mem>>
      %dma_wait3A_1564 = arith.constant 0 : i32
      %dma_wait3A_1565 = arith.constant 0 : i32
      %dma_wait3A_1566 = tpu.memref_slice %arg4[%add3A_1548, %dma_wait3A_1564, %dma_wait3A_1565] : memref<16384x32x128xf32, #tpu.memory_space<hbm>> -> memref<1x26x32xf32, #tpu.memory_space<hbm>>
      %dma_wait3A_1567 = tpu.memref_squeeze %dma_wait3A_1566 : memref<1x26x32xf32, #tpu.memory_space<hbm>> -> memref<26x32xf32, #tpu.memory_space<hbm>>
      %dma_wait3A_1568 = arith.constant 0 : i32
      %dma_wait3A_1569 = arith.constant 0 : i32
      %dma_wait3A_1570 = tpu.memref_slice %arg6[%dma_wait3A_1549, %dma_wait3A_1568, %dma_wait3A_1569] : memref<8x104x32xf32, #tpu.memory_space<vmem>> -> memref<1x104x32xf32, #tpu.memory_space<vmem>>
      %dma_wait3A_1571 = tpu.memref_squeeze %dma_wait3A_1570 : memref<1x104x32xf32, #tpu.memory_space<vmem>> -> memref<104x32xf32, #tpu.memory_space<vmem>>
      %dma_wait3A_1572 = arith.constant 26 : i32
      %dma_wait3A_1573 = arith.constant 0 : i32
      %dma_wait3A_1574 = tpu.memref_slice %dma_wait3A_1571[%dma_wait3A_1572, %dma_wait3A_1573] : memref<104x32xf32, #tpu.memory_space<vmem>> -> memref<26x32xf32, #tpu.memory_space<vmem>>
      tpu.wait_dma2 semaphore(%dma_wait3A_1563 : memref<!tpu.dma_semaphore, #tpu.memory_space<semaphore_mem>>) src(%dma_wait3A_1574 : memref<26x32xf32, #tpu.memory_space<vmem>>) dst(%dma_wait3A_1567 : memref<26x32xf32, #tpu.memory_space<hbm>>)
      %mul3A_1575 = arith.constant 4 : i32
      %mul3A_1576 = arith.muli %add3A_1512, %mul3A_1575 : i32
      %add3A_1577 = arith.addi %mul3A_4, %mul3A_1576 : i32
      %add3A_1578 = arith.constant 2 : i32
      %add3A_1579 = arith.addi %add3A_1577, %add3A_1578 : i32
      %dma_wait3A_1580 = arith.constant 2 : i32
      %dma_wait3A_1581 = arith.constant 2 : i32
      %dma_wait3A_1582 = arith.constant 0 : i32
      %dma_wait3A_1583 = arith.constant 0 : i32
      %dma_wait3A_1584 = tpu.memref_slice %arg6[%dma_wait3A_1580, %dma_wait3A_1582, %dma_wait3A_1583] : memref<8x104x32xf32, #tpu.memory_space<vmem>> -> memref<1x104x32xf32, #tpu.memory_space<vmem>>
      %dma_wait3A_1585 = tpu.memref_squeeze %dma_wait3A_1584 : memref<1x104x32xf32, #tpu.memory_space<vmem>> -> memref<104x32xf32, #tpu.memory_space<vmem>>
      %dma_wait3A_1586 = arith.constant 52 : i32
      %dma_wait3A_1587 = arith.constant 0 : i32
      %dma_wait3A_1588 = tpu.memref_slice %dma_wait3A_1585[%dma_wait3A_1586, %dma_wait3A_1587] : memref<104x32xf32, #tpu.memory_space<vmem>> -> memref<26x32xf32, #tpu.memory_space<vmem>>
      %dma_wait3A_1589 = arith.constant 0 : i32
      %dma_wait3A_1590 = arith.constant 0 : i32
      %dma_wait3A_1591 = tpu.memref_slice %arg4[%add3A_1579, %dma_wait3A_1589, %dma_wait3A_1590] : memref<16384x32x128xf32, #tpu.memory_space<hbm>> -> memref<1x26x32xf32, #tpu.memory_space<hbm>>
      %dma_wait3A_1592 = tpu.memref_squeeze %dma_wait3A_1591 : memref<1x26x32xf32, #tpu.memory_space<hbm>> -> memref<26x32xf32, #tpu.memory_space<hbm>>
      %dma_wait3A_1593 = tpu.memref_slice %arg8[%dma_wait3A_1581] : memref<8x!tpu.dma_semaphore, #tpu.memory_space<semaphore_mem>> -> memref<1x!tpu.dma_semaphore, #tpu.memory_space<semaphore_mem>>
      %dma_wait3A_1594 = tpu.memref_squeeze %dma_wait3A_1593 : memref<1x!tpu.dma_semaphore, #tpu.memory_space<semaphore_mem>> -> memref<!tpu.dma_semaphore, #tpu.memory_space<semaphore_mem>>
      %dma_wait3A_1595 = arith.constant 0 : i32
      %dma_wait3A_1596 = arith.constant 0 : i32
      %dma_wait3A_1597 = tpu.memref_slice %arg4[%add3A_1579, %dma_wait3A_1595, %dma_wait3A_1596] : memref<16384x32x128xf32, #tpu.memory_space<hbm>> -> memref<1x26x32xf32, #tpu.memory_space<hbm>>
      %dma_wait3A_1598 = tpu.memref_squeeze %dma_wait3A_1597 : memref<1x26x32xf32, #tpu.memory_space<hbm>> -> memref<26x32xf32, #tpu.memory_space<hbm>>
      %dma_wait3A_1599 = arith.constant 0 : i32
      %dma_wait3A_1600 = arith.constant 0 : i32
      %dma_wait3A_1601 = tpu.memref_slice %arg6[%dma_wait3A_1580, %dma_wait3A_1599, %dma_wait3A_1600] : memref<8x104x32xf32, #tpu.memory_space<vmem>> -> memref<1x104x32xf32, #tpu.memory_space<vmem>>
      %dma_wait3A_1602 = tpu.memref_squeeze %dma_wait3A_1601 : memref<1x104x32xf32, #tpu.memory_space<vmem>> -> memref<104x32xf32, #tpu.memory_space<vmem>>
      %dma_wait3A_1603 = arith.constant 52 : i32
      %dma_wait3A_1604 = arith.constant 0 : i32
      %dma_wait3A_1605 = tpu.memref_slice %dma_wait3A_1602[%dma_wait3A_1603, %dma_wait3A_1604] : memref<104x32xf32, #tpu.memory_space<vmem>> -> memref<26x32xf32, #tpu.memory_space<vmem>>
      tpu.wait_dma2 semaphore(%dma_wait3A_1594 : memref<!tpu.dma_semaphore, #tpu.memory_space<semaphore_mem>>) src(%dma_wait3A_1605 : memref<26x32xf32, #tpu.memory_space<vmem>>) dst(%dma_wait3A_1598 : memref<26x32xf32, #tpu.memory_space<hbm>>)
      %mul3A_1606 = arith.constant 4 : i32
      %mul3A_1607 = arith.muli %add3A_1512, %mul3A_1606 : i32
      %add3A_1608 = arith.addi %mul3A_4, %mul3A_1607 : i32
      %add3A_1609 = arith.constant 3 : i32
      %add3A_1610 = arith.addi %add3A_1608, %add3A_1609 : i32
      %dma_wait3A_1611 = arith.constant 2 : i32
      %dma_wait3A_1612 = arith.constant 2 : i32
      %dma_wait3A_1613 = arith.constant 0 : i32
      %dma_wait3A_1614 = arith.constant 0 : i32
      %dma_wait3A_1615 = tpu.memref_slice %arg6[%dma_wait3A_1611, %dma_wait3A_1613, %dma_wait3A_1614] : memref<8x104x32xf32, #tpu.memory_space<vmem>> -> memref<1x104x32xf32, #tpu.memory_space<vmem>>
      %dma_wait3A_1616 = tpu.memref_squeeze %dma_wait3A_1615 : memref<1x104x32xf32, #tpu.memory_space<vmem>> -> memref<104x32xf32, #tpu.memory_space<vmem>>
      %dma_wait3A_1617 = arith.constant 78 : i32
      %dma_wait3A_1618 = arith.constant 0 : i32
      %dma_wait3A_1619 = tpu.memref_slice %dma_wait3A_1616[%dma_wait3A_1617, %dma_wait3A_1618] : memref<104x32xf32, #tpu.memory_space<vmem>> -> memref<26x32xf32, #tpu.memory_space<vmem>>
      %dma_wait3A_1620 = arith.constant 0 : i32
      %dma_wait3A_1621 = arith.constant 0 : i32
      %dma_wait3A_1622 = tpu.memref_slice %arg4[%add3A_1610, %dma_wait3A_1620, %dma_wait3A_1621] : memref<16384x32x128xf32, #tpu.memory_space<hbm>> -> memref<1x26x32xf32, #tpu.memory_space<hbm>>
      %dma_wait3A_1623 = tpu.memref_squeeze %dma_wait3A_1622 : memref<1x26x32xf32, #tpu.memory_space<hbm>> -> memref<26x32xf32, #tpu.memory_space<hbm>>
      %dma_wait3A_1624 = tpu.memref_slice %arg8[%dma_wait3A_1612] : memref<8x!tpu.dma_semaphore, #tpu.memory_space<semaphore_mem>> -> memref<1x!tpu.dma_semaphore, #tpu.memory_space<semaphore_mem>>
      %dma_wait3A_1625 = tpu.memref_squeeze %dma_wait3A_1624 : memref<1x!tpu.dma_semaphore, #tpu.memory_space<semaphore_mem>> -> memref<!tpu.dma_semaphore, #tpu.memory_space<semaphore_mem>>
      %dma_wait3A_1626 = arith.constant 0 : i32
      %dma_wait3A_1627 = arith.constant 0 : i32
      %dma_wait3A_1628 = tpu.memref_slice %arg4[%add3A_1610, %dma_wait3A_1626, %dma_wait3A_1627] : memref<16384x32x128xf32, #tpu.memory_space<hbm>> -> memref<1x26x32xf32, #tpu.memory_space<hbm>>
      %dma_wait3A_1629 = tpu.memref_squeeze %dma_wait3A_1628 : memref<1x26x32xf32, #tpu.memory_space<hbm>> -> memref<26x32xf32, #tpu.memory_space<hbm>>
      %dma_wait3A_1630 = arith.constant 0 : i32
      %dma_wait3A_1631 = arith.constant 0 : i32
      %dma_wait3A_1632 = tpu.memref_slice %arg6[%dma_wait3A_1611, %dma_wait3A_1630, %dma_wait3A_1631] : memref<8x104x32xf32, #tpu.memory_space<vmem>> -> memref<1x104x32xf32, #tpu.memory_space<vmem>>
      %dma_wait3A_1633 = tpu.memref_squeeze %dma_wait3A_1632 : memref<1x104x32xf32, #tpu.memory_space<vmem>> -> memref<104x32xf32, #tpu.memory_space<vmem>>
      %dma_wait3A_1634 = arith.constant 78 : i32
      %dma_wait3A_1635 = arith.constant 0 : i32
      %dma_wait3A_1636 = tpu.memref_slice %dma_wait3A_1633[%dma_wait3A_1634, %dma_wait3A_1635] : memref<104x32xf32, #tpu.memory_space<vmem>> -> memref<26x32xf32, #tpu.memory_space<vmem>>
      tpu.wait_dma2 semaphore(%dma_wait3A_1625 : memref<!tpu.dma_semaphore, #tpu.memory_space<semaphore_mem>>) src(%dma_wait3A_1636 : memref<26x32xf32, #tpu.memory_space<vmem>>) dst(%dma_wait3A_1629 : memref<26x32xf32, #tpu.memory_space<hbm>>)
      %add3A_1637 = arith.constant 3 : i32
      %add3A_1638 = arith.addi %mul3A_12, %add3A_1637 : i32
      %mul3A_1639 = arith.constant 4 : i32
      %mul3A_1640 = arith.muli %add3A_1638, %mul3A_1639 : i32
      %add3A_1641 = arith.addi %mul3A_4, %mul3A_1640 : i32
      %add3A_1642 = arith.constant 0 : i32
      %add3A_1643 = arith.addi %add3A_1641, %add3A_1642 : i32
      %dma_wait3A_1644 = arith.constant 3 : i32
      %dma_wait3A_1645 = arith.constant 3 : i32
      %dma_wait3A_1646 = arith.constant 0 : i32
      %dma_wait3A_1647 = arith.constant 0 : i32
      %dma_wait3A_1648 = tpu.memref_slice %arg6[%dma_wait3A_1644, %dma_wait3A_1646, %dma_wait3A_1647] : memref<8x104x32xf32, #tpu.memory_space<vmem>> -> memref<1x104x32xf32, #tpu.memory_space<vmem>>
      %dma_wait3A_1649 = tpu.memref_squeeze %dma_wait3A_1648 : memref<1x104x32xf32, #tpu.memory_space<vmem>> -> memref<104x32xf32, #tpu.memory_space<vmem>>
      %dma_wait3A_1650 = arith.constant 0 : i32
      %dma_wait3A_1651 = arith.constant 0 : i32
      %dma_wait3A_1652 = tpu.memref_slice %dma_wait3A_1649[%dma_wait3A_1650, %dma_wait3A_1651] : memref<104x32xf32, #tpu.memory_space<vmem>> -> memref<26x32xf32, #tpu.memory_space<vmem>>
      %dma_wait3A_1653 = arith.constant 0 : i32
      %dma_wait3A_1654 = arith.constant 0 : i32
      %dma_wait3A_1655 = tpu.memref_slice %arg4[%add3A_1643, %dma_wait3A_1653, %dma_wait3A_1654] : memref<16384x32x128xf32, #tpu.memory_space<hbm>> -> memref<1x26x32xf32, #tpu.memory_space<hbm>>
      %dma_wait3A_1656 = tpu.memref_squeeze %dma_wait3A_1655 : memref<1x26x32xf32, #tpu.memory_space<hbm>> -> memref<26x32xf32, #tpu.memory_space<hbm>>
      %dma_wait3A_1657 = tpu.memref_slice %arg8[%dma_wait3A_1645] : memref<8x!tpu.dma_semaphore, #tpu.memory_space<semaphore_mem>> -> memref<1x!tpu.dma_semaphore, #tpu.memory_space<semaphore_mem>>
      %dma_wait3A_1658 = tpu.memref_squeeze %dma_wait3A_1657 : memref<1x!tpu.dma_semaphore, #tpu.memory_space<semaphore_mem>> -> memref<!tpu.dma_semaphore, #tpu.memory_space<semaphore_mem>>
      %dma_wait3A_1659 = arith.constant 0 : i32
      %dma_wait3A_1660 = arith.constant 0 : i32
      %dma_wait3A_1661 = tpu.memref_slice %arg4[%add3A_1643, %dma_wait3A_1659, %dma_wait3A_1660] : memref<16384x32x128xf32, #tpu.memory_space<hbm>> -> memref<1x26x32xf32, #tpu.memory_space<hbm>>
      %dma_wait3A_1662 = tpu.memref_squeeze %dma_wait3A_1661 : memref<1x26x32xf32, #tpu.memory_space<hbm>> -> memref<26x32xf32, #tpu.memory_space<hbm>>
      %dma_wait3A_1663 = arith.constant 0 : i32
      %dma_wait3A_1664 = arith.constant 0 : i32
      %dma_wait3A_1665 = tpu.memref_slice %arg6[%dma_wait3A_1644, %dma_wait3A_1663, %dma_wait3A_1664] : memref<8x104x32xf32, #tpu.memory_space<vmem>> -> memref<1x104x32xf32, #tpu.memory_space<vmem>>
      %dma_wait3A_1666 = tpu.memref_squeeze %dma_wait3A_1665 : memref<1x104x32xf32, #tpu.memory_space<vmem>> -> memref<104x32xf32, #tpu.memory_space<vmem>>
      %dma_wait3A_1667 = arith.constant 0 : i32
      %dma_wait3A_1668 = arith.constant 0 : i32
      %dma_wait3A_1669 = tpu.memref_slice %dma_wait3A_1666[%dma_wait3A_1667, %dma_wait3A_1668] : memref<104x32xf32, #tpu.memory_space<vmem>> -> memref<26x32xf32, #tpu.memory_space<vmem>>
      tpu.wait_dma2 semaphore(%dma_wait3A_1658 : memref<!tpu.dma_semaphore, #tpu.memory_space<semaphore_mem>>) src(%dma_wait3A_1669 : memref<26x32xf32, #tpu.memory_space<vmem>>) dst(%dma_wait3A_1662 : memref<26x32xf32, #tpu.memory_space<hbm>>)
      %mul3A_1670 = arith.constant 4 : i32
      %mul3A_1671 = arith.muli %add3A_1638, %mul3A_1670 : i32
      %add3A_1672 = arith.addi %mul3A_4, %mul3A_1671 : i32
      %add3A_1673 = arith.constant 1 : i32
      %add3A_1674 = arith.addi %add3A_1672, %add3A_1673 : i32
      %dma_wait3A_1675 = arith.constant 3 : i32
      %dma_wait3A_1676 = arith.constant 3 : i32
      %dma_wait3A_1677 = arith.constant 0 : i32
      %dma_wait3A_1678 = arith.constant 0 : i32
      %dma_wait3A_1679 = tpu.memref_slice %arg6[%dma_wait3A_1675, %dma_wait3A_1677, %dma_wait3A_1678] : memref<8x104x32xf32, #tpu.memory_space<vmem>> -> memref<1x104x32xf32, #tpu.memory_space<vmem>>
      %dma_wait3A_1680 = tpu.memref_squeeze %dma_wait3A_1679 : memref<1x104x32xf32, #tpu.memory_space<vmem>> -> memref<104x32xf32, #tpu.memory_space<vmem>>
      %dma_wait3A_1681 = arith.constant 26 : i32
      %dma_wait3A_1682 = arith.constant 0 : i32
      %dma_wait3A_1683 = tpu.memref_slice %dma_wait3A_1680[%dma_wait3A_1681, %dma_wait3A_1682] : memref<104x32xf32, #tpu.memory_space<vmem>> -> memref<26x32xf32, #tpu.memory_space<vmem>>
      %dma_wait3A_1684 = arith.constant 0 : i32
      %dma_wait3A_1685 = arith.constant 0 : i32
      %dma_wait3A_1686 = tpu.memref_slice %arg4[%add3A_1674, %dma_wait3A_1684, %dma_wait3A_1685] : memref<16384x32x128xf32, #tpu.memory_space<hbm>> -> memref<1x26x32xf32, #tpu.memory_space<hbm>>
      %dma_wait3A_1687 = tpu.memref_squeeze %dma_wait3A_1686 : memref<1x26x32xf32, #tpu.memory_space<hbm>> -> memref<26x32xf32, #tpu.memory_space<hbm>>
      %dma_wait3A_1688 = tpu.memref_slice %arg8[%dma_wait3A_1676] : memref<8x!tpu.dma_semaphore, #tpu.memory_space<semaphore_mem>> -> memref<1x!tpu.dma_semaphore, #tpu.memory_space<semaphore_mem>>
      %dma_wait3A_1689 = tpu.memref_squeeze %dma_wait3A_1688 : memref<1x!tpu.dma_semaphore, #tpu.memory_space<semaphore_mem>> -> memref<!tpu.dma_semaphore, #tpu.memory_space<semaphore_mem>>
      %dma_wait3A_1690 = arith.constant 0 : i32
      %dma_wait3A_1691 = arith.constant 0 : i32
      %dma_wait3A_1692 = tpu.memref_slice %arg4[%add3A_1674, %dma_wait3A_1690, %dma_wait3A_1691] : memref<16384x32x128xf32, #tpu.memory_space<hbm>> -> memref<1x26x32xf32, #tpu.memory_space<hbm>>
      %dma_wait3A_1693 = tpu.memref_squeeze %dma_wait3A_1692 : memref<1x26x32xf32, #tpu.memory_space<hbm>> -> memref<26x32xf32, #tpu.memory_space<hbm>>
      %dma_wait3A_1694 = arith.constant 0 : i32
      %dma_wait3A_1695 = arith.constant 0 : i32
      %dma_wait3A_1696 = tpu.memref_slice %arg6[%dma_wait3A_1675, %dma_wait3A_1694, %dma_wait3A_1695] : memref<8x104x32xf32, #tpu.memory_space<vmem>> -> memref<1x104x32xf32, #tpu.memory_space<vmem>>
      %dma_wait3A_1697 = tpu.memref_squeeze %dma_wait3A_1696 : memref<1x104x32xf32, #tpu.memory_space<vmem>> -> memref<104x32xf32, #tpu.memory_space<vmem>>
      %dma_wait3A_1698 = arith.constant 26 : i32
      %dma_wait3A_1699 = arith.constant 0 : i32
      %dma_wait3A_1700 = tpu.memref_slice %dma_wait3A_1697[%dma_wait3A_1698, %dma_wait3A_1699] : memref<104x32xf32, #tpu.memory_space<vmem>> -> memref<26x32xf32, #tpu.memory_space<vmem>>
      tpu.wait_dma2 semaphore(%dma_wait3A_1689 : memref<!tpu.dma_semaphore, #tpu.memory_space<semaphore_mem>>) src(%dma_wait3A_1700 : memref<26x32xf32, #tpu.memory_space<vmem>>) dst(%dma_wait3A_1693 : memref<26x32xf32, #tpu.memory_space<hbm>>)
      %mul3A_1701 = arith.constant 4 : i32
      %mul3A_1702 = arith.muli %add3A_1638, %mul3A_1701 : i32
      %add3A_1703 = arith.addi %mul3A_4, %mul3A_1702 : i32
      %add3A_1704 = arith.constant 2 : i32
      %add3A_1705 = arith.addi %add3A_1703, %add3A_1704 : i32
      %dma_wait3A_1706 = arith.constant 3 : i32
      %dma_wait3A_1707 = arith.constant 3 : i32
      %dma_wait3A_1708 = arith.constant 0 : i32
      %dma_wait3A_1709 = arith.constant 0 : i32
      %dma_wait3A_1710 = tpu.memref_slice %arg6[%dma_wait3A_1706, %dma_wait3A_1708, %dma_wait3A_1709] : memref<8x104x32xf32, #tpu.memory_space<vmem>> -> memref<1x104x32xf32, #tpu.memory_space<vmem>>
      %dma_wait3A_1711 = tpu.memref_squeeze %dma_wait3A_1710 : memref<1x104x32xf32, #tpu.memory_space<vmem>> -> memref<104x32xf32, #tpu.memory_space<vmem>>
      %dma_wait3A_1712 = arith.constant 52 : i32
      %dma_wait3A_1713 = arith.constant 0 : i32
      %dma_wait3A_1714 = tpu.memref_slice %dma_wait3A_1711[%dma_wait3A_1712, %dma_wait3A_1713] : memref<104x32xf32, #tpu.memory_space<vmem>> -> memref<26x32xf32, #tpu.memory_space<vmem>>
      %dma_wait3A_1715 = arith.constant 0 : i32
      %dma_wait3A_1716 = arith.constant 0 : i32
      %dma_wait3A_1717 = tpu.memref_slice %arg4[%add3A_1705, %dma_wait3A_1715, %dma_wait3A_1716] : memref<16384x32x128xf32, #tpu.memory_space<hbm>> -> memref<1x26x32xf32, #tpu.memory_space<hbm>>
      %dma_wait3A_1718 = tpu.memref_squeeze %dma_wait3A_1717 : memref<1x26x32xf32, #tpu.memory_space<hbm>> -> memref<26x32xf32, #tpu.memory_space<hbm>>
      %dma_wait3A_1719 = tpu.memref_slice %arg8[%dma_wait3A_1707] : memref<8x!tpu.dma_semaphore, #tpu.memory_space<semaphore_mem>> -> memref<1x!tpu.dma_semaphore, #tpu.memory_space<semaphore_mem>>
      %dma_wait3A_1720 = tpu.memref_squeeze %dma_wait3A_1719 : memref<1x!tpu.dma_semaphore, #tpu.memory_space<semaphore_mem>> -> memref<!tpu.dma_semaphore, #tpu.memory_space<semaphore_mem>>
      %dma_wait3A_1721 = arith.constant 0 : i32
      %dma_wait3A_1722 = arith.constant 0 : i32
      %dma_wait3A_1723 = tpu.memref_slice %arg4[%add3A_1705, %dma_wait3A_1721, %dma_wait3A_1722] : memref<16384x32x128xf32, #tpu.memory_space<hbm>> -> memref<1x26x32xf32, #tpu.memory_space<hbm>>
      %dma_wait3A_1724 = tpu.memref_squeeze %dma_wait3A_1723 : memref<1x26x32xf32, #tpu.memory_space<hbm>> -> memref<26x32xf32, #tpu.memory_space<hbm>>
      %dma_wait3A_1725 = arith.constant 0 : i32
      %dma_wait3A_1726 = arith.constant 0 : i32
      %dma_wait3A_1727 = tpu.memref_slice %arg6[%dma_wait3A_1706, %dma_wait3A_1725, %dma_wait3A_1726] : memref<8x104x32xf32, #tpu.memory_space<vmem>> -> memref<1x104x32xf32, #tpu.memory_space<vmem>>
      %dma_wait3A_1728 = tpu.memref_squeeze %dma_wait3A_1727 : memref<1x104x32xf32, #tpu.memory_space<vmem>> -> memref<104x32xf32, #tpu.memory_space<vmem>>
      %dma_wait3A_1729 = arith.constant 52 : i32
      %dma_wait3A_1730 = arith.constant 0 : i32
      %dma_wait3A_1731 = tpu.memref_slice %dma_wait3A_1728[%dma_wait3A_1729, %dma_wait3A_1730] : memref<104x32xf32, #tpu.memory_space<vmem>> -> memref<26x32xf32, #tpu.memory_space<vmem>>
      tpu.wait_dma2 semaphore(%dma_wait3A_1720 : memref<!tpu.dma_semaphore, #tpu.memory_space<semaphore_mem>>) src(%dma_wait3A_1731 : memref<26x32xf32, #tpu.memory_space<vmem>>) dst(%dma_wait3A_1724 : memref<26x32xf32, #tpu.memory_space<hbm>>)
      %mul3A_1732 = arith.constant 4 : i32
      %mul3A_1733 = arith.muli %add3A_1638, %mul3A_1732 : i32
      %add3A_1734 = arith.addi %mul3A_4, %mul3A_1733 : i32
      %add3A_1735 = arith.constant 3 : i32
      %add3A_1736 = arith.addi %add3A_1734, %add3A_1735 : i32
      %dma_wait3A_1737 = arith.constant 3 : i32
      %dma_wait3A_1738 = arith.constant 3 : i32
      %dma_wait3A_1739 = arith.constant 0 : i32
      %dma_wait3A_1740 = arith.constant 0 : i32
      %dma_wait3A_1741 = tpu.memref_slice %arg6[%dma_wait3A_1737, %dma_wait3A_1739, %dma_wait3A_1740] : memref<8x104x32xf32, #tpu.memory_space<vmem>> -> memref<1x104x32xf32, #tpu.memory_space<vmem>>
      %dma_wait3A_1742 = tpu.memref_squeeze %dma_wait3A_1741 : memref<1x104x32xf32, #tpu.memory_space<vmem>> -> memref<104x32xf32, #tpu.memory_space<vmem>>
      %dma_wait3A_1743 = arith.constant 78 : i32
      %dma_wait3A_1744 = arith.constant 0 : i32
      %dma_wait3A_1745 = tpu.memref_slice %dma_wait3A_1742[%dma_wait3A_1743, %dma_wait3A_1744] : memref<104x32xf32, #tpu.memory_space<vmem>> -> memref<26x32xf32, #tpu.memory_space<vmem>>
      %dma_wait3A_1746 = arith.constant 0 : i32
      %dma_wait3A_1747 = arith.constant 0 : i32
      %dma_wait3A_1748 = tpu.memref_slice %arg4[%add3A_1736, %dma_wait3A_1746, %dma_wait3A_1747] : memref<16384x32x128xf32, #tpu.memory_space<hbm>> -> memref<1x26x32xf32, #tpu.memory_space<hbm>>
      %dma_wait3A_1749 = tpu.memref_squeeze %dma_wait3A_1748 : memref<1x26x32xf32, #tpu.memory_space<hbm>> -> memref<26x32xf32, #tpu.memory_space<hbm>>
      %dma_wait3A_1750 = tpu.memref_slice %arg8[%dma_wait3A_1738] : memref<8x!tpu.dma_semaphore, #tpu.memory_space<semaphore_mem>> -> memref<1x!tpu.dma_semaphore, #tpu.memory_space<semaphore_mem>>
      %dma_wait3A_1751 = tpu.memref_squeeze %dma_wait3A_1750 : memref<1x!tpu.dma_semaphore, #tpu.memory_space<semaphore_mem>> -> memref<!tpu.dma_semaphore, #tpu.memory_space<semaphore_mem>>
      %dma_wait3A_1752 = arith.constant 0 : i32
      %dma_wait3A_1753 = arith.constant 0 : i32
      %dma_wait3A_1754 = tpu.memref_slice %arg4[%add3A_1736, %dma_wait3A_1752, %dma_wait3A_1753] : memref<16384x32x128xf32, #tpu.memory_space<hbm>> -> memref<1x26x32xf32, #tpu.memory_space<hbm>>
      %dma_wait3A_1755 = tpu.memref_squeeze %dma_wait3A_1754 : memref<1x26x32xf32, #tpu.memory_space<hbm>> -> memref<26x32xf32, #tpu.memory_space<hbm>>
      %dma_wait3A_1756 = arith.constant 0 : i32
      %dma_wait3A_1757 = arith.constant 0 : i32
      %dma_wait3A_1758 = tpu.memref_slice %arg6[%dma_wait3A_1737, %dma_wait3A_1756, %dma_wait3A_1757] : memref<8x104x32xf32, #tpu.memory_space<vmem>> -> memref<1x104x32xf32, #tpu.memory_space<vmem>>
      %dma_wait3A_1759 = tpu.memref_squeeze %dma_wait3A_1758 : memref<1x104x32xf32, #tpu.memory_space<vmem>> -> memref<104x32xf32, #tpu.memory_space<vmem>>
      %dma_wait3A_1760 = arith.constant 78 : i32
      %dma_wait3A_1761 = arith.constant 0 : i32
      %dma_wait3A_1762 = tpu.memref_slice %dma_wait3A_1759[%dma_wait3A_1760, %dma_wait3A_1761] : memref<104x32xf32, #tpu.memory_space<vmem>> -> memref<26x32xf32, #tpu.memory_space<vmem>>
      tpu.wait_dma2 semaphore(%dma_wait3A_1751 : memref<!tpu.dma_semaphore, #tpu.memory_space<semaphore_mem>>) src(%dma_wait3A_1762 : memref<26x32xf32, #tpu.memory_space<vmem>>) dst(%dma_wait3A_1755 : memref<26x32xf32, #tpu.memory_space<hbm>>)
      %add3A_1763 = arith.constant 4 : i32
      %add3A_1764 = arith.addi %mul3A_12, %add3A_1763 : i32
      %mul3A_1765 = arith.constant 4 : i32
      %mul3A_1766 = arith.muli %add3A_1764, %mul3A_1765 : i32
      %add3A_1767 = arith.addi %mul3A_4, %mul3A_1766 : i32
      %add3A_1768 = arith.constant 0 : i32
      %add3A_1769 = arith.addi %add3A_1767, %add3A_1768 : i32
      %dma_wait3A_1770 = arith.constant 4 : i32
      %dma_wait3A_1771 = arith.constant 4 : i32
      %dma_wait3A_1772 = arith.constant 0 : i32
      %dma_wait3A_1773 = arith.constant 0 : i32
      %dma_wait3A_1774 = tpu.memref_slice %arg6[%dma_wait3A_1770, %dma_wait3A_1772, %dma_wait3A_1773] : memref<8x104x32xf32, #tpu.memory_space<vmem>> -> memref<1x104x32xf32, #tpu.memory_space<vmem>>
      %dma_wait3A_1775 = tpu.memref_squeeze %dma_wait3A_1774 : memref<1x104x32xf32, #tpu.memory_space<vmem>> -> memref<104x32xf32, #tpu.memory_space<vmem>>
      %dma_wait3A_1776 = arith.constant 0 : i32
      %dma_wait3A_1777 = arith.constant 0 : i32
      %dma_wait3A_1778 = tpu.memref_slice %dma_wait3A_1775[%dma_wait3A_1776, %dma_wait3A_1777] : memref<104x32xf32, #tpu.memory_space<vmem>> -> memref<26x32xf32, #tpu.memory_space<vmem>>
      %dma_wait3A_1779 = arith.constant 0 : i32
      %dma_wait3A_1780 = arith.constant 0 : i32
      %dma_wait3A_1781 = tpu.memref_slice %arg4[%add3A_1769, %dma_wait3A_1779, %dma_wait3A_1780] : memref<16384x32x128xf32, #tpu.memory_space<hbm>> -> memref<1x26x32xf32, #tpu.memory_space<hbm>>
      %dma_wait3A_1782 = tpu.memref_squeeze %dma_wait3A_1781 : memref<1x26x32xf32, #tpu.memory_space<hbm>> -> memref<26x32xf32, #tpu.memory_space<hbm>>
      %dma_wait3A_1783 = tpu.memref_slice %arg8[%dma_wait3A_1771] : memref<8x!tpu.dma_semaphore, #tpu.memory_space<semaphore_mem>> -> memref<1x!tpu.dma_semaphore, #tpu.memory_space<semaphore_mem>>
      %dma_wait3A_1784 = tpu.memref_squeeze %dma_wait3A_1783 : memref<1x!tpu.dma_semaphore, #tpu.memory_space<semaphore_mem>> -> memref<!tpu.dma_semaphore, #tpu.memory_space<semaphore_mem>>
      %dma_wait3A_1785 = arith.constant 0 : i32
      %dma_wait3A_1786 = arith.constant 0 : i32
      %dma_wait3A_1787 = tpu.memref_slice %arg4[%add3A_1769, %dma_wait3A_1785, %dma_wait3A_1786] : memref<16384x32x128xf32, #tpu.memory_space<hbm>> -> memref<1x26x32xf32, #tpu.memory_space<hbm>>
      %dma_wait3A_1788 = tpu.memref_squeeze %dma_wait3A_1787 : memref<1x26x32xf32, #tpu.memory_space<hbm>> -> memref<26x32xf32, #tpu.memory_space<hbm>>
      %dma_wait3A_1789 = arith.constant 0 : i32
      %dma_wait3A_1790 = arith.constant 0 : i32
      %dma_wait3A_1791 = tpu.memref_slice %arg6[%dma_wait3A_1770, %dma_wait3A_1789, %dma_wait3A_1790] : memref<8x104x32xf32, #tpu.memory_space<vmem>> -> memref<1x104x32xf32, #tpu.memory_space<vmem>>
      %dma_wait3A_1792 = tpu.memref_squeeze %dma_wait3A_1791 : memref<1x104x32xf32, #tpu.memory_space<vmem>> -> memref<104x32xf32, #tpu.memory_space<vmem>>
      %dma_wait3A_1793 = arith.constant 0 : i32
      %dma_wait3A_1794 = arith.constant 0 : i32
      %dma_wait3A_1795 = tpu.memref_slice %dma_wait3A_1792[%dma_wait3A_1793, %dma_wait3A_1794] : memref<104x32xf32, #tpu.memory_space<vmem>> -> memref<26x32xf32, #tpu.memory_space<vmem>>
      tpu.wait_dma2 semaphore(%dma_wait3A_1784 : memref<!tpu.dma_semaphore, #tpu.memory_space<semaphore_mem>>) src(%dma_wait3A_1795 : memref<26x32xf32, #tpu.memory_space<vmem>>) dst(%dma_wait3A_1788 : memref<26x32xf32, #tpu.memory_space<hbm>>)
      %mul3A_1796 = arith.constant 4 : i32
      %mul3A_1797 = arith.muli %add3A_1764, %mul3A_1796 : i32
      %add3A_1798 = arith.addi %mul3A_4, %mul3A_1797 : i32
      %add3A_1799 = arith.constant 1 : i32
      %add3A_1800 = arith.addi %add3A_1798, %add3A_1799 : i32
      %dma_wait3A_1801 = arith.constant 4 : i32
      %dma_wait3A_1802 = arith.constant 4 : i32
      %dma_wait3A_1803 = arith.constant 0 : i32
      %dma_wait3A_1804 = arith.constant 0 : i32
      %dma_wait3A_1805 = tpu.memref_slice %arg6[%dma_wait3A_1801, %dma_wait3A_1803, %dma_wait3A_1804] : memref<8x104x32xf32, #tpu.memory_space<vmem>> -> memref<1x104x32xf32, #tpu.memory_space<vmem>>
      %dma_wait3A_1806 = tpu.memref_squeeze %dma_wait3A_1805 : memref<1x104x32xf32, #tpu.memory_space<vmem>> -> memref<104x32xf32, #tpu.memory_space<vmem>>
      %dma_wait3A_1807 = arith.constant 26 : i32
      %dma_wait3A_1808 = arith.constant 0 : i32
      %dma_wait3A_1809 = tpu.memref_slice %dma_wait3A_1806[%dma_wait3A_1807, %dma_wait3A_1808] : memref<104x32xf32, #tpu.memory_space<vmem>> -> memref<26x32xf32, #tpu.memory_space<vmem>>
      %dma_wait3A_1810 = arith.constant 0 : i32
      %dma_wait3A_1811 = arith.constant 0 : i32
      %dma_wait3A_1812 = tpu.memref_slice %arg4[%add3A_1800, %dma_wait3A_1810, %dma_wait3A_1811] : memref<16384x32x128xf32, #tpu.memory_space<hbm>> -> memref<1x26x32xf32, #tpu.memory_space<hbm>>
      %dma_wait3A_1813 = tpu.memref_squeeze %dma_wait3A_1812 : memref<1x26x32xf32, #tpu.memory_space<hbm>> -> memref<26x32xf32, #tpu.memory_space<hbm>>
      %dma_wait3A_1814 = tpu.memref_slice %arg8[%dma_wait3A_1802] : memref<8x!tpu.dma_semaphore, #tpu.memory_space<semaphore_mem>> -> memref<1x!tpu.dma_semaphore, #tpu.memory_space<semaphore_mem>>
      %dma_wait3A_1815 = tpu.memref_squeeze %dma_wait3A_1814 : memref<1x!tpu.dma_semaphore, #tpu.memory_space<semaphore_mem>> -> memref<!tpu.dma_semaphore, #tpu.memory_space<semaphore_mem>>
      %dma_wait3A_1816 = arith.constant 0 : i32
      %dma_wait3A_1817 = arith.constant 0 : i32
      %dma_wait3A_1818 = tpu.memref_slice %arg4[%add3A_1800, %dma_wait3A_1816, %dma_wait3A_1817] : memref<16384x32x128xf32, #tpu.memory_space<hbm>> -> memref<1x26x32xf32, #tpu.memory_space<hbm>>
      %dma_wait3A_1819 = tpu.memref_squeeze %dma_wait3A_1818 : memref<1x26x32xf32, #tpu.memory_space<hbm>> -> memref<26x32xf32, #tpu.memory_space<hbm>>
      %dma_wait3A_1820 = arith.constant 0 : i32
      %dma_wait3A_1821 = arith.constant 0 : i32
      %dma_wait3A_1822 = tpu.memref_slice %arg6[%dma_wait3A_1801, %dma_wait3A_1820, %dma_wait3A_1821] : memref<8x104x32xf32, #tpu.memory_space<vmem>> -> memref<1x104x32xf32, #tpu.memory_space<vmem>>
      %dma_wait3A_1823 = tpu.memref_squeeze %dma_wait3A_1822 : memref<1x104x32xf32, #tpu.memory_space<vmem>> -> memref<104x32xf32, #tpu.memory_space<vmem>>
      %dma_wait3A_1824 = arith.constant 26 : i32
      %dma_wait3A_1825 = arith.constant 0 : i32
      %dma_wait3A_1826 = tpu.memref_slice %dma_wait3A_1823[%dma_wait3A_1824, %dma_wait3A_1825] : memref<104x32xf32, #tpu.memory_space<vmem>> -> memref<26x32xf32, #tpu.memory_space<vmem>>
      tpu.wait_dma2 semaphore(%dma_wait3A_1815 : memref<!tpu.dma_semaphore, #tpu.memory_space<semaphore_mem>>) src(%dma_wait3A_1826 : memref<26x32xf32, #tpu.memory_space<vmem>>) dst(%dma_wait3A_1819 : memref<26x32xf32, #tpu.memory_space<hbm>>)
      %mul3A_1827 = arith.constant 4 : i32
      %mul3A_1828 = arith.muli %add3A_1764, %mul3A_1827 : i32
      %add3A_1829 = arith.addi %mul3A_4, %mul3A_1828 : i32
      %add3A_1830 = arith.constant 2 : i32
      %add3A_1831 = arith.addi %add3A_1829, %add3A_1830 : i32
      %dma_wait3A_1832 = arith.constant 4 : i32
      %dma_wait3A_1833 = arith.constant 4 : i32
      %dma_wait3A_1834 = arith.constant 0 : i32
      %dma_wait3A_1835 = arith.constant 0 : i32
      %dma_wait3A_1836 = tpu.memref_slice %arg6[%dma_wait3A_1832, %dma_wait3A_1834, %dma_wait3A_1835] : memref<8x104x32xf32, #tpu.memory_space<vmem>> -> memref<1x104x32xf32, #tpu.memory_space<vmem>>
      %dma_wait3A_1837 = tpu.memref_squeeze %dma_wait3A_1836 : memref<1x104x32xf32, #tpu.memory_space<vmem>> -> memref<104x32xf32, #tpu.memory_space<vmem>>
      %dma_wait3A_1838 = arith.constant 52 : i32
      %dma_wait3A_1839 = arith.constant 0 : i32
      %dma_wait3A_1840 = tpu.memref_slice %dma_wait3A_1837[%dma_wait3A_1838, %dma_wait3A_1839] : memref<104x32xf32, #tpu.memory_space<vmem>> -> memref<26x32xf32, #tpu.memory_space<vmem>>
      %dma_wait3A_1841 = arith.constant 0 : i32
      %dma_wait3A_1842 = arith.constant 0 : i32
      %dma_wait3A_1843 = tpu.memref_slice %arg4[%add3A_1831, %dma_wait3A_1841, %dma_wait3A_1842] : memref<16384x32x128xf32, #tpu.memory_space<hbm>> -> memref<1x26x32xf32, #tpu.memory_space<hbm>>
      %dma_wait3A_1844 = tpu.memref_squeeze %dma_wait3A_1843 : memref<1x26x32xf32, #tpu.memory_space<hbm>> -> memref<26x32xf32, #tpu.memory_space<hbm>>
      %dma_wait3A_1845 = tpu.memref_slice %arg8[%dma_wait3A_1833] : memref<8x!tpu.dma_semaphore, #tpu.memory_space<semaphore_mem>> -> memref<1x!tpu.dma_semaphore, #tpu.memory_space<semaphore_mem>>
      %dma_wait3A_1846 = tpu.memref_squeeze %dma_wait3A_1845 : memref<1x!tpu.dma_semaphore, #tpu.memory_space<semaphore_mem>> -> memref<!tpu.dma_semaphore, #tpu.memory_space<semaphore_mem>>
      %dma_wait3A_1847 = arith.constant 0 : i32
      %dma_wait3A_1848 = arith.constant 0 : i32
      %dma_wait3A_1849 = tpu.memref_slice %arg4[%add3A_1831, %dma_wait3A_1847, %dma_wait3A_1848] : memref<16384x32x128xf32, #tpu.memory_space<hbm>> -> memref<1x26x32xf32, #tpu.memory_space<hbm>>
      %dma_wait3A_1850 = tpu.memref_squeeze %dma_wait3A_1849 : memref<1x26x32xf32, #tpu.memory_space<hbm>> -> memref<26x32xf32, #tpu.memory_space<hbm>>
      %dma_wait3A_1851 = arith.constant 0 : i32
      %dma_wait3A_1852 = arith.constant 0 : i32
      %dma_wait3A_1853 = tpu.memref_slice %arg6[%dma_wait3A_1832, %dma_wait3A_1851, %dma_wait3A_1852] : memref<8x104x32xf32, #tpu.memory_space<vmem>> -> memref<1x104x32xf32, #tpu.memory_space<vmem>>
      %dma_wait3A_1854 = tpu.memref_squeeze %dma_wait3A_1853 : memref<1x104x32xf32, #tpu.memory_space<vmem>> -> memref<104x32xf32, #tpu.memory_space<vmem>>
      %dma_wait3A_1855 = arith.constant 52 : i32
      %dma_wait3A_1856 = arith.constant 0 : i32
      %dma_wait3A_1857 = tpu.memref_slice %dma_wait3A_1854[%dma_wait3A_1855, %dma_wait3A_1856] : memref<104x32xf32, #tpu.memory_space<vmem>> -> memref<26x32xf32, #tpu.memory_space<vmem>>
      tpu.wait_dma2 semaphore(%dma_wait3A_1846 : memref<!tpu.dma_semaphore, #tpu.memory_space<semaphore_mem>>) src(%dma_wait3A_1857 : memref<26x32xf32, #tpu.memory_space<vmem>>) dst(%dma_wait3A_1850 : memref<26x32xf32, #tpu.memory_space<hbm>>)
      %mul3A_1858 = arith.constant 4 : i32
      %mul3A_1859 = arith.muli %add3A_1764, %mul3A_1858 : i32
      %add3A_1860 = arith.addi %mul3A_4, %mul3A_1859 : i32
      %add3A_1861 = arith.constant 3 : i32
      %add3A_1862 = arith.addi %add3A_1860, %add3A_1861 : i32
      %dma_wait3A_1863 = arith.constant 4 : i32
      %dma_wait3A_1864 = arith.constant 4 : i32
      %dma_wait3A_1865 = arith.constant 0 : i32
      %dma_wait3A_1866 = arith.constant 0 : i32
      %dma_wait3A_1867 = tpu.memref_slice %arg6[%dma_wait3A_1863, %dma_wait3A_1865, %dma_wait3A_1866] : memref<8x104x32xf32, #tpu.memory_space<vmem>> -> memref<1x104x32xf32, #tpu.memory_space<vmem>>
      %dma_wait3A_1868 = tpu.memref_squeeze %dma_wait3A_1867 : memref<1x104x32xf32, #tpu.memory_space<vmem>> -> memref<104x32xf32, #tpu.memory_space<vmem>>
      %dma_wait3A_1869 = arith.constant 78 : i32
      %dma_wait3A_1870 = arith.constant 0 : i32
      %dma_wait3A_1871 = tpu.memref_slice %dma_wait3A_1868[%dma_wait3A_1869, %dma_wait3A_1870] : memref<104x32xf32, #tpu.memory_space<vmem>> -> memref<26x32xf32, #tpu.memory_space<vmem>>
      %dma_wait3A_1872 = arith.constant 0 : i32
      %dma_wait3A_1873 = arith.constant 0 : i32
      %dma_wait3A_1874 = tpu.memref_slice %arg4[%add3A_1862, %dma_wait3A_1872, %dma_wait3A_1873] : memref<16384x32x128xf32, #tpu.memory_space<hbm>> -> memref<1x26x32xf32, #tpu.memory_space<hbm>>
      %dma_wait3A_1875 = tpu.memref_squeeze %dma_wait3A_1874 : memref<1x26x32xf32, #tpu.memory_space<hbm>> -> memref<26x32xf32, #tpu.memory_space<hbm>>
      %dma_wait3A_1876 = tpu.memref_slice %arg8[%dma_wait3A_1864] : memref<8x!tpu.dma_semaphore, #tpu.memory_space<semaphore_mem>> -> memref<1x!tpu.dma_semaphore, #tpu.memory_space<semaphore_mem>>
      %dma_wait3A_1877 = tpu.memref_squeeze %dma_wait3A_1876 : memref<1x!tpu.dma_semaphore, #tpu.memory_space<semaphore_mem>> -> memref<!tpu.dma_semaphore, #tpu.memory_space<semaphore_mem>>
      %dma_wait3A_1878 = arith.constant 0 : i32
      %dma_wait3A_1879 = arith.constant 0 : i32
      %dma_wait3A_1880 = tpu.memref_slice %arg4[%add3A_1862, %dma_wait3A_1878, %dma_wait3A_1879] : memref<16384x32x128xf32, #tpu.memory_space<hbm>> -> memref<1x26x32xf32, #tpu.memory_space<hbm>>
      %dma_wait3A_1881 = tpu.memref_squeeze %dma_wait3A_1880 : memref<1x26x32xf32, #tpu.memory_space<hbm>> -> memref<26x32xf32, #tpu.memory_space<hbm>>
      %dma_wait3A_1882 = arith.constant 0 : i32
      %dma_wait3A_1883 = arith.constant 0 : i32
      %dma_wait3A_1884 = tpu.memref_slice %arg6[%dma_wait3A_1863, %dma_wait3A_1882, %dma_wait3A_1883] : memref<8x104x32xf32, #tpu.memory_space<vmem>> -> memref<1x104x32xf32, #tpu.memory_space<vmem>>
      %dma_wait3A_1885 = tpu.memref_squeeze %dma_wait3A_1884 : memref<1x104x32xf32, #tpu.memory_space<vmem>> -> memref<104x32xf32, #tpu.memory_space<vmem>>
      %dma_wait3A_1886 = arith.constant 78 : i32
      %dma_wait3A_1887 = arith.constant 0 : i32
      %dma_wait3A_1888 = tpu.memref_slice %dma_wait3A_1885[%dma_wait3A_1886, %dma_wait3A_1887] : memref<104x32xf32, #tpu.memory_space<vmem>> -> memref<26x32xf32, #tpu.memory_space<vmem>>
      tpu.wait_dma2 semaphore(%dma_wait3A_1877 : memref<!tpu.dma_semaphore, #tpu.memory_space<semaphore_mem>>) src(%dma_wait3A_1888 : memref<26x32xf32, #tpu.memory_space<vmem>>) dst(%dma_wait3A_1881 : memref<26x32xf32, #tpu.memory_space<hbm>>)
      %add3A_1889 = arith.constant 5 : i32
      %add3A_1890 = arith.addi %mul3A_12, %add3A_1889 : i32
      %mul3A_1891 = arith.constant 4 : i32
      %mul3A_1892 = arith.muli %add3A_1890, %mul3A_1891 : i32
      %add3A_1893 = arith.addi %mul3A_4, %mul3A_1892 : i32
      %add3A_1894 = arith.constant 0 : i32
      %add3A_1895 = arith.addi %add3A_1893, %add3A_1894 : i32
      %dma_wait3A_1896 = arith.constant 5 : i32
      %dma_wait3A_1897 = arith.constant 5 : i32
      %dma_wait3A_1898 = arith.constant 0 : i32
      %dma_wait3A_1899 = arith.constant 0 : i32
      %dma_wait3A_1900 = tpu.memref_slice %arg6[%dma_wait3A_1896, %dma_wait3A_1898, %dma_wait3A_1899] : memref<8x104x32xf32, #tpu.memory_space<vmem>> -> memref<1x104x32xf32, #tpu.memory_space<vmem>>
      %dma_wait3A_1901 = tpu.memref_squeeze %dma_wait3A_1900 : memref<1x104x32xf32, #tpu.memory_space<vmem>> -> memref<104x32xf32, #tpu.memory_space<vmem>>
      %dma_wait3A_1902 = arith.constant 0 : i32
      %dma_wait3A_1903 = arith.constant 0 : i32
      %dma_wait3A_1904 = tpu.memref_slice %dma_wait3A_1901[%dma_wait3A_1902, %dma_wait3A_1903] : memref<104x32xf32, #tpu.memory_space<vmem>> -> memref<26x32xf32, #tpu.memory_space<vmem>>
      %dma_wait3A_1905 = arith.constant 0 : i32
      %dma_wait3A_1906 = arith.constant 0 : i32
      %dma_wait3A_1907 = tpu.memref_slice %arg4[%add3A_1895, %dma_wait3A_1905, %dma_wait3A_1906] : memref<16384x32x128xf32, #tpu.memory_space<hbm>> -> memref<1x26x32xf32, #tpu.memory_space<hbm>>
      %dma_wait3A_1908 = tpu.memref_squeeze %dma_wait3A_1907 : memref<1x26x32xf32, #tpu.memory_space<hbm>> -> memref<26x32xf32, #tpu.memory_space<hbm>>
      %dma_wait3A_1909 = tpu.memref_slice %arg8[%dma_wait3A_1897] : memref<8x!tpu.dma_semaphore, #tpu.memory_space<semaphore_mem>> -> memref<1x!tpu.dma_semaphore, #tpu.memory_space<semaphore_mem>>
      %dma_wait3A_1910 = tpu.memref_squeeze %dma_wait3A_1909 : memref<1x!tpu.dma_semaphore, #tpu.memory_space<semaphore_mem>> -> memref<!tpu.dma_semaphore, #tpu.memory_space<semaphore_mem>>
      %dma_wait3A_1911 = arith.constant 0 : i32
      %dma_wait3A_1912 = arith.constant 0 : i32
      %dma_wait3A_1913 = tpu.memref_slice %arg4[%add3A_1895, %dma_wait3A_1911, %dma_wait3A_1912] : memref<16384x32x128xf32, #tpu.memory_space<hbm>> -> memref<1x26x32xf32, #tpu.memory_space<hbm>>
      %dma_wait3A_1914 = tpu.memref_squeeze %dma_wait3A_1913 : memref<1x26x32xf32, #tpu.memory_space<hbm>> -> memref<26x32xf32, #tpu.memory_space<hbm>>
      %dma_wait3A_1915 = arith.constant 0 : i32
      %dma_wait3A_1916 = arith.constant 0 : i32
      %dma_wait3A_1917 = tpu.memref_slice %arg6[%dma_wait3A_1896, %dma_wait3A_1915, %dma_wait3A_1916] : memref<8x104x32xf32, #tpu.memory_space<vmem>> -> memref<1x104x32xf32, #tpu.memory_space<vmem>>
      %dma_wait3A_1918 = tpu.memref_squeeze %dma_wait3A_1917 : memref<1x104x32xf32, #tpu.memory_space<vmem>> -> memref<104x32xf32, #tpu.memory_space<vmem>>
      %dma_wait3A_1919 = arith.constant 0 : i32
      %dma_wait3A_1920 = arith.constant 0 : i32
      %dma_wait3A_1921 = tpu.memref_slice %dma_wait3A_1918[%dma_wait3A_1919, %dma_wait3A_1920] : memref<104x32xf32, #tpu.memory_space<vmem>> -> memref<26x32xf32, #tpu.memory_space<vmem>>
      tpu.wait_dma2 semaphore(%dma_wait3A_1910 : memref<!tpu.dma_semaphore, #tpu.memory_space<semaphore_mem>>) src(%dma_wait3A_1921 : memref<26x32xf32, #tpu.memory_space<vmem>>) dst(%dma_wait3A_1914 : memref<26x32xf32, #tpu.memory_space<hbm>>)
      %mul3A_1922 = arith.constant 4 : i32
      %mul3A_1923 = arith.muli %add3A_1890, %mul3A_1922 : i32
      %add3A_1924 = arith.addi %mul3A_4, %mul3A_1923 : i32
      %add3A_1925 = arith.constant 1 : i32
      %add3A_1926 = arith.addi %add3A_1924, %add3A_1925 : i32
      %dma_wait3A_1927 = arith.constant 5 : i32
      %dma_wait3A_1928 = arith.constant 5 : i32
      %dma_wait3A_1929 = arith.constant 0 : i32
      %dma_wait3A_1930 = arith.constant 0 : i32
      %dma_wait3A_1931 = tpu.memref_slice %arg6[%dma_wait3A_1927, %dma_wait3A_1929, %dma_wait3A_1930] : memref<8x104x32xf32, #tpu.memory_space<vmem>> -> memref<1x104x32xf32, #tpu.memory_space<vmem>>
      %dma_wait3A_1932 = tpu.memref_squeeze %dma_wait3A_1931 : memref<1x104x32xf32, #tpu.memory_space<vmem>> -> memref<104x32xf32, #tpu.memory_space<vmem>>
      %dma_wait3A_1933 = arith.constant 26 : i32
      %dma_wait3A_1934 = arith.constant 0 : i32
      %dma_wait3A_1935 = tpu.memref_slice %dma_wait3A_1932[%dma_wait3A_1933, %dma_wait3A_1934] : memref<104x32xf32, #tpu.memory_space<vmem>> -> memref<26x32xf32, #tpu.memory_space<vmem>>
      %dma_wait3A_1936 = arith.constant 0 : i32
      %dma_wait3A_1937 = arith.constant 0 : i32
      %dma_wait3A_1938 = tpu.memref_slice %arg4[%add3A_1926, %dma_wait3A_1936, %dma_wait3A_1937] : memref<16384x32x128xf32, #tpu.memory_space<hbm>> -> memref<1x26x32xf32, #tpu.memory_space<hbm>>
      %dma_wait3A_1939 = tpu.memref_squeeze %dma_wait3A_1938 : memref<1x26x32xf32, #tpu.memory_space<hbm>> -> memref<26x32xf32, #tpu.memory_space<hbm>>
      %dma_wait3A_1940 = tpu.memref_slice %arg8[%dma_wait3A_1928] : memref<8x!tpu.dma_semaphore, #tpu.memory_space<semaphore_mem>> -> memref<1x!tpu.dma_semaphore, #tpu.memory_space<semaphore_mem>>
      %dma_wait3A_1941 = tpu.memref_squeeze %dma_wait3A_1940 : memref<1x!tpu.dma_semaphore, #tpu.memory_space<semaphore_mem>> -> memref<!tpu.dma_semaphore, #tpu.memory_space<semaphore_mem>>
      %dma_wait3A_1942 = arith.constant 0 : i32
      %dma_wait3A_1943 = arith.constant 0 : i32
      %dma_wait3A_1944 = tpu.memref_slice %arg4[%add3A_1926, %dma_wait3A_1942, %dma_wait3A_1943] : memref<16384x32x128xf32, #tpu.memory_space<hbm>> -> memref<1x26x32xf32, #tpu.memory_space<hbm>>
      %dma_wait3A_1945 = tpu.memref_squeeze %dma_wait3A_1944 : memref<1x26x32xf32, #tpu.memory_space<hbm>> -> memref<26x32xf32, #tpu.memory_space<hbm>>
      %dma_wait3A_1946 = arith.constant 0 : i32
      %dma_wait3A_1947 = arith.constant 0 : i32
      %dma_wait3A_1948 = tpu.memref_slice %arg6[%dma_wait3A_1927, %dma_wait3A_1946, %dma_wait3A_1947] : memref<8x104x32xf32, #tpu.memory_space<vmem>> -> memref<1x104x32xf32, #tpu.memory_space<vmem>>
      %dma_wait3A_1949 = tpu.memref_squeeze %dma_wait3A_1948 : memref<1x104x32xf32, #tpu.memory_space<vmem>> -> memref<104x32xf32, #tpu.memory_space<vmem>>
      %dma_wait3A_1950 = arith.constant 26 : i32
      %dma_wait3A_1951 = arith.constant 0 : i32
      %dma_wait3A_1952 = tpu.memref_slice %dma_wait3A_1949[%dma_wait3A_1950, %dma_wait3A_1951] : memref<104x32xf32, #tpu.memory_space<vmem>> -> memref<26x32xf32, #tpu.memory_space<vmem>>
      tpu.wait_dma2 semaphore(%dma_wait3A_1941 : memref<!tpu.dma_semaphore, #tpu.memory_space<semaphore_mem>>) src(%dma_wait3A_1952 : memref<26x32xf32, #tpu.memory_space<vmem>>) dst(%dma_wait3A_1945 : memref<26x32xf32, #tpu.memory_space<hbm>>)
      %mul3A_1953 = arith.constant 4 : i32
      %mul3A_1954 = arith.muli %add3A_1890, %mul3A_1953 : i32
      %add3A_1955 = arith.addi %mul3A_4, %mul3A_1954 : i32
      %add3A_1956 = arith.constant 2 : i32
      %add3A_1957 = arith.addi %add3A_1955, %add3A_1956 : i32
      %dma_wait3A_1958 = arith.constant 5 : i32
      %dma_wait3A_1959 = arith.constant 5 : i32
      %dma_wait3A_1960 = arith.constant 0 : i32
      %dma_wait3A_1961 = arith.constant 0 : i32
      %dma_wait3A_1962 = tpu.memref_slice %arg6[%dma_wait3A_1958, %dma_wait3A_1960, %dma_wait3A_1961] : memref<8x104x32xf32, #tpu.memory_space<vmem>> -> memref<1x104x32xf32, #tpu.memory_space<vmem>>
      %dma_wait3A_1963 = tpu.memref_squeeze %dma_wait3A_1962 : memref<1x104x32xf32, #tpu.memory_space<vmem>> -> memref<104x32xf32, #tpu.memory_space<vmem>>
      %dma_wait3A_1964 = arith.constant 52 : i32
      %dma_wait3A_1965 = arith.constant 0 : i32
      %dma_wait3A_1966 = tpu.memref_slice %dma_wait3A_1963[%dma_wait3A_1964, %dma_wait3A_1965] : memref<104x32xf32, #tpu.memory_space<vmem>> -> memref<26x32xf32, #tpu.memory_space<vmem>>
      %dma_wait3A_1967 = arith.constant 0 : i32
      %dma_wait3A_1968 = arith.constant 0 : i32
      %dma_wait3A_1969 = tpu.memref_slice %arg4[%add3A_1957, %dma_wait3A_1967, %dma_wait3A_1968] : memref<16384x32x128xf32, #tpu.memory_space<hbm>> -> memref<1x26x32xf32, #tpu.memory_space<hbm>>
      %dma_wait3A_1970 = tpu.memref_squeeze %dma_wait3A_1969 : memref<1x26x32xf32, #tpu.memory_space<hbm>> -> memref<26x32xf32, #tpu.memory_space<hbm>>
      %dma_wait3A_1971 = tpu.memref_slice %arg8[%dma_wait3A_1959] : memref<8x!tpu.dma_semaphore, #tpu.memory_space<semaphore_mem>> -> memref<1x!tpu.dma_semaphore, #tpu.memory_space<semaphore_mem>>
      %dma_wait3A_1972 = tpu.memref_squeeze %dma_wait3A_1971 : memref<1x!tpu.dma_semaphore, #tpu.memory_space<semaphore_mem>> -> memref<!tpu.dma_semaphore, #tpu.memory_space<semaphore_mem>>
      %dma_wait3A_1973 = arith.constant 0 : i32
      %dma_wait3A_1974 = arith.constant 0 : i32
      %dma_wait3A_1975 = tpu.memref_slice %arg4[%add3A_1957, %dma_wait3A_1973, %dma_wait3A_1974] : memref<16384x32x128xf32, #tpu.memory_space<hbm>> -> memref<1x26x32xf32, #tpu.memory_space<hbm>>
      %dma_wait3A_1976 = tpu.memref_squeeze %dma_wait3A_1975 : memref<1x26x32xf32, #tpu.memory_space<hbm>> -> memref<26x32xf32, #tpu.memory_space<hbm>>
      %dma_wait3A_1977 = arith.constant 0 : i32
      %dma_wait3A_1978 = arith.constant 0 : i32
      %dma_wait3A_1979 = tpu.memref_slice %arg6[%dma_wait3A_1958, %dma_wait3A_1977, %dma_wait3A_1978] : memref<8x104x32xf32, #tpu.memory_space<vmem>> -> memref<1x104x32xf32, #tpu.memory_space<vmem>>
      %dma_wait3A_1980 = tpu.memref_squeeze %dma_wait3A_1979 : memref<1x104x32xf32, #tpu.memory_space<vmem>> -> memref<104x32xf32, #tpu.memory_space<vmem>>
      %dma_wait3A_1981 = arith.constant 52 : i32
      %dma_wait3A_1982 = arith.constant 0 : i32
      %dma_wait3A_1983 = tpu.memref_slice %dma_wait3A_1980[%dma_wait3A_1981, %dma_wait3A_1982] : memref<104x32xf32, #tpu.memory_space<vmem>> -> memref<26x32xf32, #tpu.memory_space<vmem>>
      tpu.wait_dma2 semaphore(%dma_wait3A_1972 : memref<!tpu.dma_semaphore, #tpu.memory_space<semaphore_mem>>) src(%dma_wait3A_1983 : memref<26x32xf32, #tpu.memory_space<vmem>>) dst(%dma_wait3A_1976 : memref<26x32xf32, #tpu.memory_space<hbm>>)
      %mul3A_1984 = arith.constant 4 : i32
      %mul3A_1985 = arith.muli %add3A_1890, %mul3A_1984 : i32
      %add3A_1986 = arith.addi %mul3A_4, %mul3A_1985 : i32
      %add3A_1987 = arith.constant 3 : i32
      %add3A_1988 = arith.addi %add3A_1986, %add3A_1987 : i32
      %dma_wait3A_1989 = arith.constant 5 : i32
      %dma_wait3A_1990 = arith.constant 5 : i32
      %dma_wait3A_1991 = arith.constant 0 : i32
      %dma_wait3A_1992 = arith.constant 0 : i32
      %dma_wait3A_1993 = tpu.memref_slice %arg6[%dma_wait3A_1989, %dma_wait3A_1991, %dma_wait3A_1992] : memref<8x104x32xf32, #tpu.memory_space<vmem>> -> memref<1x104x32xf32, #tpu.memory_space<vmem>>
      %dma_wait3A_1994 = tpu.memref_squeeze %dma_wait3A_1993 : memref<1x104x32xf32, #tpu.memory_space<vmem>> -> memref<104x32xf32, #tpu.memory_space<vmem>>
      %dma_wait3A_1995 = arith.constant 78 : i32
      %dma_wait3A_1996 = arith.constant 0 : i32
      %dma_wait3A_1997 = tpu.memref_slice %dma_wait3A_1994[%dma_wait3A_1995, %dma_wait3A_1996] : memref<104x32xf32, #tpu.memory_space<vmem>> -> memref<26x32xf32, #tpu.memory_space<vmem>>
      %dma_wait3A_1998 = arith.constant 0 : i32
      %dma_wait3A_1999 = arith.constant 0 : i32
      %dma_wait3A_2000 = tpu.memref_slice %arg4[%add3A_1988, %dma_wait3A_1998, %dma_wait3A_1999] : memref<16384x32x128xf32, #tpu.memory_space<hbm>> -> memref<1x26x32xf32, #tpu.memory_space<hbm>>
      %dma_wait3A_2001 = tpu.memref_squeeze %dma_wait3A_2000 : memref<1x26x32xf32, #tpu.memory_space<hbm>> -> memref<26x32xf32, #tpu.memory_space<hbm>>
      %dma_wait3A_2002 = tpu.memref_slice %arg8[%dma_wait3A_1990] : memref<8x!tpu.dma_semaphore, #tpu.memory_space<semaphore_mem>> -> memref<1x!tpu.dma_semaphore, #tpu.memory_space<semaphore_mem>>
      %dma_wait3A_2003 = tpu.memref_squeeze %dma_wait3A_2002 : memref<1x!tpu.dma_semaphore, #tpu.memory_space<semaphore_mem>> -> memref<!tpu.dma_semaphore, #tpu.memory_space<semaphore_mem>>
      %dma_wait3A_2004 = arith.constant 0 : i32
      %dma_wait3A_2005 = arith.constant 0 : i32
      %dma_wait3A_2006 = tpu.memref_slice %arg4[%add3A_1988, %dma_wait3A_2004, %dma_wait3A_2005] : memref<16384x32x128xf32, #tpu.memory_space<hbm>> -> memref<1x26x32xf32, #tpu.memory_space<hbm>>
      %dma_wait3A_2007 = tpu.memref_squeeze %dma_wait3A_2006 : memref<1x26x32xf32, #tpu.memory_space<hbm>> -> memref<26x32xf32, #tpu.memory_space<hbm>>
      %dma_wait3A_2008 = arith.constant 0 : i32
      %dma_wait3A_2009 = arith.constant 0 : i32
      %dma_wait3A_2010 = tpu.memref_slice %arg6[%dma_wait3A_1989, %dma_wait3A_2008, %dma_wait3A_2009] : memref<8x104x32xf32, #tpu.memory_space<vmem>> -> memref<1x104x32xf32, #tpu.memory_space<vmem>>
      %dma_wait3A_2011 = tpu.memref_squeeze %dma_wait3A_2010 : memref<1x104x32xf32, #tpu.memory_space<vmem>> -> memref<104x32xf32, #tpu.memory_space<vmem>>
      %dma_wait3A_2012 = arith.constant 78 : i32
      %dma_wait3A_2013 = arith.constant 0 : i32
      %dma_wait3A_2014 = tpu.memref_slice %dma_wait3A_2011[%dma_wait3A_2012, %dma_wait3A_2013] : memref<104x32xf32, #tpu.memory_space<vmem>> -> memref<26x32xf32, #tpu.memory_space<vmem>>
      tpu.wait_dma2 semaphore(%dma_wait3A_2003 : memref<!tpu.dma_semaphore, #tpu.memory_space<semaphore_mem>>) src(%dma_wait3A_2014 : memref<26x32xf32, #tpu.memory_space<vmem>>) dst(%dma_wait3A_2007 : memref<26x32xf32, #tpu.memory_space<hbm>>)
      %add3A_2015 = arith.constant 6 : i32
      %add3A_2016 = arith.addi %mul3A_12, %add3A_2015 : i32
      %mul3A_2017 = arith.constant 4 : i32
      %mul3A_2018 = arith.muli %add3A_2016, %mul3A_2017 : i32
      %add3A_2019 = arith.addi %mul3A_4, %mul3A_2018 : i32
      %add3A_2020 = arith.constant 0 : i32
      %add3A_2021 = arith.addi %add3A_2019, %add3A_2020 : i32
      %dma_wait3A_2022 = arith.constant 6 : i32
      %dma_wait3A_2023 = arith.constant 6 : i32
      %dma_wait3A_2024 = arith.constant 0 : i32
      %dma_wait3A_2025 = arith.constant 0 : i32
      %dma_wait3A_2026 = tpu.memref_slice %arg6[%dma_wait3A_2022, %dma_wait3A_2024, %dma_wait3A_2025] : memref<8x104x32xf32, #tpu.memory_space<vmem>> -> memref<1x104x32xf32, #tpu.memory_space<vmem>>
      %dma_wait3A_2027 = tpu.memref_squeeze %dma_wait3A_2026 : memref<1x104x32xf32, #tpu.memory_space<vmem>> -> memref<104x32xf32, #tpu.memory_space<vmem>>
      %dma_wait3A_2028 = arith.constant 0 : i32
      %dma_wait3A_2029 = arith.constant 0 : i32
      %dma_wait3A_2030 = tpu.memref_slice %dma_wait3A_2027[%dma_wait3A_2028, %dma_wait3A_2029] : memref<104x32xf32, #tpu.memory_space<vmem>> -> memref<26x32xf32, #tpu.memory_space<vmem>>
      %dma_wait3A_2031 = arith.constant 0 : i32
      %dma_wait3A_2032 = arith.constant 0 : i32
      %dma_wait3A_2033 = tpu.memref_slice %arg4[%add3A_2021, %dma_wait3A_2031, %dma_wait3A_2032] : memref<16384x32x128xf32, #tpu.memory_space<hbm>> -> memref<1x26x32xf32, #tpu.memory_space<hbm>>
      %dma_wait3A_2034 = tpu.memref_squeeze %dma_wait3A_2033 : memref<1x26x32xf32, #tpu.memory_space<hbm>> -> memref<26x32xf32, #tpu.memory_space<hbm>>
      %dma_wait3A_2035 = tpu.memref_slice %arg8[%dma_wait3A_2023] : memref<8x!tpu.dma_semaphore, #tpu.memory_space<semaphore_mem>> -> memref<1x!tpu.dma_semaphore, #tpu.memory_space<semaphore_mem>>
      %dma_wait3A_2036 = tpu.memref_squeeze %dma_wait3A_2035 : memref<1x!tpu.dma_semaphore, #tpu.memory_space<semaphore_mem>> -> memref<!tpu.dma_semaphore, #tpu.memory_space<semaphore_mem>>
      %dma_wait3A_2037 = arith.constant 0 : i32
      %dma_wait3A_2038 = arith.constant 0 : i32
      %dma_wait3A_2039 = tpu.memref_slice %arg4[%add3A_2021, %dma_wait3A_2037, %dma_wait3A_2038] : memref<16384x32x128xf32, #tpu.memory_space<hbm>> -> memref<1x26x32xf32, #tpu.memory_space<hbm>>
      %dma_wait3A_2040 = tpu.memref_squeeze %dma_wait3A_2039 : memref<1x26x32xf32, #tpu.memory_space<hbm>> -> memref<26x32xf32, #tpu.memory_space<hbm>>
      %dma_wait3A_2041 = arith.constant 0 : i32
      %dma_wait3A_2042 = arith.constant 0 : i32
      %dma_wait3A_2043 = tpu.memref_slice %arg6[%dma_wait3A_2022, %dma_wait3A_2041, %dma_wait3A_2042] : memref<8x104x32xf32, #tpu.memory_space<vmem>> -> memref<1x104x32xf32, #tpu.memory_space<vmem>>
      %dma_wait3A_2044 = tpu.memref_squeeze %dma_wait3A_2043 : memref<1x104x32xf32, #tpu.memory_space<vmem>> -> memref<104x32xf32, #tpu.memory_space<vmem>>
      %dma_wait3A_2045 = arith.constant 0 : i32
      %dma_wait3A_2046 = arith.constant 0 : i32
      %dma_wait3A_2047 = tpu.memref_slice %dma_wait3A_2044[%dma_wait3A_2045, %dma_wait3A_2046] : memref<104x32xf32, #tpu.memory_space<vmem>> -> memref<26x32xf32, #tpu.memory_space<vmem>>
      tpu.wait_dma2 semaphore(%dma_wait3A_2036 : memref<!tpu.dma_semaphore, #tpu.memory_space<semaphore_mem>>) src(%dma_wait3A_2047 : memref<26x32xf32, #tpu.memory_space<vmem>>) dst(%dma_wait3A_2040 : memref<26x32xf32, #tpu.memory_space<hbm>>)
      %mul3A_2048 = arith.constant 4 : i32
      %mul3A_2049 = arith.muli %add3A_2016, %mul3A_2048 : i32
      %add3A_2050 = arith.addi %mul3A_4, %mul3A_2049 : i32
      %add3A_2051 = arith.constant 1 : i32
      %add3A_2052 = arith.addi %add3A_2050, %add3A_2051 : i32
      %dma_wait3A_2053 = arith.constant 6 : i32
      %dma_wait3A_2054 = arith.constant 6 : i32
      %dma_wait3A_2055 = arith.constant 0 : i32
      %dma_wait3A_2056 = arith.constant 0 : i32
      %dma_wait3A_2057 = tpu.memref_slice %arg6[%dma_wait3A_2053, %dma_wait3A_2055, %dma_wait3A_2056] : memref<8x104x32xf32, #tpu.memory_space<vmem>> -> memref<1x104x32xf32, #tpu.memory_space<vmem>>
      %dma_wait3A_2058 = tpu.memref_squeeze %dma_wait3A_2057 : memref<1x104x32xf32, #tpu.memory_space<vmem>> -> memref<104x32xf32, #tpu.memory_space<vmem>>
      %dma_wait3A_2059 = arith.constant 26 : i32
      %dma_wait3A_2060 = arith.constant 0 : i32
      %dma_wait3A_2061 = tpu.memref_slice %dma_wait3A_2058[%dma_wait3A_2059, %dma_wait3A_2060] : memref<104x32xf32, #tpu.memory_space<vmem>> -> memref<26x32xf32, #tpu.memory_space<vmem>>
      %dma_wait3A_2062 = arith.constant 0 : i32
      %dma_wait3A_2063 = arith.constant 0 : i32
      %dma_wait3A_2064 = tpu.memref_slice %arg4[%add3A_2052, %dma_wait3A_2062, %dma_wait3A_2063] : memref<16384x32x128xf32, #tpu.memory_space<hbm>> -> memref<1x26x32xf32, #tpu.memory_space<hbm>>
      %dma_wait3A_2065 = tpu.memref_squeeze %dma_wait3A_2064 : memref<1x26x32xf32, #tpu.memory_space<hbm>> -> memref<26x32xf32, #tpu.memory_space<hbm>>
      %dma_wait3A_2066 = tpu.memref_slice %arg8[%dma_wait3A_2054] : memref<8x!tpu.dma_semaphore, #tpu.memory_space<semaphore_mem>> -> memref<1x!tpu.dma_semaphore, #tpu.memory_space<semaphore_mem>>
      %dma_wait3A_2067 = tpu.memref_squeeze %dma_wait3A_2066 : memref<1x!tpu.dma_semaphore, #tpu.memory_space<semaphore_mem>> -> memref<!tpu.dma_semaphore, #tpu.memory_space<semaphore_mem>>
      %dma_wait3A_2068 = arith.constant 0 : i32
      %dma_wait3A_2069 = arith.constant 0 : i32
      %dma_wait3A_2070 = tpu.memref_slice %arg4[%add3A_2052, %dma_wait3A_2068, %dma_wait3A_2069] : memref<16384x32x128xf32, #tpu.memory_space<hbm>> -> memref<1x26x32xf32, #tpu.memory_space<hbm>>
      %dma_wait3A_2071 = tpu.memref_squeeze %dma_wait3A_2070 : memref<1x26x32xf32, #tpu.memory_space<hbm>> -> memref<26x32xf32, #tpu.memory_space<hbm>>
      %dma_wait3A_2072 = arith.constant 0 : i32
      %dma_wait3A_2073 = arith.constant 0 : i32
      %dma_wait3A_2074 = tpu.memref_slice %arg6[%dma_wait3A_2053, %dma_wait3A_2072, %dma_wait3A_2073] : memref<8x104x32xf32, #tpu.memory_space<vmem>> -> memref<1x104x32xf32, #tpu.memory_space<vmem>>
      %dma_wait3A_2075 = tpu.memref_squeeze %dma_wait3A_2074 : memref<1x104x32xf32, #tpu.memory_space<vmem>> -> memref<104x32xf32, #tpu.memory_space<vmem>>
      %dma_wait3A_2076 = arith.constant 26 : i32
      %dma_wait3A_2077 = arith.constant 0 : i32
      %dma_wait3A_2078 = tpu.memref_slice %dma_wait3A_2075[%dma_wait3A_2076, %dma_wait3A_2077] : memref<104x32xf32, #tpu.memory_space<vmem>> -> memref<26x32xf32, #tpu.memory_space<vmem>>
      tpu.wait_dma2 semaphore(%dma_wait3A_2067 : memref<!tpu.dma_semaphore, #tpu.memory_space<semaphore_mem>>) src(%dma_wait3A_2078 : memref<26x32xf32, #tpu.memory_space<vmem>>) dst(%dma_wait3A_2071 : memref<26x32xf32, #tpu.memory_space<hbm>>)
      %mul3A_2079 = arith.constant 4 : i32
      %mul3A_2080 = arith.muli %add3A_2016, %mul3A_2079 : i32
      %add3A_2081 = arith.addi %mul3A_4, %mul3A_2080 : i32
      %add3A_2082 = arith.constant 2 : i32
      %add3A_2083 = arith.addi %add3A_2081, %add3A_2082 : i32
      %dma_wait3A_2084 = arith.constant 6 : i32
      %dma_wait3A_2085 = arith.constant 6 : i32
      %dma_wait3A_2086 = arith.constant 0 : i32
      %dma_wait3A_2087 = arith.constant 0 : i32
      %dma_wait3A_2088 = tpu.memref_slice %arg6[%dma_wait3A_2084, %dma_wait3A_2086, %dma_wait3A_2087] : memref<8x104x32xf32, #tpu.memory_space<vmem>> -> memref<1x104x32xf32, #tpu.memory_space<vmem>>
      %dma_wait3A_2089 = tpu.memref_squeeze %dma_wait3A_2088 : memref<1x104x32xf32, #tpu.memory_space<vmem>> -> memref<104x32xf32, #tpu.memory_space<vmem>>
      %dma_wait3A_2090 = arith.constant 52 : i32
      %dma_wait3A_2091 = arith.constant 0 : i32
      %dma_wait3A_2092 = tpu.memref_slice %dma_wait3A_2089[%dma_wait3A_2090, %dma_wait3A_2091] : memref<104x32xf32, #tpu.memory_space<vmem>> -> memref<26x32xf32, #tpu.memory_space<vmem>>
      %dma_wait3A_2093 = arith.constant 0 : i32
      %dma_wait3A_2094 = arith.constant 0 : i32
      %dma_wait3A_2095 = tpu.memref_slice %arg4[%add3A_2083, %dma_wait3A_2093, %dma_wait3A_2094] : memref<16384x32x128xf32, #tpu.memory_space<hbm>> -> memref<1x26x32xf32, #tpu.memory_space<hbm>>
      %dma_wait3A_2096 = tpu.memref_squeeze %dma_wait3A_2095 : memref<1x26x32xf32, #tpu.memory_space<hbm>> -> memref<26x32xf32, #tpu.memory_space<hbm>>
      %dma_wait3A_2097 = tpu.memref_slice %arg8[%dma_wait3A_2085] : memref<8x!tpu.dma_semaphore, #tpu.memory_space<semaphore_mem>> -> memref<1x!tpu.dma_semaphore, #tpu.memory_space<semaphore_mem>>
      %dma_wait3A_2098 = tpu.memref_squeeze %dma_wait3A_2097 : memref<1x!tpu.dma_semaphore, #tpu.memory_space<semaphore_mem>> -> memref<!tpu.dma_semaphore, #tpu.memory_space<semaphore_mem>>
      %dma_wait3A_2099 = arith.constant 0 : i32
      %dma_wait3A_2100 = arith.constant 0 : i32
      %dma_wait3A_2101 = tpu.memref_slice %arg4[%add3A_2083, %dma_wait3A_2099, %dma_wait3A_2100] : memref<16384x32x128xf32, #tpu.memory_space<hbm>> -> memref<1x26x32xf32, #tpu.memory_space<hbm>>
      %dma_wait3A_2102 = tpu.memref_squeeze %dma_wait3A_2101 : memref<1x26x32xf32, #tpu.memory_space<hbm>> -> memref<26x32xf32, #tpu.memory_space<hbm>>
      %dma_wait3A_2103 = arith.constant 0 : i32
      %dma_wait3A_2104 = arith.constant 0 : i32
      %dma_wait3A_2105 = tpu.memref_slice %arg6[%dma_wait3A_2084, %dma_wait3A_2103, %dma_wait3A_2104] : memref<8x104x32xf32, #tpu.memory_space<vmem>> -> memref<1x104x32xf32, #tpu.memory_space<vmem>>
      %dma_wait3A_2106 = tpu.memref_squeeze %dma_wait3A_2105 : memref<1x104x32xf32, #tpu.memory_space<vmem>> -> memref<104x32xf32, #tpu.memory_space<vmem>>
      %dma_wait3A_2107 = arith.constant 52 : i32
      %dma_wait3A_2108 = arith.constant 0 : i32
      %dma_wait3A_2109 = tpu.memref_slice %dma_wait3A_2106[%dma_wait3A_2107, %dma_wait3A_2108] : memref<104x32xf32, #tpu.memory_space<vmem>> -> memref<26x32xf32, #tpu.memory_space<vmem>>
      tpu.wait_dma2 semaphore(%dma_wait3A_2098 : memref<!tpu.dma_semaphore, #tpu.memory_space<semaphore_mem>>) src(%dma_wait3A_2109 : memref<26x32xf32, #tpu.memory_space<vmem>>) dst(%dma_wait3A_2102 : memref<26x32xf32, #tpu.memory_space<hbm>>)
      %mul3A_2110 = arith.constant 4 : i32
      %mul3A_2111 = arith.muli %add3A_2016, %mul3A_2110 : i32
      %add3A_2112 = arith.addi %mul3A_4, %mul3A_2111 : i32
      %add3A_2113 = arith.constant 3 : i32
      %add3A_2114 = arith.addi %add3A_2112, %add3A_2113 : i32
      %dma_wait3A_2115 = arith.constant 6 : i32
      %dma_wait3A_2116 = arith.constant 6 : i32
      %dma_wait3A_2117 = arith.constant 0 : i32
      %dma_wait3A_2118 = arith.constant 0 : i32
      %dma_wait3A_2119 = tpu.memref_slice %arg6[%dma_wait3A_2115, %dma_wait3A_2117, %dma_wait3A_2118] : memref<8x104x32xf32, #tpu.memory_space<vmem>> -> memref<1x104x32xf32, #tpu.memory_space<vmem>>
      %dma_wait3A_2120 = tpu.memref_squeeze %dma_wait3A_2119 : memref<1x104x32xf32, #tpu.memory_space<vmem>> -> memref<104x32xf32, #tpu.memory_space<vmem>>
      %dma_wait3A_2121 = arith.constant 78 : i32
      %dma_wait3A_2122 = arith.constant 0 : i32
      %dma_wait3A_2123 = tpu.memref_slice %dma_wait3A_2120[%dma_wait3A_2121, %dma_wait3A_2122] : memref<104x32xf32, #tpu.memory_space<vmem>> -> memref<26x32xf32, #tpu.memory_space<vmem>>
      %dma_wait3A_2124 = arith.constant 0 : i32
      %dma_wait3A_2125 = arith.constant 0 : i32
      %dma_wait3A_2126 = tpu.memref_slice %arg4[%add3A_2114, %dma_wait3A_2124, %dma_wait3A_2125] : memref<16384x32x128xf32, #tpu.memory_space<hbm>> -> memref<1x26x32xf32, #tpu.memory_space<hbm>>
      %dma_wait3A_2127 = tpu.memref_squeeze %dma_wait3A_2126 : memref<1x26x32xf32, #tpu.memory_space<hbm>> -> memref<26x32xf32, #tpu.memory_space<hbm>>
      %dma_wait3A_2128 = tpu.memref_slice %arg8[%dma_wait3A_2116] : memref<8x!tpu.dma_semaphore, #tpu.memory_space<semaphore_mem>> -> memref<1x!tpu.dma_semaphore, #tpu.memory_space<semaphore_mem>>
      %dma_wait3A_2129 = tpu.memref_squeeze %dma_wait3A_2128 : memref<1x!tpu.dma_semaphore, #tpu.memory_space<semaphore_mem>> -> memref<!tpu.dma_semaphore, #tpu.memory_space<semaphore_mem>>
      %dma_wait3A_2130 = arith.constant 0 : i32
      %dma_wait3A_2131 = arith.constant 0 : i32
      %dma_wait3A_2132 = tpu.memref_slice %arg4[%add3A_2114, %dma_wait3A_2130, %dma_wait3A_2131] : memref<16384x32x128xf32, #tpu.memory_space<hbm>> -> memref<1x26x32xf32, #tpu.memory_space<hbm>>
      %dma_wait3A_2133 = tpu.memref_squeeze %dma_wait3A_2132 : memref<1x26x32xf32, #tpu.memory_space<hbm>> -> memref<26x32xf32, #tpu.memory_space<hbm>>
      %dma_wait3A_2134 = arith.constant 0 : i32
      %dma_wait3A_2135 = arith.constant 0 : i32
      %dma_wait3A_2136 = tpu.memref_slice %arg6[%dma_wait3A_2115, %dma_wait3A_2134, %dma_wait3A_2135] : memref<8x104x32xf32, #tpu.memory_space<vmem>> -> memref<1x104x32xf32, #tpu.memory_space<vmem>>
      %dma_wait3A_2137 = tpu.memref_squeeze %dma_wait3A_2136 : memref<1x104x32xf32, #tpu.memory_space<vmem>> -> memref<104x32xf32, #tpu.memory_space<vmem>>
      %dma_wait3A_2138 = arith.constant 78 : i32
      %dma_wait3A_2139 = arith.constant 0 : i32
      %dma_wait3A_2140 = tpu.memref_slice %dma_wait3A_2137[%dma_wait3A_2138, %dma_wait3A_2139] : memref<104x32xf32, #tpu.memory_space<vmem>> -> memref<26x32xf32, #tpu.memory_space<vmem>>
      tpu.wait_dma2 semaphore(%dma_wait3A_2129 : memref<!tpu.dma_semaphore, #tpu.memory_space<semaphore_mem>>) src(%dma_wait3A_2140 : memref<26x32xf32, #tpu.memory_space<vmem>>) dst(%dma_wait3A_2133 : memref<26x32xf32, #tpu.memory_space<hbm>>)
      %add3A_2141 = arith.constant 7 : i32
      %add3A_2142 = arith.addi %mul3A_12, %add3A_2141 : i32
      %mul3A_2143 = arith.constant 4 : i32
      %mul3A_2144 = arith.muli %add3A_2142, %mul3A_2143 : i32
      %add3A_2145 = arith.addi %mul3A_4, %mul3A_2144 : i32
      %add3A_2146 = arith.constant 0 : i32
      %add3A_2147 = arith.addi %add3A_2145, %add3A_2146 : i32
      %dma_wait3A_2148 = arith.constant 7 : i32
      %dma_wait3A_2149 = arith.constant 7 : i32
      %dma_wait3A_2150 = arith.constant 0 : i32
      %dma_wait3A_2151 = arith.constant 0 : i32
      %dma_wait3A_2152 = tpu.memref_slice %arg6[%dma_wait3A_2148, %dma_wait3A_2150, %dma_wait3A_2151] : memref<8x104x32xf32, #tpu.memory_space<vmem>> -> memref<1x104x32xf32, #tpu.memory_space<vmem>>
      %dma_wait3A_2153 = tpu.memref_squeeze %dma_wait3A_2152 : memref<1x104x32xf32, #tpu.memory_space<vmem>> -> memref<104x32xf32, #tpu.memory_space<vmem>>
      %dma_wait3A_2154 = arith.constant 0 : i32
      %dma_wait3A_2155 = arith.constant 0 : i32
      %dma_wait3A_2156 = tpu.memref_slice %dma_wait3A_2153[%dma_wait3A_2154, %dma_wait3A_2155] : memref<104x32xf32, #tpu.memory_space<vmem>> -> memref<26x32xf32, #tpu.memory_space<vmem>>
      %dma_wait3A_2157 = arith.constant 0 : i32
      %dma_wait3A_2158 = arith.constant 0 : i32
      %dma_wait3A_2159 = tpu.memref_slice %arg4[%add3A_2147, %dma_wait3A_2157, %dma_wait3A_2158] : memref<16384x32x128xf32, #tpu.memory_space<hbm>> -> memref<1x26x32xf32, #tpu.memory_space<hbm>>
      %dma_wait3A_2160 = tpu.memref_squeeze %dma_wait3A_2159 : memref<1x26x32xf32, #tpu.memory_space<hbm>> -> memref<26x32xf32, #tpu.memory_space<hbm>>
      %dma_wait3A_2161 = tpu.memref_slice %arg8[%dma_wait3A_2149] : memref<8x!tpu.dma_semaphore, #tpu.memory_space<semaphore_mem>> -> memref<1x!tpu.dma_semaphore, #tpu.memory_space<semaphore_mem>>
      %dma_wait3A_2162 = tpu.memref_squeeze %dma_wait3A_2161 : memref<1x!tpu.dma_semaphore, #tpu.memory_space<semaphore_mem>> -> memref<!tpu.dma_semaphore, #tpu.memory_space<semaphore_mem>>
      %dma_wait3A_2163 = arith.constant 0 : i32
      %dma_wait3A_2164 = arith.constant 0 : i32
      %dma_wait3A_2165 = tpu.memref_slice %arg4[%add3A_2147, %dma_wait3A_2163, %dma_wait3A_2164] : memref<16384x32x128xf32, #tpu.memory_space<hbm>> -> memref<1x26x32xf32, #tpu.memory_space<hbm>>
      %dma_wait3A_2166 = tpu.memref_squeeze %dma_wait3A_2165 : memref<1x26x32xf32, #tpu.memory_space<hbm>> -> memref<26x32xf32, #tpu.memory_space<hbm>>
      %dma_wait3A_2167 = arith.constant 0 : i32
      %dma_wait3A_2168 = arith.constant 0 : i32
      %dma_wait3A_2169 = tpu.memref_slice %arg6[%dma_wait3A_2148, %dma_wait3A_2167, %dma_wait3A_2168] : memref<8x104x32xf32, #tpu.memory_space<vmem>> -> memref<1x104x32xf32, #tpu.memory_space<vmem>>
      %dma_wait3A_2170 = tpu.memref_squeeze %dma_wait3A_2169 : memref<1x104x32xf32, #tpu.memory_space<vmem>> -> memref<104x32xf32, #tpu.memory_space<vmem>>
      %dma_wait3A_2171 = arith.constant 0 : i32
      %dma_wait3A_2172 = arith.constant 0 : i32
      %dma_wait3A_2173 = tpu.memref_slice %dma_wait3A_2170[%dma_wait3A_2171, %dma_wait3A_2172] : memref<104x32xf32, #tpu.memory_space<vmem>> -> memref<26x32xf32, #tpu.memory_space<vmem>>
      tpu.wait_dma2 semaphore(%dma_wait3A_2162 : memref<!tpu.dma_semaphore, #tpu.memory_space<semaphore_mem>>) src(%dma_wait3A_2173 : memref<26x32xf32, #tpu.memory_space<vmem>>) dst(%dma_wait3A_2166 : memref<26x32xf32, #tpu.memory_space<hbm>>)
      %mul3A_2174 = arith.constant 4 : i32
      %mul3A_2175 = arith.muli %add3A_2142, %mul3A_2174 : i32
      %add3A_2176 = arith.addi %mul3A_4, %mul3A_2175 : i32
      %add3A_2177 = arith.constant 1 : i32
      %add3A_2178 = arith.addi %add3A_2176, %add3A_2177 : i32
      %dma_wait3A_2179 = arith.constant 7 : i32
      %dma_wait3A_2180 = arith.constant 7 : i32
      %dma_wait3A_2181 = arith.constant 0 : i32
      %dma_wait3A_2182 = arith.constant 0 : i32
      %dma_wait3A_2183 = tpu.memref_slice %arg6[%dma_wait3A_2179, %dma_wait3A_2181, %dma_wait3A_2182] : memref<8x104x32xf32, #tpu.memory_space<vmem>> -> memref<1x104x32xf32, #tpu.memory_space<vmem>>
      %dma_wait3A_2184 = tpu.memref_squeeze %dma_wait3A_2183 : memref<1x104x32xf32, #tpu.memory_space<vmem>> -> memref<104x32xf32, #tpu.memory_space<vmem>>
      %dma_wait3A_2185 = arith.constant 26 : i32
      %dma_wait3A_2186 = arith.constant 0 : i32
      %dma_wait3A_2187 = tpu.memref_slice %dma_wait3A_2184[%dma_wait3A_2185, %dma_wait3A_2186] : memref<104x32xf32, #tpu.memory_space<vmem>> -> memref<26x32xf32, #tpu.memory_space<vmem>>
      %dma_wait3A_2188 = arith.constant 0 : i32
      %dma_wait3A_2189 = arith.constant 0 : i32
      %dma_wait3A_2190 = tpu.memref_slice %arg4[%add3A_2178, %dma_wait3A_2188, %dma_wait3A_2189] : memref<16384x32x128xf32, #tpu.memory_space<hbm>> -> memref<1x26x32xf32, #tpu.memory_space<hbm>>
      %dma_wait3A_2191 = tpu.memref_squeeze %dma_wait3A_2190 : memref<1x26x32xf32, #tpu.memory_space<hbm>> -> memref<26x32xf32, #tpu.memory_space<hbm>>
      %dma_wait3A_2192 = tpu.memref_slice %arg8[%dma_wait3A_2180] : memref<8x!tpu.dma_semaphore, #tpu.memory_space<semaphore_mem>> -> memref<1x!tpu.dma_semaphore, #tpu.memory_space<semaphore_mem>>
      %dma_wait3A_2193 = tpu.memref_squeeze %dma_wait3A_2192 : memref<1x!tpu.dma_semaphore, #tpu.memory_space<semaphore_mem>> -> memref<!tpu.dma_semaphore, #tpu.memory_space<semaphore_mem>>
      %dma_wait3A_2194 = arith.constant 0 : i32
      %dma_wait3A_2195 = arith.constant 0 : i32
      %dma_wait3A_2196 = tpu.memref_slice %arg4[%add3A_2178, %dma_wait3A_2194, %dma_wait3A_2195] : memref<16384x32x128xf32, #tpu.memory_space<hbm>> -> memref<1x26x32xf32, #tpu.memory_space<hbm>>
      %dma_wait3A_2197 = tpu.memref_squeeze %dma_wait3A_2196 : memref<1x26x32xf32, #tpu.memory_space<hbm>> -> memref<26x32xf32, #tpu.memory_space<hbm>>
      %dma_wait3A_2198 = arith.constant 0 : i32
      %dma_wait3A_2199 = arith.constant 0 : i32
      %dma_wait3A_2200 = tpu.memref_slice %arg6[%dma_wait3A_2179, %dma_wait3A_2198, %dma_wait3A_2199] : memref<8x104x32xf32, #tpu.memory_space<vmem>> -> memref<1x104x32xf32, #tpu.memory_space<vmem>>
      %dma_wait3A_2201 = tpu.memref_squeeze %dma_wait3A_2200 : memref<1x104x32xf32, #tpu.memory_space<vmem>> -> memref<104x32xf32, #tpu.memory_space<vmem>>
      %dma_wait3A_2202 = arith.constant 26 : i32
      %dma_wait3A_2203 = arith.constant 0 : i32
      %dma_wait3A_2204 = tpu.memref_slice %dma_wait3A_2201[%dma_wait3A_2202, %dma_wait3A_2203] : memref<104x32xf32, #tpu.memory_space<vmem>> -> memref<26x32xf32, #tpu.memory_space<vmem>>
      tpu.wait_dma2 semaphore(%dma_wait3A_2193 : memref<!tpu.dma_semaphore, #tpu.memory_space<semaphore_mem>>) src(%dma_wait3A_2204 : memref<26x32xf32, #tpu.memory_space<vmem>>) dst(%dma_wait3A_2197 : memref<26x32xf32, #tpu.memory_space<hbm>>)
      %mul3A_2205 = arith.constant 4 : i32
      %mul3A_2206 = arith.muli %add3A_2142, %mul3A_2205 : i32
      %add3A_2207 = arith.addi %mul3A_4, %mul3A_2206 : i32
      %add3A_2208 = arith.constant 2 : i32
      %add3A_2209 = arith.addi %add3A_2207, %add3A_2208 : i32
      %dma_wait3A_2210 = arith.constant 7 : i32
      %dma_wait3A_2211 = arith.constant 7 : i32
      %dma_wait3A_2212 = arith.constant 0 : i32
      %dma_wait3A_2213 = arith.constant 0 : i32
      %dma_wait3A_2214 = tpu.memref_slice %arg6[%dma_wait3A_2210, %dma_wait3A_2212, %dma_wait3A_2213] : memref<8x104x32xf32, #tpu.memory_space<vmem>> -> memref<1x104x32xf32, #tpu.memory_space<vmem>>
      %dma_wait3A_2215 = tpu.memref_squeeze %dma_wait3A_2214 : memref<1x104x32xf32, #tpu.memory_space<vmem>> -> memref<104x32xf32, #tpu.memory_space<vmem>>
      %dma_wait3A_2216 = arith.constant 52 : i32
      %dma_wait3A_2217 = arith.constant 0 : i32
      %dma_wait3A_2218 = tpu.memref_slice %dma_wait3A_2215[%dma_wait3A_2216, %dma_wait3A_2217] : memref<104x32xf32, #tpu.memory_space<vmem>> -> memref<26x32xf32, #tpu.memory_space<vmem>>
      %dma_wait3A_2219 = arith.constant 0 : i32
      %dma_wait3A_2220 = arith.constant 0 : i32
      %dma_wait3A_2221 = tpu.memref_slice %arg4[%add3A_2209, %dma_wait3A_2219, %dma_wait3A_2220] : memref<16384x32x128xf32, #tpu.memory_space<hbm>> -> memref<1x26x32xf32, #tpu.memory_space<hbm>>
      %dma_wait3A_2222 = tpu.memref_squeeze %dma_wait3A_2221 : memref<1x26x32xf32, #tpu.memory_space<hbm>> -> memref<26x32xf32, #tpu.memory_space<hbm>>
      %dma_wait3A_2223 = tpu.memref_slice %arg8[%dma_wait3A_2211] : memref<8x!tpu.dma_semaphore, #tpu.memory_space<semaphore_mem>> -> memref<1x!tpu.dma_semaphore, #tpu.memory_space<semaphore_mem>>
      %dma_wait3A_2224 = tpu.memref_squeeze %dma_wait3A_2223 : memref<1x!tpu.dma_semaphore, #tpu.memory_space<semaphore_mem>> -> memref<!tpu.dma_semaphore, #tpu.memory_space<semaphore_mem>>
      %dma_wait3A_2225 = arith.constant 0 : i32
      %dma_wait3A_2226 = arith.constant 0 : i32
      %dma_wait3A_2227 = tpu.memref_slice %arg4[%add3A_2209, %dma_wait3A_2225, %dma_wait3A_2226] : memref<16384x32x128xf32, #tpu.memory_space<hbm>> -> memref<1x26x32xf32, #tpu.memory_space<hbm>>
      %dma_wait3A_2228 = tpu.memref_squeeze %dma_wait3A_2227 : memref<1x26x32xf32, #tpu.memory_space<hbm>> -> memref<26x32xf32, #tpu.memory_space<hbm>>
      %dma_wait3A_2229 = arith.constant 0 : i32
      %dma_wait3A_2230 = arith.constant 0 : i32
      %dma_wait3A_2231 = tpu.memref_slice %arg6[%dma_wait3A_2210, %dma_wait3A_2229, %dma_wait3A_2230] : memref<8x104x32xf32, #tpu.memory_space<vmem>> -> memref<1x104x32xf32, #tpu.memory_space<vmem>>
      %dma_wait3A_2232 = tpu.memref_squeeze %dma_wait3A_2231 : memref<1x104x32xf32, #tpu.memory_space<vmem>> -> memref<104x32xf32, #tpu.memory_space<vmem>>
      %dma_wait3A_2233 = arith.constant 52 : i32
      %dma_wait3A_2234 = arith.constant 0 : i32
      %dma_wait3A_2235 = tpu.memref_slice %dma_wait3A_2232[%dma_wait3A_2233, %dma_wait3A_2234] : memref<104x32xf32, #tpu.memory_space<vmem>> -> memref<26x32xf32, #tpu.memory_space<vmem>>
      tpu.wait_dma2 semaphore(%dma_wait3A_2224 : memref<!tpu.dma_semaphore, #tpu.memory_space<semaphore_mem>>) src(%dma_wait3A_2235 : memref<26x32xf32, #tpu.memory_space<vmem>>) dst(%dma_wait3A_2228 : memref<26x32xf32, #tpu.memory_space<hbm>>)
      %mul3A_2236 = arith.constant 4 : i32
      %mul3A_2237 = arith.muli %add3A_2142, %mul3A_2236 : i32
      %add3A_2238 = arith.addi %mul3A_4, %mul3A_2237 : i32
      %add3A_2239 = arith.constant 3 : i32
      %add3A_2240 = arith.addi %add3A_2238, %add3A_2239 : i32
      %dma_wait3A_2241 = arith.constant 7 : i32
      %dma_wait3A_2242 = arith.constant 7 : i32
      %dma_wait3A_2243 = arith.constant 0 : i32
      %dma_wait3A_2244 = arith.constant 0 : i32
      %dma_wait3A_2245 = tpu.memref_slice %arg6[%dma_wait3A_2241, %dma_wait3A_2243, %dma_wait3A_2244] : memref<8x104x32xf32, #tpu.memory_space<vmem>> -> memref<1x104x32xf32, #tpu.memory_space<vmem>>
      %dma_wait3A_2246 = tpu.memref_squeeze %dma_wait3A_2245 : memref<1x104x32xf32, #tpu.memory_space<vmem>> -> memref<104x32xf32, #tpu.memory_space<vmem>>
      %dma_wait3A_2247 = arith.constant 78 : i32
      %dma_wait3A_2248 = arith.constant 0 : i32
      %dma_wait3A_2249 = tpu.memref_slice %dma_wait3A_2246[%dma_wait3A_2247, %dma_wait3A_2248] : memref<104x32xf32, #tpu.memory_space<vmem>> -> memref<26x32xf32, #tpu.memory_space<vmem>>
      %dma_wait3A_2250 = arith.constant 0 : i32
      %dma_wait3A_2251 = arith.constant 0 : i32
      %dma_wait3A_2252 = tpu.memref_slice %arg4[%add3A_2240, %dma_wait3A_2250, %dma_wait3A_2251] : memref<16384x32x128xf32, #tpu.memory_space<hbm>> -> memref<1x26x32xf32, #tpu.memory_space<hbm>>
      %dma_wait3A_2253 = tpu.memref_squeeze %dma_wait3A_2252 : memref<1x26x32xf32, #tpu.memory_space<hbm>> -> memref<26x32xf32, #tpu.memory_space<hbm>>
      %dma_wait3A_2254 = tpu.memref_slice %arg8[%dma_wait3A_2242] : memref<8x!tpu.dma_semaphore, #tpu.memory_space<semaphore_mem>> -> memref<1x!tpu.dma_semaphore, #tpu.memory_space<semaphore_mem>>
      %dma_wait3A_2255 = tpu.memref_squeeze %dma_wait3A_2254 : memref<1x!tpu.dma_semaphore, #tpu.memory_space<semaphore_mem>> -> memref<!tpu.dma_semaphore, #tpu.memory_space<semaphore_mem>>
      %dma_wait3A_2256 = arith.constant 0 : i32
      %dma_wait3A_2257 = arith.constant 0 : i32
      %dma_wait3A_2258 = tpu.memref_slice %arg4[%add3A_2240, %dma_wait3A_2256, %dma_wait3A_2257] : memref<16384x32x128xf32, #tpu.memory_space<hbm>> -> memref<1x26x32xf32, #tpu.memory_space<hbm>>
      %dma_wait3A_2259 = tpu.memref_squeeze %dma_wait3A_2258 : memref<1x26x32xf32, #tpu.memory_space<hbm>> -> memref<26x32xf32, #tpu.memory_space<hbm>>
      %dma_wait3A_2260 = arith.constant 0 : i32
      %dma_wait3A_2261 = arith.constant 0 : i32
      %dma_wait3A_2262 = tpu.memref_slice %arg6[%dma_wait3A_2241, %dma_wait3A_2260, %dma_wait3A_2261] : memref<8x104x32xf32, #tpu.memory_space<vmem>> -> memref<1x104x32xf32, #tpu.memory_space<vmem>>
      %dma_wait3A_2263 = tpu.memref_squeeze %dma_wait3A_2262 : memref<1x104x32xf32, #tpu.memory_space<vmem>> -> memref<104x32xf32, #tpu.memory_space<vmem>>
      %dma_wait3A_2264 = arith.constant 78 : i32
      %dma_wait3A_2265 = arith.constant 0 : i32
      %dma_wait3A_2266 = tpu.memref_slice %dma_wait3A_2263[%dma_wait3A_2264, %dma_wait3A_2265] : memref<104x32xf32, #tpu.memory_space<vmem>> -> memref<26x32xf32, #tpu.memory_space<vmem>>
      tpu.wait_dma2 semaphore(%dma_wait3A_2255 : memref<!tpu.dma_semaphore, #tpu.memory_space<semaphore_mem>>) src(%dma_wait3A_2266 : memref<26x32xf32, #tpu.memory_space<vmem>>) dst(%dma_wait3A_2259 : memref<26x32xf32, #tpu.memory_space<hbm>>)
    }
    %scan3A_9 = arith.constant 16 : i32
    return
  }
}

</mosaic_0001>

<sc_bundles>
// kernel: kernel.3.cloned.1.call-start
scs
__scs_entry_jumppad:
0x0: {  	(pc) =	sbr.rel $0x88, $3  }
0x1: {  	(tag) =	ssettag $0x0;
	lr =	simm.s32 $0x1  }
0x2: {  	[smem:$0x3F9F] =	sst lr;
	_ =	strace $0xD0000000  }
0x3: {  	_ = 	snop  }
0x4: {  	_ = 	snop  }
0x5: {  	_ = 	snop  }
0x6: {  	_ = 	snop  }
0x7: {  	_ = 	snop  }
__scs_overlays_trampoline_lowered:
0x8: {  	[smem:$0x3FAE] =	sst s0  }
0x9: {  	[smem:$0x3FAF] =	sst s1  }
0xa: {  	[smem:$0x3FB0] =	sst s2  }
0xb: {  	[smem:$0x3FB1] =	sst s3  }
0xc: {  	[smem:$0x3FB2] =	sst s4  }
0xd: {  	[smem:$0x3FB3] =	sst s5  }
0xe: {  	[smem:$0x3FB4] =	sst s6  }
0xf: {  	[smem:$0x3FB5] =	sst s7  }
0x10: {  	[smem:$0x3FB6] =	sst s8  }
0x11: {  	[smem:$0x3FB7] =	sst s9;
	s0 =	simm.s32 @!p0 $0x0  }
0x12: {  	s1 =	sld [smem:$0x3F9D];
	s0 =	simm.s32 @p0 $0x1  }
0x13: {  	[smem:$0x3FB8] =	sst s0;
	s0 =	simm.s32 @!p1 $0x0  }
0x14: {  	s2 =	sld [smem:$0x3F9C];
	s0 =	simm.s32 @p1 $0x1  }
0x15: {  	[smem:$0x3FB9] =	sst s0;
	s0 =	simm.s32 @!p2 $0x0  }
0x16: {  	s3 =	sld [smem:$0x3FDB];
	s0 =	simm.s32 @p2 $0x1  }
0x17: {  	s4 =	simm.s32 $0x1BF5;
	[smem:$0x3FBB] =	sst s0  }
0x18: {  	s0 =	sld [smem:$0x3F9E];
	_ =	swait.ge [sflag:s4], $0x0  }
0x19: {  	s7 =	sld [smem:$0x3F9F]  }
0x1a: {  	s8 =	sadd.s32 $0xFFFFE003, lr  }
0x1b: {  	s9 =	sadd.s32 $0xFFFFFEF7, lr;
	s5 =	simm.s32 $0xFFFFFFFF;
	p2 =	slt.u32 s8, $0xFFFFF086  }
0x1c: {  	p1 =	slt.u32 s9, $0xF7A;
	s5 =	simm.s32 @!p2 $0x0  }
0x1d: {  	s5 =	simm.s32 @p1 $0x1;
	p0 =	seq.s32 s7, s2  }
0x1e: {  	s7 =	smul.u32 @!p0 $0xF7A, s2;
	p2 =	seq.s32 @!p0 s5, $0x0  }
0x1f: {  	s9 =	smul.u32 $0xF7A, s1;
	s8 =	simm.s32 @!p0 $0x1BF5;
	p2 =	por !p2, p0  }
0x20: {  	[sflag:s8] =	ssyncset.s32 @!p0 $0xFFFFF086;
	s6 =	sadd.s32 @!p0 s3, s7;
	s7 =	simm.s32 @!p0 $0x108  }
0x21: {  	s3 =	sadd.s32 s3, s9;
	s6 =	sadd.s32 @!p0 $0x88, s6;
	s7 =	simm.s32 @p2 $0x1082  }
0x22: {  	[simem:s7], [sflag:s8] =	dma.local @!p0 [hbm:s6], $0xF7A  }
0x23: {  	s9 =	sor.u32 $0xD0000000, s2;
	s6 =	simm.s32 $0x108;
	_ =	swait.ge @!p0 [sflag:s8], $0x0  }
0x24: {  	s3 =	sadd.s32 $0x88, s3;
	s6 =	simm.s32 @!p1 $0x1082;
	[sflag:s4] =	ssyncset.s32 $0xFFFFF086  }
0x25: {  	[simem:s6], [sflag:s4] =	dma.local [hbm:s3], $0xF7A  }
0x26: {  	[smem:$0x3F9F] =	sst s1;
	(tag) =	ssettag s2;
	_ =	strace s9  }
0x27: {  	s1 =	sld [smem:$0x3FAF]  }
0x28: {  	s2 =	sld [smem:$0x3FB0]  }
0x29: {  	s4 =	sld [smem:$0x3FB2]  }
0x2a: {  	p0 =	seq.s32 s5, $0x0;
	s5 =	sld [smem:$0x3FB3]  }
0x2b: {  	s6 =	sld [smem:$0x3FB4]  }
0x2c: {  	s7 =	sld [smem:$0x3FB5]  }
0x2d: {  	s3 =	simm.s32 $0x108;
	s8 =	sld [smem:$0x3FB6]  }
0x2e: {  	s3 =	simm.s32 @!p0 $0x1082;
	s9 =	sld [smem:$0x3FB7]  }
0x2f: {  	lr =	sadd.s32 s0, s3;
	s0 =	sld [smem:$0x3FAE]  }
0x30: {  	s3 =	sld [smem:$0x3FB1]  }
0x31: {  	[smem:$0x3FBA] =	sst s10  }
0x32: {  	s10 =	sld [smem:$0x3FB8];
	_ =	sdelay $0x3  }
0x33: {  	p0 =	seq.s32 s10, $0x1;
	s10 =	sld [smem:$0x3FBA];
	_ =	sdelay $0x3  }
0x34: {  	[smem:$0x3FBA] =	sst s10  }
0x35: {  	s10 =	sld [smem:$0x3FB9];
	_ =	sdelay $0x3  }
0x36: {  	p1 =	seq.s32 s10, $0x1;
	s10 =	sld [smem:$0x3FBA];
	_ =	sdelay $0x3  }
0x37: {  	[smem:$0x3FBA] =	sst s10  }
0x38: {  	s10 =	sld [smem:$0x3FBB]  }
0x39: {  	_ = 	snop;
	(pc) =	sbr.ind lr, $3  }
0x3a: {  	_ = 	snop  }
0x3b: {  	_ = 	snop  }
0x3c: {  	p2 =	seq.s32 s10, $0x1;
	s10 =	sld [smem:$0x3FBA]  }
0x3d: {  	_ =	shalt  }
0x3e: {  	_ =	shalt  }
0x3f: {  	_ =	shalt  }
0x40: {  	_ =	shalt  }
0x41: {  	_ =	shalt  }
0x42: {  	_ =	shalt  }
0x43: {  	_ =	shalt  }
0x44: {  	_ =	shalt  }
0x45: {  	_ =	shalt  }
0x46: {  	_ =	shalt  }
0x47: {  	_ =	shalt  }
0x48: {  	_ =	shalt  }
0x49: {  	_ =	shalt  }
0x4a: {  	_ =	shalt  }
0x4b: {  	_ =	shalt  }
0x4c: {  	_ =	shalt  }
0x4d: {  	_ =	shalt  }
0x4e: {  	_ =	shalt  }
0x4f: {  	_ =	shalt  }
0x50: {  	_ =	shalt  }
0x51: {  	_ =	shalt  }
0x52: {  	_ =	shalt  }
0x53: {  	_ =	shalt  }
0x54: {  	_ =	shalt  }
0x55: {  	_ =	shalt  }
0x56: {  	_ =	shalt  }
0x57: {  	_ =	shalt  }
0x58: {  	_ =	shalt  }
0x59: {  	_ =	shalt  }
0x5a: {  	_ =	shalt  }
0x5b: {  	_ =	shalt  }
0x5c: {  	_ =	shalt  }
0x5d: {  	_ =	shalt  }
0x5e: {  	_ =	shalt  }
0x5f: {  	_ =	shalt  }
0x60: {  	_ =	shalt  }
0x61: {  	_ =	shalt  }
0x62: {  	_ =	shalt  }
0x63: {  	_ =	shalt  }
0x64: {  	_ =	shalt  }
0x65: {  	_ =	shalt  }
0x66: {  	_ =	shalt  }
0x67: {  	_ =	shalt  }
0x68: {  	_ =	shalt  }
0x69: {  	_ =	shalt  }
0x6a: {  	_ =	shalt  }
0x6b: {  	_ =	shalt  }
0x6c: {  	_ =	shalt  }
0x6d: {  	_ =	shalt  }
0x6e: {  	_ =	shalt  }
0x6f: {  	_ =	shalt  }
0x70: {  	_ =	shalt  }
0x71: {  	_ =	shalt  }
0x72: {  	_ =	shalt  }
0x73: {  	_ =	shalt  }
0x74: {  	_ =	shalt  }
0x75: {  	_ =	shalt  }
0x76: {  	_ =	shalt  }
0x77: {  	_ =	shalt  }
0x78: {  	_ =	shalt  }
0x79: {  	_ =	shalt  }
0x7a: {  	_ =	shalt  }
0x7b: {  	_ =	shalt  }
0x7c: {  	_ =	shalt  }
0x7d: {  	_ =	shalt  }
0x7e: {  	_ =	shalt  }
0x7f: {  	_ =	shalt  }
0x80: {  	_ =	shalt  }
0x81: {  	_ =	shalt  }
0x82: {  	_ =	shalt  }
0x83: {  	_ =	shalt  }
0x84: {  	_ =	shalt  }
0x85: {  	_ =	shalt  }
0x86: {  	_ =	shalt  }
0x87: {  	_ =	shalt  }
.Lfunc_end0:
.L_simem_size_0:
called_computation.1_lowered:
.L_overlay_start_0:
0x88: {  	s2 =	sld [smem:$0x3FD9]  }
0x89: {  	s3 =	sld [smem:$0x3FFE];
	_ =	sdelay $0x1  }
0x8a: {  	s1 =	srdreg.scid  }
0x8b: {  	s0 =	sand.u32 $0x1, s1  }
0x8c: {  	s17 =	sshll.u32 s0, $0xA;
	s2 =	sadd.s32 s3, s2  }
0x8d: {  	s2 =	sadd.s32 s2, s17  }
0x8e: {  	[smem:$0x3FC6] =	sst s2  }
0x8f: {  	_ = 	snop  }
0x90: {  	s2 =	sld [smem:$0x3FD0];
	(tm) =	ssettm $0x1  }
0x91: {  	s18 =	sld [smem:$0x3FFB];
	_ =	sdelay $0x3  }
0x92: {  	_ =	strace s18  }
0x93: {  	s3 =	sld [smem:$0x3FFC];
	_ =	sdelay $0x3  }
0x94: {  	_ =	strace s3  }
0x95: {  	s3 =	sld [smem:$0x3FFD];
	_ =	sdelay $0x3  }
0x96: {  	_ =	strace s3  }
0x97: {  	_ =	strace $0x8FFFFFFF  }
0x98: {  	s19 =	sld [smem:$0x3FDB];
	_ =	sdelay $0x1  }
0x99: {  	s4 =	simm.s32 $_scs_section_size  }
0x9a: {  	s5 =	simm.s32 $_size__tile_overlayer_lowered;
	s6 =	simm.s32 $_tile_overlayer_lowered  }
0x9b: {  	s22 =	simm.s32 $0x1BFF;
	s21 =	sshll.u32 s6, $0x1;
	s3 =	sadd.s32 s4, s19  }
0x9c: {  	s7 =	simm.s32 $0x0;
	s20 =	sshll.u32 s5, $0x1;
	s5 =	sadd.s32 s21, s3  }
0x9d: {  	[timem:s7], [sflag:s22] =	dma.local [hbm:s5], s20  }
0x9e: {  	_ =	swait.ge [sflag:s22], s20  }
0x9f: {  	s4 =	ssub.s32 $0x0, s20;
	[sflag:s22] =	ssyncset.done $0x0  }
0xa0: {  	[sflag:s22] =	ssyncadd.s32 s4;
	_ =	sdelay $0x1  }
0xa1: {  	s23 =	simm.s32 $0x1B8B  }
0xa2: {  	_ =	swait.ge [sflag:s23], $0x1  }
0xa3: {  	[sflag:s23] =	ssyncset.done $0x0  }
0xa4: {  	s25 =	simm.s32 $0x1B8E;
	s24 =	sld [smem:$0x3FFE];
	[sflag:s23] =	ssyncadd.s32 $0xFFFFFFFF  }
0xa5: {  	s26 =	simm.s32 $execute0_lowered;
	[smem:$0x3FD2] =	sst s25  }
0xa6: {  	s5 =	sshll.u32 s26, $0x1;
	_ =	strace $0x80000046;
	[dreg:$0x1] =	wrdreg $0xFFFFFFFF  }
0xa7: {  	s28 =	simm.s32 $_size_execute0_lowered;
	s3 =	sadd.s32 s3, s5;
	[dreg:$0x0] =	wrdreg $0x0  }
0xa8: {  	s5 =	sshll.u32 s28, $0x1;
	[dreg:$0x2] =	wrdreg s3  }
0xa9: {  	[dreg:$0x3] =	wrdreg s5  }
0xaa: {  	[dreg:$0x4] =	wrdreg $0xC0  }
0xab: {  	_ =	task [dreg:s7], $0x5FFFF  }
0xac: {  	[dreg:$0x1] =	wrdreg $0xFFFFFFFF  }
0xad: {  	[dreg:$0x0] =	wrdreg $0x60  }
0xae: {  	[dreg:$0x2] =	wrdreg s2  }
0xaf: {  	[dreg:$0x3] =	wrdreg s24  }
0xb0: {  	[dreg:$0x4] =	wrdreg $0x9  }
0xb1: {  	_ =	task.clear_ibuf [dreg:s7], $0x5FFFF;
	_ =	strace $0x90000046  }
0xb2: {  	s29 =	simm.s32 $0x9;
	_ =	strace $0x80000048  }
0xb3: {  	_ =	swait.ge [sflag:s29], $0x1  }
0xb4: {  	[sflag:s29] =	ssyncadd.s32 $0xFFFFFFFF  }
0xb5: {  	_ =	strace $0x90000048  }
0xb6: {  	_ =	sfence  }
0xb7: {  	s30 =	sld [smem:$0x0];
	_ =	sdelay $0x2  }
0xb8: {  	s31 =	sshll.u32 s1, $0xD;
	s1 =	sshrl.u32 s1, $0x2  }
0xb9: {  	s3 =	sand.u32 $0x4000, s31;
	s1 =	sadd.s32 s1, s30  }
0xba: {  	s0 =	sor.u32 s3, s0;
	s1 =	sshll.u32 s1, $0x11  }
0xbb: {  	s0 =	sor.u32 s1, s0  }
0xbc: {  	s0 =	sadd.s32 $0x8F2B, s0  }
0xbd: {  	[sflag:s0] =	ssyncadd.remote.s32 $0x1  }
0xbe: {  	_ =	sfence.sel $0xFFFF  }
0xbf: {  	[dreg:$0x0] =	wrdreg $0xFFFFFFFF;
	(pc) =	sbr.abs _section_cstart, $3  }
0xc0: {  	[dreg:$0x1] =	wrdreg $0xFFFFFFFF  }
0xc1: {  	_ =	task.clear_ibuf [dreg:s7], $0x2FFFF;
	_ =	strace $0x9FFFFFFF  }
0xc2: {  	(tm) =	ssettm $0x7FFFFFFF  }
0xc3: {  	_ =	shalt  }
tec
execute0_lowered:
.L_overlay_start_1:
0x0: {  	(tag) =	ssettag $0x1  }
0x1: {  	s0 =	rddreg [dreg:$0x0]  }
0x2: {  	s1 =	rddreg [dreg:$0x1]  }
0x3: {  	s6 =	stileid.u32;
	s2 =	srdreg.scid;
	s4 =	simm.s32 $0x0  }
0x4: {  	s24 =	simm.s32 $0x3740;
	s25 =	simm.s32 $0x3A80;
	s26 =	simm.s32 $0x3DC0  }
0x5: {  	s7 =	simm.s32 $0x4780;
	s8 =	simm.s32 $0x4AC0;
	s9 =	simm.s32 $0x5140  }
0x6: {  	s10 =	simm.s32 $0x5480;
	s11 =	simm.s32 $0x57C0;
	[smem:$0x7FF] =	sst s4  }
0x7: {  	s12 =	simm.s32 $0x5E40;
	_ =	strace $0x80000047;
	[dreg:$0x4] =	wrdreg s24  }
0x8: {  	s13 =	simm.s32 $0x6180;
	s14 =	simm.s32 $0x64C0;
	[dreg:$0x5] =	wrdreg s25  }
0x9: {  	s15 =	simm.s32 $0x6B40;
	s16 =	simm.s32 $0x6E80;
	[dreg:$0x6] =	wrdreg s26  }
0xa: {  	s17 =	simm.s32 $0x71C0;
	s18 =	simm.s32 $0x7840;
	[dreg:$0x8] =	wrdreg s7  }
0xb: {  	s19 =	simm.s32 $0x7B80;
	s20 =	simm.s32 $0x7EC0;
	[dreg:$0x9] =	wrdreg s8  }
0xc: {  	s21 =	simm.s32 $0x8540;
	s28 =	simm.s32 $0xA;
	[dreg:$0xa] =	wrdreg s9  }
0xd: {  	s29 =	simm.s32 $0xB;
	s30 =	simm.s32 $0xC;
	[dreg:$0xb] =	wrdreg s10  }
0xe: {  	s31 =	simm.s32 $0xD;
	s3 =	sshll.u32 s6, $0x13;
	[dreg:$0xc] =	wrdreg s11  }
0xf: {  	s2 =	sand.u32 $0x1, s2;
	s6 =	sshll.u32 s6, $0x1;
	[dreg:$0xd] =	wrdreg s12  }
0x10: {  	s3 =	sadd.s32 s3, s1;
	s22 =	sshll.u32 s2, $0x12;
	[dreg:$0xe] =	wrdreg s13  }
0x11: {  	s5 =	ssub.s32 $0x2, s2;
	s2 =	sor.u32 s2, s6;
	[dreg:$0xf] =	wrdreg s14  }
0x12: {  	s6 =	simm.s32 $0x4440;
	s7 =	simm.s32 $0x68;
	[dreg:$0x10] =	wrdreg s15  }
0x13: {  	s9 =	simm.s32 $0x3400;
	s8 =	simm.s32 $0x4100;
	[dreg:$0x11] =	wrdreg s16  }
0x14: {  	s10 =	simm.s32 $0x4E00;
	s11 =	simm.s32 $0x5B00;
	[dreg:$0x12] =	wrdreg s17  }
0x15: {  	s12 =	simm.s32 $0x6800;
	s13 =	simm.s32 $0x7500;
	[dreg:$0x13] =	wrdreg s18  }
0x16: {  	s14 =	simm.s32 $0x8200;
	s15 =	simm.s32 $0x8F00;
	[dreg:$0x14] =	wrdreg s19  }
0x17: {  	s17 =	simm.s32 $0x20;
	s18 =	simm.s32 $0x80;
	[dreg:$0x15] =	wrdreg s20  }
0x18: {  	s16 =	simm.s32 $0x2;
	[dreg:$0x16] =	wrdreg s21;
	s19 =	simm.s32 $0x3  }
0x19: {  	s21 =	simm.s32 $0x4;
	s24 =	simm.s32 $0x9240;
	s25 =	simm.s32 $0x9580  }
0x1a: {  	s26 =	simm.s32 $0x98C0;
	s4 =	sadd.s32 s22, s3;
	[dreg:$0x7] =	wrdreg s6  }
0x1b: {  	s3 =	sadd.s32 $0xF42E00, s1;
	s23 =	sshrl.u32 s5, $0x1;
	[dreg:$0x19] =	wrdreg s24  }
0x1c: {  	s2 =	smul.u32 $0x680, s2;
	s6 =	simm.s32 $0x1;
	[dreg:$0x1a] =	wrdreg s25  }
0x1d: {  	s22 =	simm.s32 $0x8880;
	s24 =	simm.s32 $0x7;
	[dreg:$0x1b] =	wrdreg s26  }
0x1e: {  	s25 =	simm.s32 $0x8;
	s26 =	simm.s32 $0x9;
	s4 =	sadd.s32 $0xA00, s4  }
0x1f: {  	s1 =	ssub.s32 s5, s23;
	[dreg:$0x17] =	wrdreg s22;
	s23 =	simm.s32 $0x8BC0  }
0x20: {  	s22 =	simm.s32 $0x5;
	s5 =	simm.s32 $0x0;
	[dreg:$0x3] =	wrdreg s4  }
0x21: {  	s0 =	sadd.s32 s0, s2;
	s1 =	smax.u32 s1, $0x1;
	[dreg:$0x18] =	wrdreg s23  }
0x22: {  	s23 =	simm.s32 $0x6;
	s2 =	simm.s32 $0x10;
	[dreg:$0x1c] =	wrdreg s0  }
0x23: {  	[dreg:$0x1d] =	wrdreg s1;
	s0 =	simm.s32 $0xE;
	s1 =	simm.s32 $0xF  }
.LBB2_1:
0x24: {  	s4 =	simm.s32 $0x0;
	s20 =	rddreg [dreg:$0x1c]  }
0x25: {  	[tilespmem:s4], [sflag:$0x11] =	stream.linear.gather [hbm4b:s20+s4], $0x3400, $0x38;
	[tilespmem:$0x9C00] =	vst v63  }
0x26: {  	[dreg:$0x1e] =	wrdreg s5;
	s20 =	simm.s32 $0x11  }
0x27: {  	_ =	swait.ge [sflag:s20], $0x3400  }
0x28: {  	[sflag:s20] =	ssyncset.done $0x0  }
0x29: {  	[sflag:s20] =	ssyncadd.s32 $0xFFFFCC00  }
0x2a: {  	[tilespmem:s9], [sflag:$0x1] =	stream.indirect.gather [hbm4b:s3+s7], $0x20, s4, s7, $0xb8;
	[tilespmem:$0x9C00] =	vst v63  }
0x2b: {  	s20 =	simm.s32 $0x68  }
0x2c: {  	[tilespmem:s8], [sflag:$0x2] =	stream.indirect.gather [hbm4b:s3+s7], $0x20, s20, s7, $0xb8;
	[tilespmem:$0x9C00] =	vst v63  }
0x2d: {  	s5 =	simm.s32 $0xD0  }
0x2e: {  	[tilespmem:s10], [sflag:$0x3] =	stream.indirect.gather [hbm4b:s3+s7], $0x20, s5, s7, $0xb8;
	[tilespmem:$0x9C00] =	vst v63  }
0x2f: {  	s20 =	simm.s32 $0x138  }
0x30: {  	[tilespmem:s11], [sflag:$0x4] =	stream.indirect.gather [hbm4b:s3+s7], $0x20, s20, s7, $0xb8;
	[tilespmem:$0x9C00] =	vst v63  }
0x31: {  	s5 =	simm.s32 $0x1A0  }
0x32: {  	[tilespmem:s12], [sflag:$0x5] =	stream.indirect.gather [hbm4b:s3+s7], $0x20, s5, s7, $0xb8;
	[tilespmem:$0x9C00] =	vst v63  }
0x33: {  	s20 =	simm.s32 $0x208  }
0x34: {  	[tilespmem:s13], [sflag:$0x6] =	stream.indirect.gather [hbm4b:s3+s7], $0x20, s20, s7, $0xb8;
	[tilespmem:$0x9C00] =	vst v63  }
0x35: {  	s5 =	simm.s32 $0x270  }
0x36: {  	[tilespmem:s14], [sflag:$0x7] =	stream.indirect.gather [hbm4b:s3+s7], $0x20, s5, s7, $0xb8;
	[tilespmem:$0x9C00] =	vst v63  }
0x37: {  	s20 =	simm.s32 $0x2D8  }
0x38: {  	[tilespmem:s15], [sflag:$0x8] =	stream.indirect.gather [hbm4b:s3+s7], $0x20, s20, s7, $0xb8;
	[tilespmem:$0x9C00] =	vst v63  }
0x39: {  	_ =	swait.ge [sflag:s6], $0xD00  }
0x3a: {  	s5 =	rddreg [dreg:$0x3];
	[sflag:s6] =	ssyncset.done $0x0  }
0x3b: {  	[sflag:s6] =	ssyncadd.s32 $0xFFFFF300;
	s4 =	sadd.s32 $0x0, s5  }
0x3c: {  	[hbm4b:s4+s17] =	stream.strided.scatter [tilespmem:s9], [sflag:$0x9], $0x340, s18, s17, $0x38;
	[tilespmem:$0x9C00] =	vst v63  }
0x3d: {  	s5 =	rddreg [dreg:$0x4];
	s6 =	sadd.s32 $0x200, s4  }
0x3e: {  	[hbm4b:s6+s17] =	stream.strided.scatter [tilespmem:s5], [sflag:$0x9], $0x340, s18, s17, $0x38;
	[tilespmem:$0x9C00] =	vst v63  }
0x3f: {  	s20 =	rddreg [dreg:$0x5];
	s5 =	sadd.s32 $0x400, s4  }
0x40: {  	[hbm4b:s5+s17] =	stream.strided.scatter [tilespmem:s20], [sflag:$0x9], $0x340, s18, s17, $0x38;
	[tilespmem:$0x9C00] =	vst v63  }
0x41: {  	s6 =	rddreg [dreg:$0x6];
	s20 =	sadd.s32 $0x600, s4  }
0x42: {  	[hbm4b:s20+s17] =	stream.strided.scatter [tilespmem:s6], [sflag:$0x9], $0x340, s18, s17, $0x38;
	[tilespmem:$0x9C00] =	vst v63  }
0x43: {  	_ =	swait.ge [sflag:s16], $0xD00  }
0x44: {  	[sflag:s16] =	ssyncset.done $0x0  }
0x45: {  	s20 =	sadd.s32 $0x800, s4;
	[sflag:s16] =	ssyncadd.s32 $0xFFFFF300  }
0x46: {  	[hbm4b:s20+s17] =	stream.strided.scatter [tilespmem:s8], [sflag:$0xA], $0x340, s18, s17, $0x38;
	[tilespmem:$0x9C00] =	vst v63  }
0x47: {  	s6 =	rddreg [dreg:$0x7];
	s16 =	sadd.s32 $0xA00, s4  }
0x48: {  	[hbm4b:s16+s17] =	stream.strided.scatter [tilespmem:s6], [sflag:$0xA], $0x340, s18, s17, $0x38;
	[tilespmem:$0x9C00] =	vst v63  }
0x49: {  	s20 =	rddreg [dreg:$0x8];
	s6 =	sadd.s32 $0xC00, s4  }
0x4a: {  	[hbm4b:s6+s17] =	stream.strided.scatter [tilespmem:s20], [sflag:$0xA], $0x340, s18, s17, $0x38;
	[tilespmem:$0x9C00] =	vst v63  }
0x4b: {  	s16 =	rddreg [dreg:$0x9];
	s20 =	sadd.s32 $0xE00, s4  }
0x4c: {  	[hbm4b:s20+s17] =	stream.strided.scatter [tilespmem:s16], [sflag:$0xA], $0x340, s18, s17, $0x38;
	[tilespmem:$0x9C00] =	vst v63  }
0x4d: {  	_ =	swait.ge [sflag:s19], $0xD00  }
0x4e: {  	[sflag:s19] =	ssyncset.done $0x0  }
0x4f: {  	s6 =	sadd.s32 $0x1000, s4;
	[sflag:s19] =	ssyncadd.s32 $0xFFFFF300  }
0x50: {  	[hbm4b:s6+s17] =	stream.strided.scatter [tilespmem:s10], [sflag:$0xB], $0x340, s18, s17, $0x38;
	[tilespmem:$0x9C00] =	vst v63  }
0x51: {  	s8 =	rddreg [dreg:$0xa];
	s10 =	sadd.s32 $0x1200, s4  }
0x52: {  	[hbm4b:s10+s17] =	stream.strided.scatter [tilespmem:s8], [sflag:$0xB], $0x340, s18, s17, $0x38;
	[tilespmem:$0x9C00] =	vst v63  }
0x53: {  	s16 =	rddreg [dreg:$0xb];
	s19 =	sadd.s32 $0x1400, s4  }
0x54: {  	[hbm4b:s19+s17] =	stream.strided.scatter [tilespmem:s16], [sflag:$0xB], $0x340, s18, s17, $0x38;
	[tilespmem:$0x9C00] =	vst v63  }
0x55: {  	s20 =	rddreg [dreg:$0xc];
	s10 =	sadd.s32 $0x1600, s4  }
0x56: {  	[hbm4b:s10+s17] =	stream.strided.scatter [tilespmem:s20], [sflag:$0xB], $0x340, s18, s17, $0x38;
	[tilespmem:$0x9C00] =	vst v63  }
0x57: {  	_ =	swait.ge [sflag:s21], $0xD00  }
0x58: {  	[sflag:s21] =	ssyncset.done $0x0  }
0x59: {  	s16 =	sadd.s32 $0x1800, s4;
	[sflag:s21] =	ssyncadd.s32 $0xFFFFF300  }
0x5a: {  	[hbm4b:s16+s17] =	stream.strided.scatter [tilespmem:s11], [sflag:$0xC], $0x340, s18, s17, $0x38;
	[tilespmem:$0x9C00] =	vst v63  }
0x5b: {  	s20 =	sadd.s32 $0x1A00, s4;
	s19 =	rddreg [dreg:$0xd]  }
0x5c: {  	[hbm4b:s20+s17] =	stream.strided.scatter [tilespmem:s19], [sflag:$0xC], $0x340, s18, s17, $0x38;
	[tilespmem:$0x9C00] =	vst v63  }
0x5d: {  	s10 =	sadd.s32 $0x1C00, s4;
	s21 =	rddreg [dreg:$0xe]  }
0x5e: {  	[hbm4b:s10+s17] =	stream.strided.scatter [tilespmem:s21], [sflag:$0xC], $0x340, s18, s17, $0x38;
	[tilespmem:$0x9C00] =	vst v63  }
0x5f: {  	s11 =	rddreg [dreg:$0xf];
	s16 =	sadd.s32 $0x1E00, s4  }
0x60: {  	[hbm4b:s16+s17] =	stream.strided.scatter [tilespmem:s11], [sflag:$0xC], $0x340, s18, s17, $0x38;
	[tilespmem:$0x9C00] =	vst v63  }
0x61: {  	_ =	swait.ge [sflag:s22], $0xD00  }
0x62: {  	[sflag:s22] =	ssyncset.done $0x0  }
0x63: {  	s19 =	sadd.s32 $0x2000, s4;
	[sflag:s22] =	ssyncadd.s32 $0xFFFFF300  }
0x64: {  	[hbm4b:s19+s17] =	stream.strided.scatter [tilespmem:s12], [sflag:$0xD], $0x340, s18, s17, $0x38;
	[tilespmem:$0x9C00] =	vst v63  }
0x65: {  	s21 =	sadd.s32 $0x2200, s4;
	s20 =	rddreg [dreg:$0x10]  }
0x66: {  	[hbm4b:s21+s17] =	stream.strided.scatter [tilespmem:s20], [sflag:$0xD], $0x340, s18, s17, $0x38;
	[tilespmem:$0x9C00] =	vst v63  }
0x67: {  	s10 =	sadd.s32 $0x2400, s4;
	s22 =	rddreg [dreg:$0x11]  }
0x68: {  	[hbm4b:s10+s17] =	stream.strided.scatter [tilespmem:s22], [sflag:$0xD], $0x340, s18, s17, $0x38;
	[tilespmem:$0x9C00] =	vst v63  }
0x69: {  	s11 =	rddreg [dreg:$0x12];
	s12 =	sadd.s32 $0x2600, s4  }
0x6a: {  	[hbm4b:s12+s17] =	stream.strided.scatter [tilespmem:s11], [sflag:$0xD], $0x340, s18, s17, $0x38;
	[tilespmem:$0x9C00] =	vst v63  }
0x6b: {  	_ =	swait.ge [sflag:s23], $0xD00  }
0x6c: {  	[sflag:s23] =	ssyncset.done $0x0  }
0x6d: {  	s16 =	sadd.s32 $0x2800, s4;
	[sflag:s23] =	ssyncadd.s32 $0xFFFFF300  }
0x6e: {  	[hbm4b:s16+s17] =	stream.strided.scatter [tilespmem:s13], [sflag:$0xE], $0x340, s18, s17, $0x38;
	[tilespmem:$0x9C00] =	vst v63  }
0x6f: {  	s20 =	sadd.s32 $0x2A00, s4;
	s19 =	rddreg [dreg:$0x13]  }
0x70: {  	[hbm4b:s20+s17] =	stream.strided.scatter [tilespmem:s19], [sflag:$0xE], $0x340, s18, s17, $0x38;
	[tilespmem:$0x9C00] =	vst v63  }
0x71: {  	s22 =	sadd.s32 $0x2C00, s4;
	s21 =	rddreg [dreg:$0x14]  }
0x72: {  	[hbm4b:s22+s17] =	stream.strided.scatter [tilespmem:s21], [sflag:$0xE], $0x340, s18, s17, $0x38;
	[tilespmem:$0x9C00] =	vst v63  }
0x73: {  	s8 =	sadd.s32 $0x2E00, s4;
	s23 =	rddreg [dreg:$0x15]  }
0x74: {  	[hbm4b:s8+s17] =	stream.strided.scatter [tilespmem:s23], [sflag:$0xE], $0x340, s18, s17, $0x38;
	[tilespmem:$0x9C00] =	vst v63  }
0x75: {  	_ =	swait.ge [sflag:s24], $0xD00  }
0x76: {  	[sflag:s24] =	ssyncset.done $0x0  }
0x77: {  	s10 =	sadd.s32 $0x3000, s4;
	[sflag:s24] =	ssyncadd.s32 $0xFFFFF300  }
0x78: {  	[hbm4b:s10+s17] =	stream.strided.scatter [tilespmem:s14], [sflag:$0xF], $0x340, s18, s17, $0x38;
	[tilespmem:$0x9C00] =	vst v63  }
0x79: {  	s12 =	sadd.s32 $0x3200, s4;
	s11 =	rddreg [dreg:$0x16]  }
0x7a: {  	[hbm4b:s12+s17] =	stream.strided.scatter [tilespmem:s11], [sflag:$0xF], $0x340, s18, s17, $0x38;
	[tilespmem:$0x9C00] =	vst v63  }
0x7b: {  	s13 =	rddreg [dreg:$0x17];
	s14 =	sadd.s32 $0x3400, s4  }
0x7c: {  	[hbm4b:s14+s17] =	stream.strided.scatter [tilespmem:s13], [sflag:$0xF], $0x340, s18, s17, $0x38;
	[tilespmem:$0x9C00] =	vst v63  }
0x7d: {  	s19 =	sadd.s32 $0x3600, s4;
	s16 =	rddreg [dreg:$0x18]  }
0x7e: {  	[hbm4b:s19+s17] =	stream.strided.scatter [tilespmem:s16], [sflag:$0xF], $0x340, s18, s17, $0x38;
	[tilespmem:$0x9C00] =	vst v63  }
0x7f: {  	_ =	swait.ge [sflag:s25], $0xD00  }
0x80: {  	[sflag:s25] =	ssyncset.done $0x0  }
0x81: {  	s20 =	sadd.s32 $0x3800, s4;
	[sflag:s25] =	ssyncadd.s32 $0xFFFFF300  }
0x82: {  	[hbm4b:s20+s17] =	stream.strided.scatter [tilespmem:s15], [sflag:$0x10], $0x340, s18, s17, $0x38;
	[tilespmem:$0x9C00] =	vst v63  }
0x83: {  	s22 =	sadd.s32 $0x3A00, s4;
	s21 =	rddreg [dreg:$0x19]  }
0x84: {  	[hbm4b:s22+s17] =	stream.strided.scatter [tilespmem:s21], [sflag:$0x10], $0x340, s18, s17, $0x38;
	[tilespmem:$0x9C00] =	vst v63  }
0x85: {  	s24 =	sadd.s32 $0x3C00, s4;
	s23 =	rddreg [dreg:$0x1a]  }
0x86: {  	[hbm4b:s24+s17] =	stream.strided.scatter [tilespmem:s23], [sflag:$0x10], $0x340, s18, s17, $0x38;
	[tilespmem:$0x9C00] =	vst v63  }
0x87: {  	s4 =	sadd.s32 $0x3E00, s4;
	s25 =	rddreg [dreg:$0x1b]  }
0x88: {  	[hbm4b:s4+s17] =	stream.strided.scatter [tilespmem:s25], [sflag:$0x10], $0x340, s18, s17, $0x38;
	[tilespmem:$0x9C00] =	vst v63  }
0x89: {  	_ =	swait.ge [sflag:s26], $0x340  }
0x8a: {  	[sflag:s26] =	ssyncset.done $0x0  }
0x8b: {  	[sflag:s26] =	ssyncadd.s32 $0xFFFFFCC0  }
0x8c: {  	_ =	swait.ge [sflag:s26], $0x340  }
0x8d: {  	[sflag:s26] =	ssyncset.done $0x0  }
0x8e: {  	[sflag:s26] =	ssyncadd.s32 $0xFFFFFCC0  }
0x8f: {  	_ =	swait.ge [sflag:s26], $0x340  }
0x90: {  	[sflag:s26] =	ssyncset.done $0x0  }
0x91: {  	[sflag:s26] =	ssyncadd.s32 $0xFFFFFCC0  }
0x92: {  	_ =	swait.ge [sflag:s26], $0x340  }
0x93: {  	[sflag:s26] =	ssyncset.done $0x0  }
0x94: {  	[sflag:s26] =	ssyncadd.s32 $0xFFFFFCC0  }
0x95: {  	_ =	swait.ge [sflag:s28], $0x340  }
0x96: {  	[sflag:s28] =	ssyncset.done $0x0  }
0x97: {  	[sflag:s28] =	ssyncadd.s32 $0xFFFFFCC0  }
0x98: {  	_ =	swait.ge [sflag:s28], $0x340  }
0x99: {  	[sflag:s28] =	ssyncset.done $0x0  }
0x9a: {  	[sflag:s28] =	ssyncadd.s32 $0xFFFFFCC0  }
0x9b: {  	_ =	swait.ge [sflag:s28], $0x340  }
0x9c: {  	[sflag:s28] =	ssyncset.done $0x0  }
0x9d: {  	[sflag:s28] =	ssyncadd.s32 $0xFFFFFCC0  }
0x9e: {  	_ =	swait.ge [sflag:s28], $0x340  }
0x9f: {  	[sflag:s28] =	ssyncset.done $0x0  }
0xa0: {  	[sflag:s28] =	ssyncadd.s32 $0xFFFFFCC0  }
0xa1: {  	_ =	swait.ge [sflag:s29], $0x340  }
0xa2: {  	[sflag:s29] =	ssyncset.done $0x0  }
0xa3: {  	[sflag:s29] =	ssyncadd.s32 $0xFFFFFCC0  }
0xa4: {  	_ =	swait.ge [sflag:s29], $0x340  }
0xa5: {  	[sflag:s29] =	ssyncset.done $0x0  }
0xa6: {  	[sflag:s29] =	ssyncadd.s32 $0xFFFFFCC0  }
0xa7: {  	_ =	swait.ge [sflag:s29], $0x340  }
0xa8: {  	[sflag:s29] =	ssyncset.done $0x0  }
0xa9: {  	[sflag:s29] =	ssyncadd.s32 $0xFFFFFCC0  }
0xaa: {  	_ =	swait.ge [sflag:s29], $0x340  }
0xab: {  	[sflag:s29] =	ssyncset.done $0x0  }
0xac: {  	[sflag:s29] =	ssyncadd.s32 $0xFFFFFCC0  }
0xad: {  	_ =	swait.ge [sflag:s30], $0x340  }
0xae: {  	[sflag:s30] =	ssyncset.done $0x0  }
0xaf: {  	[sflag:s30] =	ssyncadd.s32 $0xFFFFFCC0  }
0xb0: {  	_ =	swait.ge [sflag:s30], $0x340  }
0xb1: {  	[sflag:s30] =	ssyncset.done $0x0  }
0xb2: {  	[sflag:s30] =	ssyncadd.s32 $0xFFFFFCC0  }
0xb3: {  	_ =	swait.ge [sflag:s30], $0x340  }
0xb4: {  	[sflag:s30] =	ssyncset.done $0x0  }
0xb5: {  	[sflag:s30] =	ssyncadd.s32 $0xFFFFFCC0  }
0xb6: {  	_ =	swait.ge [sflag:s30], $0x340  }
0xb7: {  	[sflag:s30] =	ssyncset.done $0x0  }
0xb8: {  	[sflag:s30] =	ssyncadd.s32 $0xFFFFFCC0  }
0xb9: {  	_ =	swait.ge [sflag:s31], $0x340  }
0xba: {  	[sflag:s31] =	ssyncset.done $0x0  }
0xbb: {  	[sflag:s31] =	ssyncadd.s32 $0xFFFFFCC0  }
0xbc: {  	_ =	swait.ge [sflag:s31], $0x340  }
0xbd: {  	[sflag:s31] =	ssyncset.done $0x0  }
0xbe: {  	[sflag:s31] =	ssyncadd.s32 $0xFFFFFCC0  }
0xbf: {  	_ =	swait.ge [sflag:s31], $0x340  }
0xc0: {  	[sflag:s31] =	ssyncset.done $0x0  }
0xc1: {  	[sflag:s31] =	ssyncadd.s32 $0xFFFFFCC0  }
0xc2: {  	_ =	swait.ge [sflag:s31], $0x340  }
0xc3: {  	[sflag:s31] =	ssyncset.done $0x0  }
0xc4: {  	[sflag:s31] =	ssyncadd.s32 $0xFFFFFCC0  }
0xc5: {  	_ =	swait.ge [sflag:s0], $0x340  }
0xc6: {  	[sflag:s0] =	ssyncset.done $0x0  }
0xc7: {  	[sflag:s0] =	ssyncadd.s32 $0xFFFFFCC0  }
0xc8: {  	_ =	swait.ge [sflag:s0], $0x340  }
0xc9: {  	[sflag:s0] =	ssyncset.done $0x0  }
0xca: {  	[sflag:s0] =	ssyncadd.s32 $0xFFFFFCC0  }
0xcb: {  	_ =	swait.ge [sflag:s0], $0x340  }
0xcc: {  	[sflag:s0] =	ssyncset.done $0x0  }
0xcd: {  	[sflag:s0] =	ssyncadd.s32 $0xFFFFFCC0  }
0xce: {  	_ =	swait.ge [sflag:s0], $0x340  }
0xcf: {  	[sflag:s0] =	ssyncset.done $0x0  }
0xd0: {  	[sflag:s0] =	ssyncadd.s32 $0xFFFFFCC0  }
0xd1: {  	_ =	swait.ge [sflag:s1], $0x340  }
0xd2: {  	[sflag:s1] =	ssyncset.done $0x0  }
0xd3: {  	[sflag:s1] =	ssyncadd.s32 $0xFFFFFCC0  }
0xd4: {  	_ =	swait.ge [sflag:s1], $0x340  }
0xd5: {  	[sflag:s1] =	ssyncset.done $0x0  }
0xd6: {  	[sflag:s1] =	ssyncadd.s32 $0xFFFFFCC0  }
0xd7: {  	_ =	swait.ge [sflag:s1], $0x340  }
0xd8: {  	[sflag:s1] =	ssyncset.done $0x0  }
0xd9: {  	[sflag:s1] =	ssyncadd.s32 $0xFFFFFCC0  }
0xda: {  	_ =	swait.ge [sflag:s1], $0x340  }
0xdb: {  	[sflag:s1] =	ssyncset.done $0x0  }
0xdc: {  	[sflag:s1] =	ssyncadd.s32 $0xFFFFFCC0  }
0xdd: {  	_ =	swait.ge [sflag:s2], $0x340  }
0xde: {  	[sflag:s2] =	ssyncset.done $0x0  }
0xdf: {  	[sflag:s2] =	ssyncadd.s32 $0xFFFFFCC0  }
0xe0: {  	_ =	swait.ge [sflag:s2], $0x340  }
0xe1: {  	[sflag:s2] =	ssyncset.done $0x0  }
0xe2: {  	[sflag:s2] =	ssyncadd.s32 $0xFFFFFCC0  }
0xe3: {  	_ =	swait.ge [sflag:s2], $0x340  }
0xe4: {  	s5 =	simm.s32 $0x4000;
	s6 =	simm.s32 $0x0;
	[sflag:s2] =	ssyncset.done $0x0  }
0xe5: {  	s12 =	simm.s32 $0x7;
	s21 =	simm.s32 $0x2;
	[sflag:s2] =	ssyncadd.s32 $0xFFFFFCC0  }
0xe6: {  	s22 =	simm.s32 $0x3;
	s23 =	simm.s32 $0x4;
	_ =	swait.ge [sflag:s2], $0x340  }
0xe7: {  	s24 =	simm.s32 $0x5;
	s25 =	simm.s32 $0x6;
	[sflag:s2] =	ssyncset.done $0x0  }
.LBB2_2:
0xe8: {  	[sflag:s2] =	ssyncadd.s32 $0xFFFFFCC0;
	s6 =	sadd.s32 $0x340, s6  }
0xe9: {  	[tilespmem:s9], [sflag:$0x1] =	stream.indirect.gather [hbm4b:s3+s7], $0x20, s6, s7, $0xb8;
	[tilespmem:$0x9C00] =	vst v63  }
0xea: {  	s16 =	simm.s32 $0x4100;
	s4 =	sadd.s32 $0x68, s6  }
0xeb: {  	[tilespmem:s16], [sflag:$0x2] =	stream.indirect.gather [hbm4b:s3+s7], $0x20, s4, s7, $0xb8;
	[tilespmem:$0x9C00] =	vst v63  }
0xec: {  	s14 =	simm.s32 $0x4E00;
	s19 =	sadd.s32 $0xD0, s6  }
0xed: {  	[tilespmem:s14], [sflag:$0x3] =	stream.indirect.gather [hbm4b:s3+s7], $0x20, s19, s7, $0xb8;
	[tilespmem:$0x9C00] =	vst v63  }
0xee: {  	s15 =	simm.s32 $0x5B00;
	s20 =	sadd.s32 $0x138, s6  }
0xef: {  	[tilespmem:s15], [sflag:$0x4] =	stream.indirect.gather [hbm4b:s3+s7], $0x20, s20, s7, $0xb8;
	[tilespmem:$0x9C00] =	vst v63  }
0xf0: {  	s13 =	simm.s32 $0x6800;
	s10 =	sadd.s32 $0x1A0, s6  }
0xf1: {  	[tilespmem:s13], [sflag:$0x5] =	stream.indirect.gather [hbm4b:s3+s7], $0x20, s10, s7, $0xb8;
	[tilespmem:$0x9C00] =	vst v63  }
0xf2: {  	s11 =	sadd.s32 $0x208, s6;
	s19 =	simm.s32 $0x7500  }
0xf3: {  	[tilespmem:s19], [sflag:$0x6] =	stream.indirect.gather [hbm4b:s3+s7], $0x20, s11, s7, $0xb8;
	[tilespmem:$0x9C00] =	vst v63  }
0xf4: {  	s20 =	sadd.s32 $0x270, s6;
	s11 =	simm.s32 $0x8200  }
0xf5: {  	[tilespmem:s11], [sflag:$0x7] =	stream.indirect.gather [hbm4b:s3+s7], $0x20, s20, s7, $0xb8;
	[tilespmem:$0x9C00] =	vst v63  }
0xf6: {  	s10 =	sadd.s32 $0x2D8, s6;
	s20 =	simm.s32 $0x8F00  }
0xf7: {  	[tilespmem:s20], [sflag:$0x8] =	stream.indirect.gather [hbm4b:s3+s7], $0x20, s10, s7, $0xb8;
	[tilespmem:$0x9C00] =	vst v63  }
0xf8: {  	s10 =	simm.s32 $0x1  }
0xf9: {  	_ =	swait.ge [sflag:s10], $0xD00  }
0xfa: {  	s8 =	smov.u32 s5;
	s4 =	rddreg [dreg:$0x3];
	[sflag:s10] =	ssyncset.done $0x0  }
0xfb: {  	[sflag:s10] =	ssyncadd.s32 $0xFFFFF300;
	s4 =	sadd.s32 s8, s4  }
0xfc: {  	[hbm4b:s4+s17] =	stream.strided.scatter [tilespmem:s9], [sflag:$0x9], $0x340, s18, s17, $0x38;
	[tilespmem:$0x9C00] =	vst v63  }
0xfd: {  	s8 =	rddreg [dreg:$0x4];
	s9 =	sadd.s32 $0x200, s4  }
0xfe: {  	[hbm4b:s9+s17] =	stream.strided.scatter [tilespmem:s8], [sflag:$0x9], $0x340, s18, s17, $0x38;
	[tilespmem:$0x9C00] =	vst v63  }
0xff: {  	s10 =	rddreg [dreg:$0x5];
	s8 =	sadd.s32 $0x400, s4  }
0x100: {  	[hbm4b:s8+s17] =	stream.strided.scatter [tilespmem:s10], [sflag:$0x9], $0x340, s18, s17, $0x38;
	[tilespmem:$0x9C00] =	vst v63  }
0x101: {  	s9 =	rddreg [dreg:$0x6];
	s10 =	sadd.s32 $0x600, s4  }
0x102: {  	[hbm4b:s10+s17] =	stream.strided.scatter [tilespmem:s9], [sflag:$0x9], $0x340, s18, s17, $0x38;
	[tilespmem:$0x9C00] =	vst v63  }
0x103: {  	_ =	swait.ge [sflag:s21], $0xD00  }
0x104: {  	[sflag:s21] =	ssyncset.done $0x0  }
0x105: {  	s10 =	sadd.s32 $0x800, s4;
	[sflag:s21] =	ssyncadd.s32 $0xFFFFF300  }
0x106: {  	[hbm4b:s10+s17] =	stream.strided.scatter [tilespmem:s16], [sflag:$0xA], $0x340, s18, s17, $0x38;
	[tilespmem:$0x9C00] =	vst v63  }
0x107: {  	s9 =	rddreg [dreg:$0x7];
	s16 =	sadd.s32 $0xA00, s4  }
0x108: {  	[hbm4b:s16+s17] =	stream.strided.scatter [tilespmem:s9], [sflag:$0xA], $0x340, s18, s17, $0x38;
	[tilespmem:$0x9C00] =	vst v63  }
0x109: {  	s10 =	rddreg [dreg:$0x8];
	s16 =	sadd.s32 $0xC00, s4  }
0x10a: {  	[hbm4b:s16+s17] =	stream.strided.scatter [tilespmem:s10], [sflag:$0xA], $0x340, s18, s17, $0x38;
	[tilespmem:$0x9C00] =	vst v63  }
0x10b: {  	s9 =	rddreg [dreg:$0x9];
	s16 =	sadd.s32 $0xE00, s4  }
0x10c: {  	[hbm4b:s16+s17] =	stream.strided.scatter [tilespmem:s9], [sflag:$0xA], $0x340, s18, s17, $0x38;
	[tilespmem:$0x9C00] =	vst v63  }
0x10d: {  	_ =	swait.ge [sflag:s22], $0xD00  }
0x10e: {  	[sflag:s22] =	ssyncset.done $0x0  }
0x10f: {  	s10 =	sadd.s32 $0x1000, s4;
	[sflag:s22] =	ssyncadd.s32 $0xFFFFF300  }
0x110: {  	[hbm4b:s10+s17] =	stream.strided.scatter [tilespmem:s14], [sflag:$0xB], $0x340, s18, s17, $0x38;
	[tilespmem:$0x9C00] =	vst v63  }
0x111: {  	s16 =	sadd.s32 $0x1200, s4;
	s9 =	rddreg [dreg:$0xa]  }
0x112: {  	[hbm4b:s16+s17] =	stream.strided.scatter [tilespmem:s9], [sflag:$0xB], $0x340, s18, s17, $0x38;
	[tilespmem:$0x9C00] =	vst v63  }
0x113: {  	s10 =	rddreg [dreg:$0xb];
	s14 =	sadd.s32 $0x1400, s4  }
0x114: {  	[hbm4b:s14+s17] =	stream.strided.scatter [tilespmem:s10], [sflag:$0xB], $0x340, s18, s17, $0x38;
	[tilespmem:$0x9C00] =	vst v63  }
0x115: {  	s16 =	rddreg [dreg:$0xc];
	s10 =	sadd.s32 $0x1600, s4  }
0x116: {  	[hbm4b:s10+s17] =	stream.strided.scatter [tilespmem:s16], [sflag:$0xB], $0x340, s18, s17, $0x38;
	[tilespmem:$0x9C00] =	vst v63  }
0x117: {  	_ =	swait.ge [sflag:s23], $0xD00  }
0x118: {  	[sflag:s23] =	ssyncset.done $0x0  }
0x119: {  	s14 =	sadd.s32 $0x1800, s4;
	[sflag:s23] =	ssyncadd.s32 $0xFFFFF300  }
0x11a: {  	[hbm4b:s14+s17] =	stream.strided.scatter [tilespmem:s15], [sflag:$0xC], $0x340, s18, s17, $0x38;
	[tilespmem:$0x9C00] =	vst v63  }
0x11b: {  	s10 =	sadd.s32 $0x1A00, s4;
	s16 =	rddreg [dreg:$0xd]  }
0x11c: {  	[hbm4b:s10+s17] =	stream.strided.scatter [tilespmem:s16], [sflag:$0xC], $0x340, s18, s17, $0x38;
	[tilespmem:$0x9C00] =	vst v63  }
0x11d: {  	s14 =	rddreg [dreg:$0xe];
	s15 =	sadd.s32 $0x1C00, s4  }
0x11e: {  	[hbm4b:s15+s17] =	stream.strided.scatter [tilespmem:s14], [sflag:$0xC], $0x340, s18, s17, $0x38;
	[tilespmem:$0x9C00] =	vst v63  }
0x11f: {  	s16 =	rddreg [dreg:$0xf];
	s14 =	sadd.s32 $0x1E00, s4  }
0x120: {  	[hbm4b:s14+s17] =	stream.strided.scatter [tilespmem:s16], [sflag:$0xC], $0x340, s18, s17, $0x38;
	[tilespmem:$0x9C00] =	vst v63  }
0x121: {  	_ =	swait.ge [sflag:s24], $0xD00  }
0x122: {  	[sflag:s24] =	ssyncset.done $0x0  }
0x123: {  	s15 =	sadd.s32 $0x2000, s4;
	[sflag:s24] =	ssyncadd.s32 $0xFFFFF300  }
0x124: {  	[hbm4b:s15+s17] =	stream.strided.scatter [tilespmem:s13], [sflag:$0xD], $0x340, s18, s17, $0x38;
	[tilespmem:$0x9C00] =	vst v63  }
0x125: {  	s10 =	sadd.s32 $0x2200, s4;
	s16 =	rddreg [dreg:$0x10]  }
0x126: {  	[hbm4b:s10+s17] =	stream.strided.scatter [tilespmem:s16], [sflag:$0xD], $0x340, s18, s17, $0x38;
	[tilespmem:$0x9C00] =	vst v63  }
0x127: {  	s14 =	sadd.s32 $0x2400, s4;
	s13 =	rddreg [dreg:$0x11]  }
0x128: {  	[hbm4b:s14+s17] =	stream.strided.scatter [tilespmem:s13], [sflag:$0xD], $0x340, s18, s17, $0x38;
	[tilespmem:$0x9C00] =	vst v63  }
0x129: {  	s15 =	rddreg [dreg:$0x12];
	s16 =	sadd.s32 $0x2600, s4  }
0x12a: {  	[hbm4b:s16+s17] =	stream.strided.scatter [tilespmem:s15], [sflag:$0xD], $0x340, s18, s17, $0x38;
	[tilespmem:$0x9C00] =	vst v63  }
0x12b: {  	_ =	swait.ge [sflag:s25], $0xD00  }
0x12c: {  	[sflag:s25] =	ssyncset.done $0x0  }
0x12d: {  	s9 =	sadd.s32 $0x2800, s4;
	[sflag:s25] =	ssyncadd.s32 $0xFFFFF300  }
0x12e: {  	[hbm4b:s9+s17] =	stream.strided.scatter [tilespmem:s19], [sflag:$0xE], $0x340, s18, s17, $0x38;
	[tilespmem:$0x9C00] =	vst v63  }
0x12f: {  	s13 =	sadd.s32 $0x2A00, s4;
	s10 =	rddreg [dreg:$0x13]  }
0x130: {  	[hbm4b:s13+s17] =	stream.strided.scatter [tilespmem:s10], [sflag:$0xE], $0x340, s18, s17, $0x38;
	[tilespmem:$0x9C00] =	vst v63  }
0x131: {  	s15 =	sadd.s32 $0x2C00, s4;
	s14 =	rddreg [dreg:$0x14]  }
0x132: {  	[hbm4b:s15+s17] =	stream.strided.scatter [tilespmem:s14], [sflag:$0xE], $0x340, s18, s17, $0x38;
	[tilespmem:$0x9C00] =	vst v63  }
0x133: {  	s16 =	rddreg [dreg:$0x15];
	s19 =	sadd.s32 $0x2E00, s4  }
0x134: {  	[hbm4b:s19+s17] =	stream.strided.scatter [tilespmem:s16], [sflag:$0xE], $0x340, s18, s17, $0x38;
	[tilespmem:$0x9C00] =	vst v63  }
0x135: {  	_ =	swait.ge [sflag:s12], $0xD00  }
0x136: {  	[sflag:s12] =	ssyncset.done $0x0  }
0x137: {  	s10 =	sadd.s32 $0x3000, s4;
	[sflag:s12] =	ssyncadd.s32 $0xFFFFF300  }
0x138: {  	[hbm4b:s10+s17] =	stream.strided.scatter [tilespmem:s11], [sflag:$0xF], $0x340, s18, s17, $0x38;
	[tilespmem:$0x9C00] =	vst v63  }
0x139: {  	s14 =	sadd.s32 $0x3200, s4;
	s13 =	rddreg [dreg:$0x16]  }
0x13a: {  	[hbm4b:s14+s17] =	stream.strided.scatter [tilespmem:s13], [sflag:$0xF], $0x340, s18, s17, $0x38;
	[tilespmem:$0x9C00] =	vst v63  }
0x13b: {  	s16 =	sadd.s32 $0x3400, s4;
	s15 =	rddreg [dreg:$0x17]  }
0x13c: {  	[hbm4b:s16+s17] =	stream.strided.scatter [tilespmem:s15], [sflag:$0xF], $0x340, s18, s17, $0x38;
	[tilespmem:$0x9C00] =	vst v63  }
0x13d: {  	s19 =	rddreg [dreg:$0x18];
	s10 =	sadd.s32 $0x3600, s4;
	s11 =	simm.s32 $0x8  }
0x13e: {  	[hbm4b:s10+s17] =	stream.strided.scatter [tilespmem:s19], [sflag:$0xF], $0x340, s18, s17, $0x38;
	[tilespmem:$0x9C00] =	vst v63  }
0x13f: {  	_ =	swait.ge [sflag:s11], $0xD00  }
0x140: {  	[sflag:s11] =	ssyncset.done $0x0  }
0x141: {  	s13 =	sadd.s32 $0x3800, s4;
	[sflag:s11] =	ssyncadd.s32 $0xFFFFF300  }
0x142: {  	[hbm4b:s13+s17] =	stream.strided.scatter [tilespmem:s20], [sflag:$0x10], $0x340, s18, s17, $0x38;
	[tilespmem:$0x9C00] =	vst v63  }
0x143: {  	s15 =	sadd.s32 $0x3A00, s4;
	s14 =	rddreg [dreg:$0x19]  }
0x144: {  	[hbm4b:s15+s17] =	stream.strided.scatter [tilespmem:s14], [sflag:$0x10], $0x340, s18, s17, $0x38;
	[tilespmem:$0x9C00] =	vst v63  }
0x145: {  	s19 =	sadd.s32 $0x3C00, s4;
	s16 =	rddreg [dreg:$0x1a]  }
0x146: {  	[hbm4b:s19+s17] =	stream.strided.scatter [tilespmem:s16], [sflag:$0x10], $0x340, s18, s17, $0x38;
	[tilespmem:$0x9C00] =	vst v63  }
0x147: {  	s4 =	sadd.s32 $0x3E00, s4;
	s20 =	rddreg [dreg:$0x1b]  }
0x148: {  	[hbm4b:s4+s17] =	stream.strided.scatter [tilespmem:s20], [sflag:$0x10], $0x340, s18, s17, $0x38;
	[tilespmem:$0x9C00] =	vst v63  }
0x149: {  	_ =	swait.ge [sflag:s26], $0x340  }
0x14a: {  	[sflag:s26] =	ssyncset.done $0x0  }
0x14b: {  	[sflag:s26] =	ssyncadd.s32 $0xFFFFFCC0  }
0x14c: {  	_ =	swait.ge [sflag:s26], $0x340  }
0x14d: {  	[sflag:s26] =	ssyncset.done $0x0  }
0x14e: {  	[sflag:s26] =	ssyncadd.s32 $0xFFFFFCC0  }
0x14f: {  	_ =	swait.ge [sflag:s26], $0x340  }
0x150: {  	[sflag:s26] =	ssyncset.done $0x0  }
0x151: {  	[sflag:s26] =	ssyncadd.s32 $0xFFFFFCC0  }
0x152: {  	_ =	swait.ge [sflag:s26], $0x340  }
0x153: {  	[sflag:s26] =	ssyncset.done $0x0  }
0x154: {  	[sflag:s26] =	ssyncadd.s32 $0xFFFFFCC0  }
0x155: {  	_ =	swait.ge [sflag:s28], $0x340  }
0x156: {  	[sflag:s28] =	ssyncset.done $0x0  }
0x157: {  	[sflag:s28] =	ssyncadd.s32 $0xFFFFFCC0  }
0x158: {  	_ =	swait.ge [sflag:s28], $0x340  }
0x159: {  	[sflag:s28] =	ssyncset.done $0x0  }
0x15a: {  	[sflag:s28] =	ssyncadd.s32 $0xFFFFFCC0  }
0x15b: {  	_ =	swait.ge [sflag:s28], $0x340  }
0x15c: {  	[sflag:s28] =	ssyncset.done $0x0  }
0x15d: {  	[sflag:s28] =	ssyncadd.s32 $0xFFFFFCC0  }
0x15e: {  	_ =	swait.ge [sflag:s28], $0x340  }
0x15f: {  	[sflag:s28] =	ssyncset.done $0x0  }
0x160: {  	[sflag:s28] =	ssyncadd.s32 $0xFFFFFCC0  }
0x161: {  	_ =	swait.ge [sflag:s29], $0x340  }
0x162: {  	[sflag:s29] =	ssyncset.done $0x0  }
0x163: {  	[sflag:s29] =	ssyncadd.s32 $0xFFFFFCC0  }
0x164: {  	_ =	swait.ge [sflag:s29], $0x340  }
0x165: {  	[sflag:s29] =	ssyncset.done $0x0  }
0x166: {  	[sflag:s29] =	ssyncadd.s32 $0xFFFFFCC0  }
0x167: {  	_ =	swait.ge [sflag:s29], $0x340  }
0x168: {  	[sflag:s29] =	ssyncset.done $0x0  }
0x169: {  	[sflag:s29] =	ssyncadd.s32 $0xFFFFFCC0  }
0x16a: {  	_ =	swait.ge [sflag:s29], $0x340  }
0x16b: {  	[sflag:s29] =	ssyncset.done $0x0  }
0x16c: {  	[sflag:s29] =	ssyncadd.s32 $0xFFFFFCC0  }
0x16d: {  	_ =	swait.ge [sflag:s30], $0x340  }
0x16e: {  	[sflag:s30] =	ssyncset.done $0x0  }
0x16f: {  	[sflag:s30] =	ssyncadd.s32 $0xFFFFFCC0  }
0x170: {  	_ =	swait.ge [sflag:s30], $0x340  }
0x171: {  	[sflag:s30] =	ssyncset.done $0x0  }
0x172: {  	[sflag:s30] =	ssyncadd.s32 $0xFFFFFCC0  }
0x173: {  	_ =	swait.ge [sflag:s30], $0x340  }
0x174: {  	[sflag:s30] =	ssyncset.done $0x0  }
0x175: {  	[sflag:s30] =	ssyncadd.s32 $0xFFFFFCC0  }
0x176: {  	_ =	swait.ge [sflag:s30], $0x340  }
0x177: {  	[sflag:s30] =	ssyncset.done $0x0  }
0x178: {  	[sflag:s30] =	ssyncadd.s32 $0xFFFFFCC0  }
0x179: {  	_ =	swait.ge [sflag:s31], $0x340  }
0x17a: {  	[sflag:s31] =	ssyncset.done $0x0  }
0x17b: {  	[sflag:s31] =	ssyncadd.s32 $0xFFFFFCC0  }
0x17c: {  	_ =	swait.ge [sflag:s31], $0x340  }
0x17d: {  	[sflag:s31] =	ssyncset.done $0x0  }
0x17e: {  	[sflag:s31] =	ssyncadd.s32 $0xFFFFFCC0  }
0x17f: {  	_ =	swait.ge [sflag:s31], $0x340  }
0x180: {  	[sflag:s31] =	ssyncset.done $0x0  }
0x181: {  	[sflag:s31] =	ssyncadd.s32 $0xFFFFFCC0  }
0x182: {  	_ =	swait.ge [sflag:s31], $0x340  }
0x183: {  	[sflag:s31] =	ssyncset.done $0x0  }
0x184: {  	[sflag:s31] =	ssyncadd.s32 $0xFFFFFCC0  }
0x185: {  	_ =	swait.ge [sflag:s0], $0x340  }
0x186: {  	[sflag:s0] =	ssyncset.done $0x0  }
0x187: {  	[sflag:s0] =	ssyncadd.s32 $0xFFFFFCC0  }
0x188: {  	_ =	swait.ge [sflag:s0], $0x340  }
0x189: {  	[sflag:s0] =	ssyncset.done $0x0  }
0x18a: {  	[sflag:s0] =	ssyncadd.s32 $0xFFFFFCC0  }
0x18b: {  	_ =	swait.ge [sflag:s0], $0x340  }
0x18c: {  	[sflag:s0] =	ssyncset.done $0x0  }
0x18d: {  	[sflag:s0] =	ssyncadd.s32 $0xFFFFFCC0  }
0x18e: {  	_ =	swait.ge [sflag:s0], $0x340  }
0x18f: {  	[sflag:s0] =	ssyncset.done $0x0  }
0x190: {  	[sflag:s0] =	ssyncadd.s32 $0xFFFFFCC0  }
0x191: {  	_ =	swait.ge [sflag:s1], $0x340  }
0x192: {  	[sflag:s1] =	ssyncset.done $0x0  }
0x193: {  	[sflag:s1] =	ssyncadd.s32 $0xFFFFFCC0  }
0x194: {  	_ =	swait.ge [sflag:s1], $0x340  }
0x195: {  	[sflag:s1] =	ssyncset.done $0x0  }
0x196: {  	[sflag:s1] =	ssyncadd.s32 $0xFFFFFCC0  }
0x197: {  	_ =	swait.ge [sflag:s1], $0x340  }
0x198: {  	[sflag:s1] =	ssyncset.done $0x0  }
0x199: {  	[sflag:s1] =	ssyncadd.s32 $0xFFFFFCC0  }
0x19a: {  	_ =	swait.ge [sflag:s1], $0x340  }
0x19b: {  	[sflag:s1] =	ssyncset.done $0x0  }
0x19c: {  	[sflag:s1] =	ssyncadd.s32 $0xFFFFFCC0  }
0x19d: {  	_ =	swait.ge [sflag:s2], $0x340  }
0x19e: {  	[sflag:s2] =	ssyncset.done $0x0  }
0x19f: {  	[sflag:s2] =	ssyncadd.s32 $0xFFFFFCC0  }
0x1a0: {  	_ =	swait.ge [sflag:s2], $0x340  }
0x1a1: {  	[sflag:s2] =	ssyncset.done $0x0  }
0x1a2: {  	p0 =	sne.s32 s5, $0x3C000;
	[sflag:s2] =	ssyncadd.s32 $0xFFFFFCC0  }
.Ltmp0:
0x1a3: {  	_ =	swait.ge [sflag:s2], $0x340;
	(pc) =	sbr.rel @p0 .LBB2_2-.Ltmp0, $4  }
0x1a4: {  	[sflag:s2] =	ssyncset.done $0x0  }
0x1a5: {  	[sflag:s2] =	ssyncadd.s32 $0xFFFFFCC0  }
0x1a6: {  	_ =	swait.ge [sflag:s2], $0x340  }
0x1a7: {  	s5 =	sadd.s32 $0x4000, s5;
	s9 =	simm.s32 $0x3400;
	[sflag:s2] =	ssyncset.done $0x0  }
0x1a8: {  	s5 =	rddreg [dreg:$0x1e]  }
0x1a9: {  	s4 =	rddreg [dreg:$0x1d];
	s5 =	sadd.s32 $0x1, s5  }
0x1aa: {  	[sflag:s2] =	ssyncadd.s32 $0xFFFFFCC0;
	s8 =	simm.s32 $0x4100;
	p0 =	sne.s32 s5, s4  }
.Ltmp1:
0x1ab: {  	s10 =	simm.s32 $0x4E00;
	s11 =	simm.s32 $0x5B00;
	(pc) =	sbr.rel @p0 .LBB2_1-.Ltmp1, $4  }
0x1ac: {  	s12 =	simm.s32 $0x6800;
	s13 =	simm.s32 $0x7500;
	s14 =	simm.s32 $0x8200  }
0x1ad: {  	s15 =	simm.s32 $0x8F00;
	s6 =	simm.s32 $0x1;
	s16 =	simm.s32 $0x2  }
0x1ae: {  	s19 =	simm.s32 $0x3;
	s21 =	simm.s32 $0x4;
	s22 =	simm.s32 $0x5  }
0x1af: {  	s23 =	simm.s32 $0x6;
	s24 =	simm.s32 $0x7;
	s25 =	simm.s32 $0x8  }
0x1b0: {  	_ =	sfence.sel $0x180000  }
0x1b1: {  	[bflag:$0x0] =	sbarrier.arrive $0xFFFF  }
0x1b2: {  	_ =	strace $0x90000047  }
0x1b3: {  	s0 =	stileid.u32;
	[bflag:$0x2] =	sbarrier.arrive $0xFFFF  }
0x1b4: {  	p0 =	sne.s32 s0, $0x0;
	s0 =	rddreg [dreg:$0x2]  }
0x1b5: {  	s0 =	sadd.s32 @!p0 $0x100000, s0  }
0x1b6: {  	[sflag:s0] =	ssyncadd.tile.s32 @!p0 $0x1;
	_ =	shalt  }
.Lfunc_end2:
_tile_overlayer_lowered:
.L_overlay_start_2:
0x1b7: {  	(tag) =	ssettag $0x2  }
0x1b8: {  	s0 =	rddreg [dreg:$0x0];
	s2 =	stileid.u32  }
0x1b9: {  	s1 =	rddreg [dreg:$0x1];
	p0 =	sne.s32 s2, $0x0  }
0x1ba: {  	s3 =	rddreg [dreg:$0x2];
	[bflag:$0x3] =	sbarrier.arrive $0xFFFF;
	s2 =	simm.s32 @!p0 $0x1C11  }
0x1bb: {  	[timem:s3], [sflag:s2] =	dma.local @!p0 [hbm:s0], s1  }
0x1bc: {  	s0 =	simm.s32 @!p0 $0x11  }
0x1bd: {  	_ =	swait.ge @!p0 [sflag:s0], s1  }
0x1be: {  	s1 =	ssub.s32 @!p0 $0x0, s1;
	[sflag:s0] =	ssyncset.done @!p0 $0x0  }
0x1bf: {  	[sflag:s0] =	ssyncadd.s32 @!p0 s1  }
0x1c0: {  	[bflag:$0x3] =	sbarrier.arrive $0xFFFF  }
0x1c1: {  	_ =	shalt  }

// kernel: sparse-core-data-format-call.cloned.1.call-start
scs
called_computation_lowered:
.L_overlay_start_0:
0x0: {  	s2 =	sld [smem:$0x3FD9]  }
0x1: {  	s3 =	sld [smem:$0x3FFE];
	_ =	sdelay $0x1  }
0x2: {  	s1 =	srdreg.scid  }
0x3: {  	s0 =	sand.u32 $0x1, s1  }
0x4: {  	s18 =	sshll.u32 s0, $0xA;
	s2 =	sadd.s32 s3, s2  }
0x5: {  	s2 =	sadd.s32 s2, s18  }
0x6: {  	[smem:$0x3FC6] =	sst s2  }
0x7: {  	_ = 	snop  }
0x8: {  	s2 =	sld [smem:$0x3FD0];
	(tm) =	ssettm $0x1  }
0x9: {  	s19 =	sld [smem:$0x3FFB];
	_ =	sdelay $0x3  }
0xa: {  	_ =	strace s19  }
0xb: {  	s3 =	sld [smem:$0x3FFC];
	_ =	sdelay $0x3  }
0xc: {  	_ =	strace s3  }
0xd: {  	s3 =	sld [smem:$0x3FFD];
	_ =	sdelay $0x3  }
0xe: {  	_ =	strace s3  }
0xf: {  	_ =	strace $0x8FFFFFFF  }
0x10: {  	s20 =	sld [smem:$0x3FDB];
	_ =	sdelay $0x1  }
0x11: {  	s4 =	simm.s32 $_scs_section_size  }
0x12: {  	s5 =	simm.s32 $_size__tile_overlayer_lowered;
	s6 =	simm.s32 $_tile_overlayer_lowered  }
0x13: {  	s23 =	simm.s32 $0x1BFF;
	s22 =	sshll.u32 s6, $0x1;
	s3 =	sadd.s32 s4, s20  }
0x14: {  	s7 =	simm.s32 $0x0;
	s21 =	sshll.u32 s5, $0x1;
	s5 =	sadd.s32 s22, s3  }
0x15: {  	[timem:s7], [sflag:s23] =	dma.local [hbm:s5], s21  }
0x16: {  	_ =	swait.ge [sflag:s23], s21  }
0x17: {  	s4 =	ssub.s32 $0x0, s21;
	[sflag:s23] =	ssyncset.done $0x0  }
0x18: {  	[sflag:s23] =	ssyncadd.s32 s4;
	_ =	sdelay $0x1  }
0x19: {  	s24 =	simm.s32 $0x1B8B  }
0x1a: {  	_ =	swait.ge [sflag:s24], $0x1  }
0x1b: {  	[sflag:s24] =	ssyncset.done $0x0  }
0x1c: {  	s26 =	simm.s32 $0x1B8E;
	s25 =	sld [smem:$0x3FFE];
	[sflag:s24] =	ssyncadd.s32 $0xFFFFFFFF  }
0x1d: {  	s27 =	simm.s32 $execute0_lowered;
	[smem:$0x3FD2] =	sst s26  }
0x1e: {  	s5 =	sshll.u32 s27, $0x1;
	_ =	strace $0x80000049;
	[dreg:$0x1] =	wrdreg $0xFFFFFFFF  }
0x1f: {  	s28 =	simm.s32 $_size_execute0_lowered;
	s3 =	sadd.s32 s3, s5;
	[dreg:$0x0] =	wrdreg $0x0  }
0x20: {  	s5 =	sshll.u32 s28, $0x1;
	[dreg:$0x2] =	wrdreg s3  }
0x21: {  	[dreg:$0x3] =	wrdreg s5  }
0x22: {  	[dreg:$0x4] =	wrdreg $0xC0  }
0x23: {  	_ =	task [dreg:s7], $0x5FFFF  }
0x24: {  	[dreg:$0x1] =	wrdreg $0xFFFFFFFF  }
0x25: {  	[dreg:$0x0] =	wrdreg $0x60  }
0x26: {  	[dreg:$0x2] =	wrdreg s25  }
0x27: {  	[dreg:$0x3] =	wrdreg s2  }
0x28: {  	[dreg:$0x4] =	wrdreg $0x9  }
0x29: {  	_ =	task.clear_ibuf [dreg:s7], $0x5FFFF;
	_ =	strace $0x90000049  }
0x2a: {  	s29 =	simm.s32 $0x9;
	_ =	strace $0x8000004B  }
0x2b: {  	_ =	swait.ge [sflag:s29], $0x1  }
0x2c: {  	[sflag:s29] =	ssyncadd.s32 $0xFFFFFFFF  }
0x2d: {  	_ =	strace $0x9000004B  }
0x2e: {  	_ =	sfence  }
0x2f: {  	s30 =	sld [smem:$0x0];
	_ =	sdelay $0x2  }
0x30: {  	s31 =	sshll.u32 s1, $0xD;
	s1 =	sshrl.u32 s1, $0x2  }
0x31: {  	s3 =	sand.u32 $0x4000, s31;
	s1 =	sadd.s32 s1, s30  }
0x32: {  	s0 =	sor.u32 s3, s0;
	s1 =	sshll.u32 s1, $0x11  }
0x33: {  	s0 =	sor.u32 s1, s0  }
0x34: {  	s0 =	sadd.s32 $0x8F2B, s0  }
0x35: {  	[sflag:s0] =	ssyncadd.remote.s32 $0x1  }
0x36: {  	_ =	sfence.sel $0xFFFF  }
0x37: {  	[dreg:$0x0] =	wrdreg $0xFFFFFFFF;
	(pc) =	sbr.abs _section_cstart, $3  }
0x38: {  	[dreg:$0x1] =	wrdreg $0xFFFFFFFF  }
0x39: {  	_ =	task.clear_ibuf [dreg:s7], $0x2FFFF;
	_ =	strace $0x9FFFFFFF  }
0x3a: {  	(tm) =	ssettm $0x7FFFFFFF  }
0x3b: {  	_ =	shalt  }
tec
execute0_lowered:
.L_overlay_start_1:
0x0: {  	(tag) =	ssettag $0x1  }
0x1: {  	s0 =	srdreg.scid  }
0x2: {  	s1 =	sshll.u32 s0, $0x4  }
0x3: {  	s0 =	stileid.u32;
	s1 =	sand.u32 $0x10, s1  }
0x4: {  	s1 =	sor.u32 s0, s1  }
0x5: {  	s6 =	rddreg [dreg:$0x0];
	s4 =	simm.s32 $0x1;
	s2 =	sshll.u32 s1, $0x7  }
0x6: {  	s7 =	simm.s32 $0x2;
	s12 =	simm.s32 $0x0;
	s1 =	ssub.s32 $0x4000, s2  }
0x7: {  	s8 =	simm.s32 $0x20000;
	s13 =	simm.s32 $0x0;
	s3 =	sand.u32 $0xF80, s1  }
0x8: {  	s9 =	simm.s32 $0x0;
	s5 =	sshrl.u32 s1, $0xC;
	p0 =	sne.s32 s3, $0x0  }
.Ltmp0:
0x9: {  	s1 =	rddreg [dreg:$0x2];
	s4 =	simm.s32 @!p0 $0x0;
	(pc) =	sbr.rel .LBB1_1-.Ltmp0, $4  }
0xa: {  	s11 =	simm.s32 $0x0;
	s3 =	rddreg [dreg:$0x1];
	s5 =	sadd.s32 s4, s5  }
0xb: {  	_ =	strace $0x8000004A;
	s4 =	simm.s32 $0x1;
	s5 =	smul.u32 $0x1A, s5  }
0xc: {  	s6 =	sadd.s32 $0xA00, s6;
	s10 =	smov.u32 s2;
	[sflag:s4] =	ssyncpa.u1 $0x0  }
0xd: {  	p0 =	por $0x0, $0x0;
	[sflag:s7] =	ssyncpa.u1 $0x0;
	s7 =	sor.u32 $0x1, s5  }
.LBB1_4:
0xe: {  	s16 =	sshll.u32 s13, $0x3;
	s17 =	sand.u32 $0x78, s13  }
0xf: {  	s30 =	sand.u32 $0xF800, s13;
	s12 =	sshll.u32 s12, $0x10;
	s16 =	sand.u32 $0x3C00, s16  }
0x10: {  	s31 =	sand.u32 $0x7, s13;
	s16 =	sor.u32 s17, s16;
	s17 =	sadd.s32 s3, s30  }
0x11: {  	s13 =	sshll.u32 s31, $0x12;
	s16 =	sshrl.u32 s16, $0x3;
	s12 =	sadd.s32 s12, s17  }
0x12: {  	[tilespmem:s15+$0x0 ss:$0x81] =	vst.msk $0xffff, v0;
	s13 =	sor.u32 $0x400, s13;
	s12 =	sadd.s32 s16, s12  }
0x13: {  	[hbm4b:s12+s13] =	stream.strided.scatter [tilespmem:s14], [sflag:$0x2], $0x1000, s8, s13, $0x20;
	[tilespmem:$0x4040] =	vst v63  }
.LBB1_5:
0x14: {  	s14 =	sadd.s32 $0x1, s9  }
0x15: {  	s12 =	sadd.s32 $0x1000, s10;
	s16 =	smov.u32 s10;
	p2 =	sgt.s32 s14, $0x19  }
0x16: {  	s16 =	smov.u32 @p2 s12  }
0x17: {  	s14 =	simm.s32 @p2 $0x0;
	p2 =	sgt.s32 s16, $0x3FFF  }
0x18: {  	s16 =	smov.u32 @p2 s2;
	p2 =	sne.s32 s11, s7  }
.Ltmp1:
0x19: {  	p1 =	slt.u32 s11, $0x2;
	(pc) =	sbr.rel @!p2 .LBB1_6-.Ltmp1, $4  }
0x1a: {  	s15 =	simm.s32 @!p1 $0x2  }
0x1b: {  	s13 =	smov.u32 s10;
	p0 =	por !p0, !p0;
	_ =	swait.ge @!p1 [sflag:s15], $0x1000  }
0x1c: {  	s12 =	smov.u32 s9;
	[sflag:s15] =	ssyncset.done @!p1 $0x0;
	s9 =	smov.u32 s14  }
0x1d: {  	s11 =	sadd.s32 $0x1, s11;
	[sflag:s15] =	ssyncadd.s32 @!p1 $0xFFFFF000;
	s10 =	smov.u32 s16  }
.LBB1_1:
0x1e: {  	p1 =	sge.u32 s11, s5  }
0x1f: {  	s31 =	sadd.s32 $0xFFFFFFFF, s11;
	s14 =	sxor.u32 @!p1 $0xFFFFFFFF, s11  }
0x20: {  	s15 =	sshll.u32 @!p1 s10, $0x9;
	s16 =	sshll.u32 @!p1 s9, $0x4;
	s17 =	simm.s32 @!p1 $0x1000  }
0x21: {  	s14 =	sshll.u32 @!p1 s14, $0xC;
	s16 =	sand.u32 @!p1 $0x1F0, s16;
	s15 =	sadd.s32 @!p1 s6, s15  }
0x22: {  	s14 =	sand.u32 @!p1 $0x1000, s14;
	s15 =	sadd.s32 @!p1 s16, s15;
	s16 =	simm.s32 @!p1 $0x20  }
0x23: {  	[tilespmem:s14], [sflag:$0x1] =	stream.strided.gather @!p1 [hbm4b:s15+s16], $0x1000, s17, s16, $0x38;
	[tilespmem:$0x4040] =	vst v63  }
0x24: {  	p1 =	sge.u32 s31, s5  }
.Ltmp2:
0x25: {  	_ = 	snop;
	(pc) =	sbr.rel @p1 .LBB1_5-.Ltmp2, $1  }
0x26: {  	_ =	sdelay $0x3  }
0x27: {  	s14 =	simm.s32 $0x1  }
0x28: {  	_ =	swait.ge [sflag:s4], $0x1000;
	s14 =	simm.s32 @!p0 $0x0  }
0x29: {  	[sflag:s4] =	ssyncset.done $0x0;
	s15 =	sshll.u32 s14, $0xC  }
0x2a: {  	[sflag:s4] =	ssyncadd.s32 $0xFFFFF000;
	s18 =	sor.u32 $0x10, s15  }
0x2b: {  	s14 =	smul.u32 $0x4080, s14;
	v1 =	vld [tilespmem:s18+$0x0]  }
0x2c: {  	s30 =	sand.u32 $0x1, s11;
	v0 =	vld [tilespmem:s18+$0xFFFFFFF0]  }
0x2d: {  	s15 =	smul.u32 $0x4080, s30;
	s14 =	sshrl.u32 s14, $0x2  }
0x2e: {  	s16 =	sor.u32 $0x2000, s14  }
0x2f: {  	s31 =	sshrl.u32 s15, $0x2;
	s15 =	sadd.s32 $0x0, s16  }
0x30: {  	s17 =	simm.s32 $0x4;
	s18 =	sadd.s32 $0x20, s18;
	s14 =	sor.u32 $0x2000, s31;
	[tilespmem:s15+$0x810 ss:$0x81] =	vst.msk $0xffff, v1  }
.LBB1_3:
0x31: {  	v1 =	vld [tilespmem:s18+$0x0];
	p1 =	sne.s32 s17, $0x1FC;
	[tilespmem:s15+$0x0 ss:$0x81] =	vst.msk $0xffff, v0;
	s15 =	smov.u32 s17;
	s17 =	sadd.s32 $0x4, s17  }
.Ltmp3:
0x32: {  	v0 =	vld [tilespmem:s18+$0xFFFFFFF0];
	(pc) =	sbr.rel @p1 .LBB1_3-.Ltmp3, $4  }
0x33: {  	_ = 	snop  }
0x34: {  	s15 =	sshra.s32 s15, $0x2  }
0x35: {  	s15 =	sadd.s32 s15, s16  }
0x36: {  	s18 =	sadd.s32 $0x20, s18;
	[tilespmem:s15+$0x810 ss:$0x81] =	vst.msk $0xffff, v1  }
.Ltmp4:
0x37: {  	_ = 	snop;
	(pc) =	sbr.rel .LBB1_4-.Ltmp4, $1  }
0x38: {  	_ =	sdelay $0x3  }
.LBB1_6:
0x39: {  	_ =	sfence.sel $0x180000  }
0x3a: {  	s2 =	simm.s32 $0x1;
	[bflag:$0x0] =	sbarrier.arrive $0xFFFF  }
0x3b: {  	s31 =	simm.s32 $0x2;
	[sflag:s2] =	ssyncpa.u1 $0x1  }
0x3c: {  	[sflag:s31] =	ssyncpa.u1 $0x1  }
0x3d: {  	p0 =	sne.s32 s0, $0x0;
	_ =	strace $0x9000004A  }
0x3e: {  	s0 =	sadd.s32 @!p0 $0x100000, s1;
	[bflag:$0x2] =	sbarrier.arrive $0xFFFF  }
0x3f: {  	[sflag:s0] =	ssyncadd.tile.s32 @!p0 $0x1;
	_ =	shalt  }
.Lfunc_end1:
_tile_overlayer_lowered:
.L_overlay_start_2:
0x40: {  	(tag) =	ssettag $0x2  }
0x41: {  	s0 =	rddreg [dreg:$0x0];
	s2 =	stileid.u32  }
0x42: {  	s1 =	rddreg [dreg:$0x1];
	p0 =	sne.s32 s2, $0x0  }
0x43: {  	s3 =	rddreg [dreg:$0x2];
	[bflag:$0x3] =	sbarrier.arrive $0xFFFF;
	s2 =	simm.s32 @!p0 $0x1C01  }
0x44: {  	[timem:s3], [sflag:s2] =	dma.local @!p0 [hbm:s0], s1  }
0x45: {  	s0 =	simm.s32 @!p0 $0x1  }
0x46: {  	_ =	swait.ge @!p0 [sflag:s0], s1  }
0x47: {  	s1 =	ssub.s32 @!p0 $0x0, s1;
	[sflag:s0] =	ssyncset.done @!p0 $0x0  }
0x48: {  	[sflag:s0] =	ssyncadd.s32 @!p0 s1  }
0x49: {  	[bflag:$0x3] =	sbarrier.arrive $0xFFFF  }
0x4a: {  	_ =	shalt  }

</sc_bundles>
